<compile_context>
chip_gen: v7x
topology: tpu7x:2x2x1
jax: 0.10.2.dev20260603
libtpu: 0.0.44.dev20260713+nightly
codegen_flags: <defaults>
</compile_context>

<pallas_src>
import functools

import jax
import jax.numpy as jnp
from jax import lax
from jax.experimental import pallas as pl
from jax.experimental.pallas import tpu as pltpu
from jax.experimental.pallas import tpu_sc as plsc

_F = 26
_V = 100000
_D = 16
_B = 4096
_T = 20

_NC = 2
_NS = 16
_NW = _NC * _NS
_BW = _B // _NW
_LPS = _BW * _T
_NJ = _LPS // 128


def _sc_body(idx2_hbm, val_hbm, emb_hbm, wide_hbm, oemb_hbm,
             owide_hbm, idx2_v, val_v, rows_v, w_v, oemb_v, owide_v,
             sem_e, sem_w):
    wid = lax.axis_index("s") * _NC + lax.axis_index("c")
    b0 = wid * _BW

    def step(f, carry):
        i0 = (f * _B + b0) * _T

        pltpu.sync_copy(idx2_hbm.at[pl.ds(i0, _LPS)], idx2_v)
        pltpu.sync_copy(val_hbm.at[pl.ds(i0, _LPS)], val_v)

        emb_f = emb_hbm.at[f]
        wide_f = wide_hbm.at[f]
        cps = []
        for j in range(_NJ):
            cps.append(pltpu.async_copy(
                emb_f.at[idx2_v.at[pl.ds(j * 128, 128)]],
                rows_v.at[pl.ds(j * 128, 128)], sem_e))
            cps.append(pltpu.async_copy(
                wide_f.at[idx2_v.at[pl.ds(j * 128, 128)]],
                w_v.at[pl.ds(j * 128, 128)], sem_w))
        for c in cps:
            c.wait()

        def grp(gi, c2):
            for k in range(2):
                g = gi * 2 + k
                b = g * _T
                lo = val_v[pl.ds(b, 16)]
                hi = val_v[pl.ds(b + 4, 16)]
                acc = [rows_v[t * 128 + g, :] * lo[t] for t in range(4)]
                for t in range(4, 16):
                    acc[t % 4] = acc[t % 4] + rows_v[t * 128 + g, :] * lo[t]
                for t in range(16, _T):
                    acc[t % 4] = acc[t % 4] + rows_v[t * 128 + g, :] * hi[t - 4]
                oemb_v[g, :] = (acc[0] + acc[1]) + (acc[2] + acc[3])
            return c2

        lax.fori_loop(0, _BW // 2, grp, 0)

        def wgrp(gb, c2):
            o = gb * 16
            acc = w_v[pl.ds(o, 16)]
            for t in range(1, _T):
                acc = acc + w_v[pl.ds(t * 128 + o, 16)]
            owide_v[pl.ds(o, 16)] = acc
            return c2

        lax.fori_loop(0, _BW // 16, wgrp, 0)

        pltpu.sync_copy(oemb_v, oemb_hbm.at[pl.ds(f * _B + b0, _BW), :])
        pltpu.sync_copy(owide_v, owide_hbm.at[pl.ds(f * _B + b0, _BW)])
        return carry

    lax.fori_loop(0, _F, step, 0)


_sc_pool = functools.partial(
    pl.kernel,
    out_type=[jax.ShapeDtypeStruct((_F * _B, _D), jnp.float32),
              jax.ShapeDtypeStruct((_F * _B,), jnp.float32)],
    mesh=plsc.VectorSubcoreMesh(core_axis_name="c", subcore_axis_name="s"),
    compiler_params=pltpu.CompilerParams(use_tc_tiling_on_sc=False),
    scratch_types=[
        pltpu.VMEM((_LPS,), jnp.int32),
        pltpu.VMEM((_LPS,), jnp.float32),
        pltpu.VMEM((_LPS, _D), jnp.float32),
        pltpu.VMEM((_LPS,), jnp.float32),
        pltpu.VMEM((_BW, _D), jnp.float32),
        pltpu.VMEM((_BW,), jnp.float32),
        pltpu.SemaphoreType.DMA,
        pltpu.SemaphoreType.DMA,
    ],
)(_sc_body)


def kernel(feat_0_index, feat_0_value, feat_1_index, feat_1_value, feat_2_index, feat_2_value, feat_3_index, feat_3_value, feat_4_index, feat_4_value, feat_5_index, feat_5_value, feat_6_index, feat_6_value, feat_7_index, feat_7_value, feat_8_index, feat_8_value, feat_9_index, feat_9_value, feat_10_index, feat_10_value, feat_11_index, feat_11_value, feat_12_index, feat_12_value, feat_13_index, feat_13_value, feat_14_index, feat_14_value, feat_15_index, feat_15_value, feat_16_index, feat_16_value, feat_17_index, feat_17_value, feat_18_index, feat_18_value, feat_19_index, feat_19_value, feat_20_index, feat_20_value, feat_21_index, feat_21_value, feat_22_index, feat_22_value, feat_23_index, feat_23_value, feat_24_index, feat_24_value, feat_25_index, feat_25_value, emb_tables, wide_tables):
    feats = list(locals().values())
    idxs = [feats[2 * i] for i in range(_F)]
    vals = [feats[2 * i + 1] for i in range(_F)]

    idx = jnp.stack([a.reshape(_B * _T) for a in idxs]).reshape(-1)
    val = jnp.stack([a.reshape(_B * _T) for a in vals]).reshape(-1)
    idx2 = (idx.reshape(_F, _B // _BW, _BW, _T)
            .transpose(0, 1, 3, 2).reshape(-1))

    oemb, owide = _sc_pool(idx2, val, emb_tables, wide_tables)
    emb_tensor = oemb.reshape(_F, _B, _D).transpose(1, 0, 2)
    wide_tensor = owide.reshape(_F, _B).T
    return (wide_tensor, emb_tensor)

# --- scband reference (transcript-rebuilt; emitter-appended) ---
"""Pipeline reference for scband-input-to-wide-emb-33809982554334 (READ-ONLY COPY).

The authoritative reference and input builder live on the scoring server;
editing this copy changes nothing except your own understanding.
"""

import jax, jax.numpy as jnp
import numpy as np

F = 26
V = 100000
D = 16
B = 4096
T = 20

def setup_inputs(seed: int = 0):
    key = jax.random.key(seed)
    inp = {}
    for i in range(F):
        inp["feat_%d_index" % i] = jax.random.randint(jax.random.fold_in(key, 2 * i), (B, T), 0, V, dtype=jnp.int32)
        inp["feat_%d_value" % i] = jax.random.uniform(jax.random.fold_in(key, 2 * i + 1), (B, T), dtype=jnp.float32)
    inp["emb_tables"] = jax.random.normal(jax.random.fold_in(key, 1000), (F, V, D), dtype=jnp.float32) * 0.05
    inp["wide_tables"] = jax.random.normal(jax.random.fold_in(key, 1001), (F, V), dtype=jnp.float32) * 0.05
    return inp

def reference(
    feat_0_index, feat_0_value,
    feat_1_index, feat_1_value,
    feat_2_index, feat_2_value,
    feat_3_index, feat_3_value,
    feat_4_index, feat_4_value,
    feat_5_index, feat_5_value,
    feat_6_index, feat_6_value,
    feat_7_index, feat_7_value,
    feat_8_index, feat_8_value,
    feat_9_index, feat_9_value,
    feat_10_index, feat_10_value,
    feat_11_index, feat_11_value,
    feat_12_index, feat_12_value,
    feat_13_index, feat_13_value,
    feat_14_index, feat_14_value,
    feat_15_index, feat_15_value,
    feat_16_index, feat_16_value,
    feat_17_index, feat_17_value,
    feat_18_index, feat_18_value,
    feat_19_index, feat_19_value,
    feat_20_index, feat_20_value,
    feat_21_index, feat_21_value,
    feat_22_index, feat_22_value,
    feat_23_index, feat_23_value,
    feat_24_index, feat_24_value,
    feat_25_index, feat_25_value,
    emb_tables, wide_tables,
):
    inputs = dict(locals())
    emb_tables = inputs["emb_tables"]
    wide_tables = inputs["wide_tables"]
    deeps = []
    wides = []
    for i in range(F):
        # Hashing layer -> modulo bucket size (faithful bucketed-index semantics)
        idx = jnp.mod(inputs["feat_%d_index" % i], V)
        deep = jnp.take(emb_tables[i], idx, axis=0)   # (B, T, D) gather
        wide = jnp.take(wide_tables[i], idx, axis=0)  # (B, T) gather
        val = inputs["feat_%d_value" % i]
        # WeightTagPoolingInput: weighted-sum pooling over tags for deep, sum for wide
        deeps.append(jnp.sum(deep * val[:, :, None], axis=1))
        wides.append(jnp.sum(wide, axis=1))
    emb_tensor = jnp.stack(deeps, axis=1)    # (B, F, D)
    wide_tensor = jnp.stack(wides, axis=1)   # (B, F)
    return (wide_tensor, emb_tensor)

if __name__ == "__main__":
    import jax
    _d = setup_inputs()
    print(jax.jit(kernel)(*tuple(_d.values())))

</pallas_src>

<mosaic_0001>
#map = affine_map<(d0, d1) -> (0)>
#map1 = affine_map<(d0, d1) -> (0, 0, 0)>
#map2 = affine_map<(d0, d1) -> (0, 0)>
module attributes {stable_mosaic.version = 14 : i64} {
  func.func @_sc_body(%arg0: i32, %arg1: i32, %arg2: memref<2129920xi32, #tpu.memory_space<hbm>>, %arg3: memref<2129920xf32, #tpu.memory_space<hbm>>, %arg4: memref<26x100000x16xf32, #tpu.memory_space<hbm>>, %arg5: memref<26x100000xf32, #tpu.memory_space<hbm>>, %arg6: memref<106496x16xf32, #tpu.memory_space<hbm>>, %arg7: memref<106496xf32, #tpu.memory_space<hbm>>, %arg8: memref<2560xi32, #tpu.memory_space<vmem>>, %arg9: memref<2560xf32, #tpu.memory_space<vmem>>, %arg10: memref<2560x16xf32, #tpu.memory_space<vmem>>, %arg11: memref<2560xf32, #tpu.memory_space<vmem>>, %arg12: memref<128x16xf32, #tpu.memory_space<vmem>>, %arg13: memref<128xf32, #tpu.memory_space<vmem>>, %arg14: memref<!tpu.dma_semaphore, #tpu.memory_space<semaphore_mem>>, %arg15: memref<!tpu.dma_semaphore, #tpu.memory_space<semaphore_mem>>) attributes {dimension_semantics = [#tpu.dimension_semantics<core_parallel>, #tpu.dimension_semantics<subcore_parallel>], iteration_bounds = array<i64: 2, 16>, scalar_prefetch = 0 : i64, scratch_operands = 8 : i64, tpu.core_type = #tpu.core_type<sc_vector_subcore>, window_params = [{transform_indices = #map}, {transform_indices = #map}, {transform_indices = #map1}, {transform_indices = #map2}, {transform_indices = #map2}, {transform_indices = #map}]} {
    %mul3A = arith.constant 2 : i32
    %mul3A_0 = arith.muli %arg1, %mul3A : i32
    %add3A = arith.addi %mul3A_0, %arg0 : i32
    %mul3A_1 = arith.constant 128 : i32
    %mul3A_2 = arith.muli %add3A, %mul3A_1 : i32
    %scan3A = arith.constant 0 : i32
    %scan3A_3 = arith.constant 0 : i32
    %scan3A_4 = arith.constant 26 : i32
    %scan3A_5 = arith.addi %scan3A_3, %scan3A_4 : i32
    %scan3A_6 = arith.constant 1 : i32
    scf.for %scan3A_8 = %scan3A_3 to %scan3A_5 step %scan3A_6  : i32 {
      %mul3A_9 = arith.constant 4096 : i32
      %mul3A_10 = arith.muli %scan3A_8, %mul3A_9 : i32
      %add3A_11 = arith.addi %mul3A_10, %mul3A_2 : i32
      %mul3A_12 = arith.constant 20 : i32
      %mul3A_13 = arith.muli %add3A_11, %mul3A_12 : i32
      "tpu.region"() ({
        %run_scoped3A = tpu.sem_alloc : memref<!tpu.dma_semaphore, #tpu.memory_space<semaphore_mem>>
        %dma_start3A_870 = tpu.memref_slice %arg2[%mul3A_13] : memref<2129920xi32, #tpu.memory_space<hbm>> -> memref<2560xi32, #tpu.memory_space<hbm>>
        %dma_start3A_871 = tpu.memref_slice %arg2[%mul3A_13] : memref<2129920xi32, #tpu.memory_space<hbm>> -> memref<2560xi32, #tpu.memory_space<hbm>>
        tpu.enqueue_dma source(%dma_start3A_871 : memref<2560xi32, #tpu.memory_space<hbm>>) target(%arg8 : memref<2560xi32, #tpu.memory_space<vmem>>) target_semaphore(%run_scoped3A : memref<!tpu.dma_semaphore, #tpu.memory_space<semaphore_mem>>)
        %dma_wait3A_872 = tpu.memref_slice %arg2[%mul3A_13] : memref<2129920xi32, #tpu.memory_space<hbm>> -> memref<2560xi32, #tpu.memory_space<hbm>>
        %dma_wait3A_873 = tpu.memref_slice %arg2[%mul3A_13] : memref<2129920xi32, #tpu.memory_space<hbm>> -> memref<2560xi32, #tpu.memory_space<hbm>>
        tpu.wait_dma2 semaphore(%run_scoped3A : memref<!tpu.dma_semaphore, #tpu.memory_space<semaphore_mem>>) src(%dma_wait3A_873 : memref<2560xi32, #tpu.memory_space<hbm>>) dst(%arg8 : memref<2560xi32, #tpu.memory_space<vmem>>)
        tpu.yield
      }) : () -> ()
      "tpu.region"() ({
        %run_scoped3A = tpu.sem_alloc : memref<!tpu.dma_semaphore, #tpu.memory_space<semaphore_mem>>
        %dma_start3A_870 = tpu.memref_slice %arg3[%mul3A_13] : memref<2129920xf32, #tpu.memory_space<hbm>> -> memref<2560xf32, #tpu.memory_space<hbm>>
        %dma_start3A_871 = tpu.memref_slice %arg3[%mul3A_13] : memref<2129920xf32, #tpu.memory_space<hbm>> -> memref<2560xf32, #tpu.memory_space<hbm>>
        tpu.enqueue_dma source(%dma_start3A_871 : memref<2560xf32, #tpu.memory_space<hbm>>) target(%arg9 : memref<2560xf32, #tpu.memory_space<vmem>>) target_semaphore(%run_scoped3A : memref<!tpu.dma_semaphore, #tpu.memory_space<semaphore_mem>>)
        %dma_wait3A_872 = tpu.memref_slice %arg3[%mul3A_13] : memref<2129920xf32, #tpu.memory_space<hbm>> -> memref<2560xf32, #tpu.memory_space<hbm>>
        %dma_wait3A_873 = tpu.memref_slice %arg3[%mul3A_13] : memref<2129920xf32, #tpu.memory_space<hbm>> -> memref<2560xf32, #tpu.memory_space<hbm>>
        tpu.wait_dma2 semaphore(%run_scoped3A : memref<!tpu.dma_semaphore, #tpu.memory_space<semaphore_mem>>) src(%dma_wait3A_873 : memref<2560xf32, #tpu.memory_space<hbm>>) dst(%arg9 : memref<2560xf32, #tpu.memory_space<vmem>>)
        tpu.yield
      }) : () -> ()
      %dma_start3A = arith.constant 0 : i32
      %dma_start3A_14 = arith.constant 0 : i32
      %dma_start3A_15 = tpu.memref_slice %arg10[%dma_start3A, %dma_start3A_14] : memref<2560x16xf32, #tpu.memory_space<vmem>> -> memref<128x16xf32, #tpu.memory_space<vmem>>
      %dma_start3A_16 = arith.constant 0 : i32
      %dma_start3A_17 = tpu.memref_slice %arg8[%dma_start3A_16] : memref<2560xi32, #tpu.memory_space<vmem>> -> memref<128xi32, #tpu.memory_space<vmem>>
      %dma_start3A_18 = arith.constant 0 : i32
      %dma_start3A_19 = arith.constant 0 : i32
      %dma_start3A_20 = tpu.memref_slice %arg4[%scan3A_8, %dma_start3A_18, %dma_start3A_19] : memref<26x100000x16xf32, #tpu.memory_space<hbm>> -> memref<1x100000x16xf32, #tpu.memory_space<hbm>>
      %dma_start3A_21 = tpu.memref_squeeze %dma_start3A_20 : memref<1x100000x16xf32, #tpu.memory_space<hbm>> -> memref<100000x16xf32, #tpu.memory_space<hbm>>
      %dma_start3A_22 = arith.constant 0 : i32
      %dma_start3A_23 = arith.constant 0 : i32
      %dma_start3A_24 = tpu.memref_slice %dma_start3A_21[%dma_start3A_22, %dma_start3A_23] : memref<100000x16xf32, #tpu.memory_space<hbm>> -> memref<100000x16xf32, #tpu.memory_space<hbm>>
      tpu.enqueue_indirect_dma source(%dma_start3A_24 : memref<100000x16xf32, #tpu.memory_space<hbm>>) target(%dma_start3A_15 : memref<128x16xf32, #tpu.memory_space<vmem>>) offsets(%dma_start3A_17 : memref<128xi32, #tpu.memory_space<vmem>>) semaphore(%arg14 : memref<!tpu.dma_semaphore, #tpu.memory_space<semaphore_mem>>)
      %dma_start3A_25 = arith.constant 0 : i32
      %dma_start3A_26 = tpu.memref_slice %arg11[%dma_start3A_25] : memref<2560xf32, #tpu.memory_space<vmem>> -> memref<128xf32, #tpu.memory_space<vmem>>
      %dma_start3A_27 = arith.constant 0 : i32
      %dma_start3A_28 = tpu.memref_slice %arg8[%dma_start3A_27] : memref<2560xi32, #tpu.memory_space<vmem>> -> memref<128xi32, #tpu.memory_space<vmem>>
      %dma_start3A_29 = arith.constant 0 : i32
      %dma_start3A_30 = tpu.memref_slice %arg5[%scan3A_8, %dma_start3A_29] : memref<26x100000xf32, #tpu.memory_space<hbm>> -> memref<1x100000xf32, #tpu.memory_space<hbm>>
      %dma_start3A_31 = tpu.memref_squeeze %dma_start3A_30 : memref<1x100000xf32, #tpu.memory_space<hbm>> -> memref<100000xf32, #tpu.memory_space<hbm>>
      %dma_start3A_32 = arith.constant 0 : i32
      %dma_start3A_33 = tpu.memref_slice %dma_start3A_31[%dma_start3A_32] : memref<100000xf32, #tpu.memory_space<hbm>> -> memref<100000xf32, #tpu.memory_space<hbm>>
      tpu.enqueue_indirect_dma source(%dma_start3A_33 : memref<100000xf32, #tpu.memory_space<hbm>>) target(%dma_start3A_26 : memref<128xf32, #tpu.memory_space<vmem>>) offsets(%dma_start3A_28 : memref<128xi32, #tpu.memory_space<vmem>>) semaphore(%arg15 : memref<!tpu.dma_semaphore, #tpu.memory_space<semaphore_mem>>)
      %dma_start3A_34 = arith.constant 128 : i32
      %dma_start3A_35 = arith.constant 0 : i32
      %dma_start3A_36 = tpu.memref_slice %arg10[%dma_start3A_34, %dma_start3A_35] : memref<2560x16xf32, #tpu.memory_space<vmem>> -> memref<128x16xf32, #tpu.memory_space<vmem>>
      %dma_start3A_37 = arith.constant 128 : i32
      %dma_start3A_38 = tpu.memref_slice %arg8[%dma_start3A_37] : memref<2560xi32, #tpu.memory_space<vmem>> -> memref<128xi32, #tpu.memory_space<vmem>>
      %dma_start3A_39 = arith.constant 0 : i32
      %dma_start3A_40 = arith.constant 0 : i32
      %dma_start3A_41 = tpu.memref_slice %arg4[%scan3A_8, %dma_start3A_39, %dma_start3A_40] : memref<26x100000x16xf32, #tpu.memory_space<hbm>> -> memref<1x100000x16xf32, #tpu.memory_space<hbm>>
      %dma_start3A_42 = tpu.memref_squeeze %dma_start3A_41 : memref<1x100000x16xf32, #tpu.memory_space<hbm>> -> memref<100000x16xf32, #tpu.memory_space<hbm>>
      %dma_start3A_43 = arith.constant 0 : i32
      %dma_start3A_44 = arith.constant 0 : i32
      %dma_start3A_45 = tpu.memref_slice %dma_start3A_42[%dma_start3A_43, %dma_start3A_44] : memref<100000x16xf32, #tpu.memory_space<hbm>> -> memref<100000x16xf32, #tpu.memory_space<hbm>>
      tpu.enqueue_indirect_dma source(%dma_start3A_45 : memref<100000x16xf32, #tpu.memory_space<hbm>>) target(%dma_start3A_36 : memref<128x16xf32, #tpu.memory_space<vmem>>) offsets(%dma_start3A_38 : memref<128xi32, #tpu.memory_space<vmem>>) semaphore(%arg14 : memref<!tpu.dma_semaphore, #tpu.memory_space<semaphore_mem>>)
      %dma_start3A_46 = arith.constant 128 : i32
      %dma_start3A_47 = tpu.memref_slice %arg11[%dma_start3A_46] : memref<2560xf32, #tpu.memory_space<vmem>> -> memref<128xf32, #tpu.memory_space<vmem>>
      %dma_start3A_48 = arith.constant 128 : i32
      %dma_start3A_49 = tpu.memref_slice %arg8[%dma_start3A_48] : memref<2560xi32, #tpu.memory_space<vmem>> -> memref<128xi32, #tpu.memory_space<vmem>>
      %dma_start3A_50 = arith.constant 0 : i32
      %dma_start3A_51 = tpu.memref_slice %arg5[%scan3A_8, %dma_start3A_50] : memref<26x100000xf32, #tpu.memory_space<hbm>> -> memref<1x100000xf32, #tpu.memory_space<hbm>>
      %dma_start3A_52 = tpu.memref_squeeze %dma_start3A_51 : memref<1x100000xf32, #tpu.memory_space<hbm>> -> memref<100000xf32, #tpu.memory_space<hbm>>
      %dma_start3A_53 = arith.constant 0 : i32
      %dma_start3A_54 = tpu.memref_slice %dma_start3A_52[%dma_start3A_53] : memref<100000xf32, #tpu.memory_space<hbm>> -> memref<100000xf32, #tpu.memory_space<hbm>>
      tpu.enqueue_indirect_dma source(%dma_start3A_54 : memref<100000xf32, #tpu.memory_space<hbm>>) target(%dma_start3A_47 : memref<128xf32, #tpu.memory_space<vmem>>) offsets(%dma_start3A_49 : memref<128xi32, #tpu.memory_space<vmem>>) semaphore(%arg15 : memref<!tpu.dma_semaphore, #tpu.memory_space<semaphore_mem>>)
      %dma_start3A_55 = arith.constant 256 : i32
      %dma_start3A_56 = arith.constant 0 : i32
      %dma_start3A_57 = tpu.memref_slice %arg10[%dma_start3A_55, %dma_start3A_56] : memref<2560x16xf32, #tpu.memory_space<vmem>> -> memref<128x16xf32, #tpu.memory_space<vmem>>
      %dma_start3A_58 = arith.constant 256 : i32
      %dma_start3A_59 = tpu.memref_slice %arg8[%dma_start3A_58] : memref<2560xi32, #tpu.memory_space<vmem>> -> memref<128xi32, #tpu.memory_space<vmem>>
      %dma_start3A_60 = arith.constant 0 : i32
      %dma_start3A_61 = arith.constant 0 : i32
      %dma_start3A_62 = tpu.memref_slice %arg4[%scan3A_8, %dma_start3A_60, %dma_start3A_61] : memref<26x100000x16xf32, #tpu.memory_space<hbm>> -> memref<1x100000x16xf32, #tpu.memory_space<hbm>>
      %dma_start3A_63 = tpu.memref_squeeze %dma_start3A_62 : memref<1x100000x16xf32, #tpu.memory_space<hbm>> -> memref<100000x16xf32, #tpu.memory_space<hbm>>
      %dma_start3A_64 = arith.constant 0 : i32
      %dma_start3A_65 = arith.constant 0 : i32
      %dma_start3A_66 = tpu.memref_slice %dma_start3A_63[%dma_start3A_64, %dma_start3A_65] : memref<100000x16xf32, #tpu.memory_space<hbm>> -> memref<100000x16xf32, #tpu.memory_space<hbm>>
      tpu.enqueue_indirect_dma source(%dma_start3A_66 : memref<100000x16xf32, #tpu.memory_space<hbm>>) target(%dma_start3A_57 : memref<128x16xf32, #tpu.memory_space<vmem>>) offsets(%dma_start3A_59 : memref<128xi32, #tpu.memory_space<vmem>>) semaphore(%arg14 : memref<!tpu.dma_semaphore, #tpu.memory_space<semaphore_mem>>)
      %dma_start3A_67 = arith.constant 256 : i32
      %dma_start3A_68 = tpu.memref_slice %arg11[%dma_start3A_67] : memref<2560xf32, #tpu.memory_space<vmem>> -> memref<128xf32, #tpu.memory_space<vmem>>
      %dma_start3A_69 = arith.constant 256 : i32
      %dma_start3A_70 = tpu.memref_slice %arg8[%dma_start3A_69] : memref<2560xi32, #tpu.memory_space<vmem>> -> memref<128xi32, #tpu.memory_space<vmem>>
      %dma_start3A_71 = arith.constant 0 : i32
      %dma_start3A_72 = tpu.memref_slice %arg5[%scan3A_8, %dma_start3A_71] : memref<26x100000xf32, #tpu.memory_space<hbm>> -> memref<1x100000xf32, #tpu.memory_space<hbm>>
      %dma_start3A_73 = tpu.memref_squeeze %dma_start3A_72 : memref<1x100000xf32, #tpu.memory_space<hbm>> -> memref<100000xf32, #tpu.memory_space<hbm>>
      %dma_start3A_74 = arith.constant 0 : i32
      %dma_start3A_75 = tpu.memref_slice %dma_start3A_73[%dma_start3A_74] : memref<100000xf32, #tpu.memory_space<hbm>> -> memref<100000xf32, #tpu.memory_space<hbm>>
      tpu.enqueue_indirect_dma source(%dma_start3A_75 : memref<100000xf32, #tpu.memory_space<hbm>>) target(%dma_start3A_68 : memref<128xf32, #tpu.memory_space<vmem>>) offsets(%dma_start3A_70 : memref<128xi32, #tpu.memory_space<vmem>>) semaphore(%arg15 : memref<!tpu.dma_semaphore, #tpu.memory_space<semaphore_mem>>)
      %dma_start3A_76 = arith.constant 384 : i32
      %dma_start3A_77 = arith.constant 0 : i32
      %dma_start3A_78 = tpu.memref_slice %arg10[%dma_start3A_76, %dma_start3A_77] : memref<2560x16xf32, #tpu.memory_space<vmem>> -> memref<128x16xf32, #tpu.memory_space<vmem>>
      %dma_start3A_79 = arith.constant 384 : i32
      %dma_start3A_80 = tpu.memref_slice %arg8[%dma_start3A_79] : memref<2560xi32, #tpu.memory_space<vmem>> -> memref<128xi32, #tpu.memory_space<vmem>>
      %dma_start3A_81 = arith.constant 0 : i32
      %dma_start3A_82 = arith.constant 0 : i32
      %dma_start3A_83 = tpu.memref_slice %arg4[%scan3A_8, %dma_start3A_81, %dma_start3A_82] : memref<26x100000x16xf32, #tpu.memory_space<hbm>> -> memref<1x100000x16xf32, #tpu.memory_space<hbm>>
      %dma_start3A_84 = tpu.memref_squeeze %dma_start3A_83 : memref<1x100000x16xf32, #tpu.memory_space<hbm>> -> memref<100000x16xf32, #tpu.memory_space<hbm>>
      %dma_start3A_85 = arith.constant 0 : i32
      %dma_start3A_86 = arith.constant 0 : i32
      %dma_start3A_87 = tpu.memref_slice %dma_start3A_84[%dma_start3A_85, %dma_start3A_86] : memref<100000x16xf32, #tpu.memory_space<hbm>> -> memref<100000x16xf32, #tpu.memory_space<hbm>>
      tpu.enqueue_indirect_dma source(%dma_start3A_87 : memref<100000x16xf32, #tpu.memory_space<hbm>>) target(%dma_start3A_78 : memref<128x16xf32, #tpu.memory_space<vmem>>) offsets(%dma_start3A_80 : memref<128xi32, #tpu.memory_space<vmem>>) semaphore(%arg14 : memref<!tpu.dma_semaphore, #tpu.memory_space<semaphore_mem>>)
      %dma_start3A_88 = arith.constant 384 : i32
      %dma_start3A_89 = tpu.memref_slice %arg11[%dma_start3A_88] : memref<2560xf32, #tpu.memory_space<vmem>> -> memref<128xf32, #tpu.memory_space<vmem>>
      %dma_start3A_90 = arith.constant 384 : i32
      %dma_start3A_91 = tpu.memref_slice %arg8[%dma_start3A_90] : memref<2560xi32, #tpu.memory_space<vmem>> -> memref<128xi32, #tpu.memory_space<vmem>>
      %dma_start3A_92 = arith.constant 0 : i32
      %dma_start3A_93 = tpu.memref_slice %arg5[%scan3A_8, %dma_start3A_92] : memref<26x100000xf32, #tpu.memory_space<hbm>> -> memref<1x100000xf32, #tpu.memory_space<hbm>>
      %dma_start3A_94 = tpu.memref_squeeze %dma_start3A_93 : memref<1x100000xf32, #tpu.memory_space<hbm>> -> memref<100000xf32, #tpu.memory_space<hbm>>
      %dma_start3A_95 = arith.constant 0 : i32
      %dma_start3A_96 = tpu.memref_slice %dma_start3A_94[%dma_start3A_95] : memref<100000xf32, #tpu.memory_space<hbm>> -> memref<100000xf32, #tpu.memory_space<hbm>>
      tpu.enqueue_indirect_dma source(%dma_start3A_96 : memref<100000xf32, #tpu.memory_space<hbm>>) target(%dma_start3A_89 : memref<128xf32, #tpu.memory_space<vmem>>) offsets(%dma_start3A_91 : memref<128xi32, #tpu.memory_space<vmem>>) semaphore(%arg15 : memref<!tpu.dma_semaphore, #tpu.memory_space<semaphore_mem>>)
      %dma_start3A_97 = arith.constant 512 : i32
      %dma_start3A_98 = arith.constant 0 : i32
      %dma_start3A_99 = tpu.memref_slice %arg10[%dma_start3A_97, %dma_start3A_98] : memref<2560x16xf32, #tpu.memory_space<vmem>> -> memref<128x16xf32, #tpu.memory_space<vmem>>
      %dma_start3A_100 = arith.constant 512 : i32
      %dma_start3A_101 = tpu.memref_slice %arg8[%dma_start3A_100] : memref<2560xi32, #tpu.memory_space<vmem>> -> memref<128xi32, #tpu.memory_space<vmem>>
      %dma_start3A_102 = arith.constant 0 : i32
      %dma_start3A_103 = arith.constant 0 : i32
      %dma_start3A_104 = tpu.memref_slice %arg4[%scan3A_8, %dma_start3A_102, %dma_start3A_103] : memref<26x100000x16xf32, #tpu.memory_space<hbm>> -> memref<1x100000x16xf32, #tpu.memory_space<hbm>>
      %dma_start3A_105 = tpu.memref_squeeze %dma_start3A_104 : memref<1x100000x16xf32, #tpu.memory_space<hbm>> -> memref<100000x16xf32, #tpu.memory_space<hbm>>
      %dma_start3A_106 = arith.constant 0 : i32
      %dma_start3A_107 = arith.constant 0 : i32
      %dma_start3A_108 = tpu.memref_slice %dma_start3A_105[%dma_start3A_106, %dma_start3A_107] : memref<100000x16xf32, #tpu.memory_space<hbm>> -> memref<100000x16xf32, #tpu.memory_space<hbm>>
      tpu.enqueue_indirect_dma source(%dma_start3A_108 : memref<100000x16xf32, #tpu.memory_space<hbm>>) target(%dma_start3A_99 : memref<128x16xf32, #tpu.memory_space<vmem>>) offsets(%dma_start3A_101 : memref<128xi32, #tpu.memory_space<vmem>>) semaphore(%arg14 : memref<!tpu.dma_semaphore, #tpu.memory_space<semaphore_mem>>)
      %dma_start3A_109 = arith.constant 512 : i32
      %dma_start3A_110 = tpu.memref_slice %arg11[%dma_start3A_109] : memref<2560xf32, #tpu.memory_space<vmem>> -> memref<128xf32, #tpu.memory_space<vmem>>
      %dma_start3A_111 = arith.constant 512 : i32
      %dma_start3A_112 = tpu.memref_slice %arg8[%dma_start3A_111] : memref<2560xi32, #tpu.memory_space<vmem>> -> memref<128xi32, #tpu.memory_space<vmem>>
      %dma_start3A_113 = arith.constant 0 : i32
      %dma_start3A_114 = tpu.memref_slice %arg5[%scan3A_8, %dma_start3A_113] : memref<26x100000xf32, #tpu.memory_space<hbm>> -> memref<1x100000xf32, #tpu.memory_space<hbm>>
      %dma_start3A_115 = tpu.memref_squeeze %dma_start3A_114 : memref<1x100000xf32, #tpu.memory_space<hbm>> -> memref<100000xf32, #tpu.memory_space<hbm>>
      %dma_start3A_116 = arith.constant 0 : i32
      %dma_start3A_117 = tpu.memref_slice %dma_start3A_115[%dma_start3A_116] : memref<100000xf32, #tpu.memory_space<hbm>> -> memref<100000xf32, #tpu.memory_space<hbm>>
      tpu.enqueue_indirect_dma source(%dma_start3A_117 : memref<100000xf32, #tpu.memory_space<hbm>>) target(%dma_start3A_110 : memref<128xf32, #tpu.memory_space<vmem>>) offsets(%dma_start3A_112 : memref<128xi32, #tpu.memory_space<vmem>>) semaphore(%arg15 : memref<!tpu.dma_semaphore, #tpu.memory_space<semaphore_mem>>)
      %dma_start3A_118 = arith.constant 640 : i32
      %dma_start3A_119 = arith.constant 0 : i32
      %dma_start3A_120 = tpu.memref_slice %arg10[%dma_start3A_118, %dma_start3A_119] : memref<2560x16xf32, #tpu.memory_space<vmem>> -> memref<128x16xf32, #tpu.memory_space<vmem>>
      %dma_start3A_121 = arith.constant 640 : i32
      %dma_start3A_122 = tpu.memref_slice %arg8[%dma_start3A_121] : memref<2560xi32, #tpu.memory_space<vmem>> -> memref<128xi32, #tpu.memory_space<vmem>>
      %dma_start3A_123 = arith.constant 0 : i32
      %dma_start3A_124 = arith.constant 0 : i32
      %dma_start3A_125 = tpu.memref_slice %arg4[%scan3A_8, %dma_start3A_123, %dma_start3A_124] : memref<26x100000x16xf32, #tpu.memory_space<hbm>> -> memref<1x100000x16xf32, #tpu.memory_space<hbm>>
      %dma_start3A_126 = tpu.memref_squeeze %dma_start3A_125 : memref<1x100000x16xf32, #tpu.memory_space<hbm>> -> memref<100000x16xf32, #tpu.memory_space<hbm>>
      %dma_start3A_127 = arith.constant 0 : i32
      %dma_start3A_128 = arith.constant 0 : i32
      %dma_start3A_129 = tpu.memref_slice %dma_start3A_126[%dma_start3A_127, %dma_start3A_128] : memref<100000x16xf32, #tpu.memory_space<hbm>> -> memref<100000x16xf32, #tpu.memory_space<hbm>>
      tpu.enqueue_indirect_dma source(%dma_start3A_129 : memref<100000x16xf32, #tpu.memory_space<hbm>>) target(%dma_start3A_120 : memref<128x16xf32, #tpu.memory_space<vmem>>) offsets(%dma_start3A_122 : memref<128xi32, #tpu.memory_space<vmem>>) semaphore(%arg14 : memref<!tpu.dma_semaphore, #tpu.memory_space<semaphore_mem>>)
      %dma_start3A_130 = arith.constant 640 : i32
      %dma_start3A_131 = tpu.memref_slice %arg11[%dma_start3A_130] : memref<2560xf32, #tpu.memory_space<vmem>> -> memref<128xf32, #tpu.memory_space<vmem>>
      %dma_start3A_132 = arith.constant 640 : i32
      %dma_start3A_133 = tpu.memref_slice %arg8[%dma_start3A_132] : memref<2560xi32, #tpu.memory_space<vmem>> -> memref<128xi32, #tpu.memory_space<vmem>>
      %dma_start3A_134 = arith.constant 0 : i32
      %dma_start3A_135 = tpu.memref_slice %arg5[%scan3A_8, %dma_start3A_134] : memref<26x100000xf32, #tpu.memory_space<hbm>> -> memref<1x100000xf32, #tpu.memory_space<hbm>>
      %dma_start3A_136 = tpu.memref_squeeze %dma_start3A_135 : memref<1x100000xf32, #tpu.memory_space<hbm>> -> memref<100000xf32, #tpu.memory_space<hbm>>
      %dma_start3A_137 = arith.constant 0 : i32
      %dma_start3A_138 = tpu.memref_slice %dma_start3A_136[%dma_start3A_137] : memref<100000xf32, #tpu.memory_space<hbm>> -> memref<100000xf32, #tpu.memory_space<hbm>>
      tpu.enqueue_indirect_dma source(%dma_start3A_138 : memref<100000xf32, #tpu.memory_space<hbm>>) target(%dma_start3A_131 : memref<128xf32, #tpu.memory_space<vmem>>) offsets(%dma_start3A_133 : memref<128xi32, #tpu.memory_space<vmem>>) semaphore(%arg15 : memref<!tpu.dma_semaphore, #tpu.memory_space<semaphore_mem>>)
      %dma_start3A_139 = arith.constant 768 : i32
      %dma_start3A_140 = arith.constant 0 : i32
      %dma_start3A_141 = tpu.memref_slice %arg10[%dma_start3A_139, %dma_start3A_140] : memref<2560x16xf32, #tpu.memory_space<vmem>> -> memref<128x16xf32, #tpu.memory_space<vmem>>
      %dma_start3A_142 = arith.constant 768 : i32
      %dma_start3A_143 = tpu.memref_slice %arg8[%dma_start3A_142] : memref<2560xi32, #tpu.memory_space<vmem>> -> memref<128xi32, #tpu.memory_space<vmem>>
      %dma_start3A_144 = arith.constant 0 : i32
      %dma_start3A_145 = arith.constant 0 : i32
      %dma_start3A_146 = tpu.memref_slice %arg4[%scan3A_8, %dma_start3A_144, %dma_start3A_145] : memref<26x100000x16xf32, #tpu.memory_space<hbm>> -> memref<1x100000x16xf32, #tpu.memory_space<hbm>>
      %dma_start3A_147 = tpu.memref_squeeze %dma_start3A_146 : memref<1x100000x16xf32, #tpu.memory_space<hbm>> -> memref<100000x16xf32, #tpu.memory_space<hbm>>
      %dma_start3A_148 = arith.constant 0 : i32
      %dma_start3A_149 = arith.constant 0 : i32
      %dma_start3A_150 = tpu.memref_slice %dma_start3A_147[%dma_start3A_148, %dma_start3A_149] : memref<100000x16xf32, #tpu.memory_space<hbm>> -> memref<100000x16xf32, #tpu.memory_space<hbm>>
      tpu.enqueue_indirect_dma source(%dma_start3A_150 : memref<100000x16xf32, #tpu.memory_space<hbm>>) target(%dma_start3A_141 : memref<128x16xf32, #tpu.memory_space<vmem>>) offsets(%dma_start3A_143 : memref<128xi32, #tpu.memory_space<vmem>>) semaphore(%arg14 : memref<!tpu.dma_semaphore, #tpu.memory_space<semaphore_mem>>)
      %dma_start3A_151 = arith.constant 768 : i32
      %dma_start3A_152 = tpu.memref_slice %arg11[%dma_start3A_151] : memref<2560xf32, #tpu.memory_space<vmem>> -> memref<128xf32, #tpu.memory_space<vmem>>
      %dma_start3A_153 = arith.constant 768 : i32
      %dma_start3A_154 = tpu.memref_slice %arg8[%dma_start3A_153] : memref<2560xi32, #tpu.memory_space<vmem>> -> memref<128xi32, #tpu.memory_space<vmem>>
      %dma_start3A_155 = arith.constant 0 : i32
      %dma_start3A_156 = tpu.memref_slice %arg5[%scan3A_8, %dma_start3A_155] : memref<26x100000xf32, #tpu.memory_space<hbm>> -> memref<1x100000xf32, #tpu.memory_space<hbm>>
      %dma_start3A_157 = tpu.memref_squeeze %dma_start3A_156 : memref<1x100000xf32, #tpu.memory_space<hbm>> -> memref<100000xf32, #tpu.memory_space<hbm>>
      %dma_start3A_158 = arith.constant 0 : i32
      %dma_start3A_159 = tpu.memref_slice %dma_start3A_157[%dma_start3A_158] : memref<100000xf32, #tpu.memory_space<hbm>> -> memref<100000xf32, #tpu.memory_space<hbm>>
      tpu.enqueue_indirect_dma source(%dma_start3A_159 : memref<100000xf32, #tpu.memory_space<hbm>>) target(%dma_start3A_152 : memref<128xf32, #tpu.memory_space<vmem>>) offsets(%dma_start3A_154 : memref<128xi32, #tpu.memory_space<vmem>>) semaphore(%arg15 : memref<!tpu.dma_semaphore, #tpu.memory_space<semaphore_mem>>)
      %dma_start3A_160 = arith.constant 896 : i32
      %dma_start3A_161 = arith.constant 0 : i32
      %dma_start3A_162 = tpu.memref_slice %arg10[%dma_start3A_160, %dma_start3A_161] : memref<2560x16xf32, #tpu.memory_space<vmem>> -> memref<128x16xf32, #tpu.memory_space<vmem>>
      %dma_start3A_163 = arith.constant 896 : i32
      %dma_start3A_164 = tpu.memref_slice %arg8[%dma_start3A_163] : memref<2560xi32, #tpu.memory_space<vmem>> -> memref<128xi32, #tpu.memory_space<vmem>>
      %dma_start3A_165 = arith.constant 0 : i32
      %dma_start3A_166 = arith.constant 0 : i32
      %dma_start3A_167 = tpu.memref_slice %arg4[%scan3A_8, %dma_start3A_165, %dma_start3A_166] : memref<26x100000x16xf32, #tpu.memory_space<hbm>> -> memref<1x100000x16xf32, #tpu.memory_space<hbm>>
      %dma_start3A_168 = tpu.memref_squeeze %dma_start3A_167 : memref<1x100000x16xf32, #tpu.memory_space<hbm>> -> memref<100000x16xf32, #tpu.memory_space<hbm>>
      %dma_start3A_169 = arith.constant 0 : i32
      %dma_start3A_170 = arith.constant 0 : i32
      %dma_start3A_171 = tpu.memref_slice %dma_start3A_168[%dma_start3A_169, %dma_start3A_170] : memref<100000x16xf32, #tpu.memory_space<hbm>> -> memref<100000x16xf32, #tpu.memory_space<hbm>>
      tpu.enqueue_indirect_dma source(%dma_start3A_171 : memref<100000x16xf32, #tpu.memory_space<hbm>>) target(%dma_start3A_162 : memref<128x16xf32, #tpu.memory_space<vmem>>) offsets(%dma_start3A_164 : memref<128xi32, #tpu.memory_space<vmem>>) semaphore(%arg14 : memref<!tpu.dma_semaphore, #tpu.memory_space<semaphore_mem>>)
      %dma_start3A_172 = arith.constant 896 : i32
      %dma_start3A_173 = tpu.memref_slice %arg11[%dma_start3A_172] : memref<2560xf32, #tpu.memory_space<vmem>> -> memref<128xf32, #tpu.memory_space<vmem>>
      %dma_start3A_174 = arith.constant 896 : i32
      %dma_start3A_175 = tpu.memref_slice %arg8[%dma_start3A_174] : memref<2560xi32, #tpu.memory_space<vmem>> -> memref<128xi32, #tpu.memory_space<vmem>>
      %dma_start3A_176 = arith.constant 0 : i32
      %dma_start3A_177 = tpu.memref_slice %arg5[%scan3A_8, %dma_start3A_176] : memref<26x100000xf32, #tpu.memory_space<hbm>> -> memref<1x100000xf32, #tpu.memory_space<hbm>>
      %dma_start3A_178 = tpu.memref_squeeze %dma_start3A_177 : memref<1x100000xf32, #tpu.memory_space<hbm>> -> memref<100000xf32, #tpu.memory_space<hbm>>
      %dma_start3A_179 = arith.constant 0 : i32
      %dma_start3A_180 = tpu.memref_slice %dma_start3A_178[%dma_start3A_179] : memref<100000xf32, #tpu.memory_space<hbm>> -> memref<100000xf32, #tpu.memory_space<hbm>>
      tpu.enqueue_indirect_dma source(%dma_start3A_180 : memref<100000xf32, #tpu.memory_space<hbm>>) target(%dma_start3A_173 : memref<128xf32, #tpu.memory_space<vmem>>) offsets(%dma_start3A_175 : memref<128xi32, #tpu.memory_space<vmem>>) semaphore(%arg15 : memref<!tpu.dma_semaphore, #tpu.memory_space<semaphore_mem>>)
      %dma_start3A_181 = arith.constant 1024 : i32
      %dma_start3A_182 = arith.constant 0 : i32
      %dma_start3A_183 = tpu.memref_slice %arg10[%dma_start3A_181, %dma_start3A_182] : memref<2560x16xf32, #tpu.memory_space<vmem>> -> memref<128x16xf32, #tpu.memory_space<vmem>>
      %dma_start3A_184 = arith.constant 1024 : i32
      %dma_start3A_185 = tpu.memref_slice %arg8[%dma_start3A_184] : memref<2560xi32, #tpu.memory_space<vmem>> -> memref<128xi32, #tpu.memory_space<vmem>>
      %dma_start3A_186 = arith.constant 0 : i32
      %dma_start3A_187 = arith.constant 0 : i32
      %dma_start3A_188 = tpu.memref_slice %arg4[%scan3A_8, %dma_start3A_186, %dma_start3A_187] : memref<26x100000x16xf32, #tpu.memory_space<hbm>> -> memref<1x100000x16xf32, #tpu.memory_space<hbm>>
      %dma_start3A_189 = tpu.memref_squeeze %dma_start3A_188 : memref<1x100000x16xf32, #tpu.memory_space<hbm>> -> memref<100000x16xf32, #tpu.memory_space<hbm>>
      %dma_start3A_190 = arith.constant 0 : i32
      %dma_start3A_191 = arith.constant 0 : i32
      %dma_start3A_192 = tpu.memref_slice %dma_start3A_189[%dma_start3A_190, %dma_start3A_191] : memref<100000x16xf32, #tpu.memory_space<hbm>> -> memref<100000x16xf32, #tpu.memory_space<hbm>>
      tpu.enqueue_indirect_dma source(%dma_start3A_192 : memref<100000x16xf32, #tpu.memory_space<hbm>>) target(%dma_start3A_183 : memref<128x16xf32, #tpu.memory_space<vmem>>) offsets(%dma_start3A_185 : memref<128xi32, #tpu.memory_space<vmem>>) semaphore(%arg14 : memref<!tpu.dma_semaphore, #tpu.memory_space<semaphore_mem>>)
      %dma_start3A_193 = arith.constant 1024 : i32
      %dma_start3A_194 = tpu.memref_slice %arg11[%dma_start3A_193] : memref<2560xf32, #tpu.memory_space<vmem>> -> memref<128xf32, #tpu.memory_space<vmem>>
      %dma_start3A_195 = arith.constant 1024 : i32
      %dma_start3A_196 = tpu.memref_slice %arg8[%dma_start3A_195] : memref<2560xi32, #tpu.memory_space<vmem>> -> memref<128xi32, #tpu.memory_space<vmem>>
      %dma_start3A_197 = arith.constant 0 : i32
      %dma_start3A_198 = tpu.memref_slice %arg5[%scan3A_8, %dma_start3A_197] : memref<26x100000xf32, #tpu.memory_space<hbm>> -> memref<1x100000xf32, #tpu.memory_space<hbm>>
      %dma_start3A_199 = tpu.memref_squeeze %dma_start3A_198 : memref<1x100000xf32, #tpu.memory_space<hbm>> -> memref<100000xf32, #tpu.memory_space<hbm>>
      %dma_start3A_200 = arith.constant 0 : i32
      %dma_start3A_201 = tpu.memref_slice %dma_start3A_199[%dma_start3A_200] : memref<100000xf32, #tpu.memory_space<hbm>> -> memref<100000xf32, #tpu.memory_space<hbm>>
      tpu.enqueue_indirect_dma source(%dma_start3A_201 : memref<100000xf32, #tpu.memory_space<hbm>>) target(%dma_start3A_194 : memref<128xf32, #tpu.memory_space<vmem>>) offsets(%dma_start3A_196 : memref<128xi32, #tpu.memory_space<vmem>>) semaphore(%arg15 : memref<!tpu.dma_semaphore, #tpu.memory_space<semaphore_mem>>)
      %dma_start3A_202 = arith.constant 1152 : i32
      %dma_start3A_203 = arith.constant 0 : i32
      %dma_start3A_204 = tpu.memref_slice %arg10[%dma_start3A_202, %dma_start3A_203] : memref<2560x16xf32, #tpu.memory_space<vmem>> -> memref<128x16xf32, #tpu.memory_space<vmem>>
      %dma_start3A_205 = arith.constant 1152 : i32
      %dma_start3A_206 = tpu.memref_slice %arg8[%dma_start3A_205] : memref<2560xi32, #tpu.memory_space<vmem>> -> memref<128xi32, #tpu.memory_space<vmem>>
      %dma_start3A_207 = arith.constant 0 : i32
      %dma_start3A_208 = arith.constant 0 : i32
      %dma_start3A_209 = tpu.memref_slice %arg4[%scan3A_8, %dma_start3A_207, %dma_start3A_208] : memref<26x100000x16xf32, #tpu.memory_space<hbm>> -> memref<1x100000x16xf32, #tpu.memory_space<hbm>>
      %dma_start3A_210 = tpu.memref_squeeze %dma_start3A_209 : memref<1x100000x16xf32, #tpu.memory_space<hbm>> -> memref<100000x16xf32, #tpu.memory_space<hbm>>
      %dma_start3A_211 = arith.constant 0 : i32
      %dma_start3A_212 = arith.constant 0 : i32
      %dma_start3A_213 = tpu.memref_slice %dma_start3A_210[%dma_start3A_211, %dma_start3A_212] : memref<100000x16xf32, #tpu.memory_space<hbm>> -> memref<100000x16xf32, #tpu.memory_space<hbm>>
      tpu.enqueue_indirect_dma source(%dma_start3A_213 : memref<100000x16xf32, #tpu.memory_space<hbm>>) target(%dma_start3A_204 : memref<128x16xf32, #tpu.memory_space<vmem>>) offsets(%dma_start3A_206 : memref<128xi32, #tpu.memory_space<vmem>>) semaphore(%arg14 : memref<!tpu.dma_semaphore, #tpu.memory_space<semaphore_mem>>)
      %dma_start3A_214 = arith.constant 1152 : i32
      %dma_start3A_215 = tpu.memref_slice %arg11[%dma_start3A_214] : memref<2560xf32, #tpu.memory_space<vmem>> -> memref<128xf32, #tpu.memory_space<vmem>>
      %dma_start3A_216 = arith.constant 1152 : i32
      %dma_start3A_217 = tpu.memref_slice %arg8[%dma_start3A_216] : memref<2560xi32, #tpu.memory_space<vmem>> -> memref<128xi32, #tpu.memory_space<vmem>>
      %dma_start3A_218 = arith.constant 0 : i32
      %dma_start3A_219 = tpu.memref_slice %arg5[%scan3A_8, %dma_start3A_218] : memref<26x100000xf32, #tpu.memory_space<hbm>> -> memref<1x100000xf32, #tpu.memory_space<hbm>>
      %dma_start3A_220 = tpu.memref_squeeze %dma_start3A_219 : memref<1x100000xf32, #tpu.memory_space<hbm>> -> memref<100000xf32, #tpu.memory_space<hbm>>
      %dma_start3A_221 = arith.constant 0 : i32
      %dma_start3A_222 = tpu.memref_slice %dma_start3A_220[%dma_start3A_221] : memref<100000xf32, #tpu.memory_space<hbm>> -> memref<100000xf32, #tpu.memory_space<hbm>>
      tpu.enqueue_indirect_dma source(%dma_start3A_222 : memref<100000xf32, #tpu.memory_space<hbm>>) target(%dma_start3A_215 : memref<128xf32, #tpu.memory_space<vmem>>) offsets(%dma_start3A_217 : memref<128xi32, #tpu.memory_space<vmem>>) semaphore(%arg15 : memref<!tpu.dma_semaphore, #tpu.memory_space<semaphore_mem>>)
      %dma_start3A_223 = arith.constant 1280 : i32
      %dma_start3A_224 = arith.constant 0 : i32
      %dma_start3A_225 = tpu.memref_slice %arg10[%dma_start3A_223, %dma_start3A_224] : memref<2560x16xf32, #tpu.memory_space<vmem>> -> memref<128x16xf32, #tpu.memory_space<vmem>>
      %dma_start3A_226 = arith.constant 1280 : i32
      %dma_start3A_227 = tpu.memref_slice %arg8[%dma_start3A_226] : memref<2560xi32, #tpu.memory_space<vmem>> -> memref<128xi32, #tpu.memory_space<vmem>>
      %dma_start3A_228 = arith.constant 0 : i32
      %dma_start3A_229 = arith.constant 0 : i32
      %dma_start3A_230 = tpu.memref_slice %arg4[%scan3A_8, %dma_start3A_228, %dma_start3A_229] : memref<26x100000x16xf32, #tpu.memory_space<hbm>> -> memref<1x100000x16xf32, #tpu.memory_space<hbm>>
      %dma_start3A_231 = tpu.memref_squeeze %dma_start3A_230 : memref<1x100000x16xf32, #tpu.memory_space<hbm>> -> memref<100000x16xf32, #tpu.memory_space<hbm>>
      %dma_start3A_232 = arith.constant 0 : i32
      %dma_start3A_233 = arith.constant 0 : i32
      %dma_start3A_234 = tpu.memref_slice %dma_start3A_231[%dma_start3A_232, %dma_start3A_233] : memref<100000x16xf32, #tpu.memory_space<hbm>> -> memref<100000x16xf32, #tpu.memory_space<hbm>>
      tpu.enqueue_indirect_dma source(%dma_start3A_234 : memref<100000x16xf32, #tpu.memory_space<hbm>>) target(%dma_start3A_225 : memref<128x16xf32, #tpu.memory_space<vmem>>) offsets(%dma_start3A_227 : memref<128xi32, #tpu.memory_space<vmem>>) semaphore(%arg14 : memref<!tpu.dma_semaphore, #tpu.memory_space<semaphore_mem>>)
      %dma_start3A_235 = arith.constant 1280 : i32
      %dma_start3A_236 = tpu.memref_slice %arg11[%dma_start3A_235] : memref<2560xf32, #tpu.memory_space<vmem>> -> memref<128xf32, #tpu.memory_space<vmem>>
      %dma_start3A_237 = arith.constant 1280 : i32
      %dma_start3A_238 = tpu.memref_slice %arg8[%dma_start3A_237] : memref<2560xi32, #tpu.memory_space<vmem>> -> memref<128xi32, #tpu.memory_space<vmem>>
      %dma_start3A_239 = arith.constant 0 : i32
      %dma_start3A_240 = tpu.memref_slice %arg5[%scan3A_8, %dma_start3A_239] : memref<26x100000xf32, #tpu.memory_space<hbm>> -> memref<1x100000xf32, #tpu.memory_space<hbm>>
      %dma_start3A_241 = tpu.memref_squeeze %dma_start3A_240 : memref<1x100000xf32, #tpu.memory_space<hbm>> -> memref<100000xf32, #tpu.memory_space<hbm>>
      %dma_start3A_242 = arith.constant 0 : i32
      %dma_start3A_243 = tpu.memref_slice %dma_start3A_241[%dma_start3A_242] : memref<100000xf32, #tpu.memory_space<hbm>> -> memref<100000xf32, #tpu.memory_space<hbm>>
      tpu.enqueue_indirect_dma source(%dma_start3A_243 : memref<100000xf32, #tpu.memory_space<hbm>>) target(%dma_start3A_236 : memref<128xf32, #tpu.memory_space<vmem>>) offsets(%dma_start3A_238 : memref<128xi32, #tpu.memory_space<vmem>>) semaphore(%arg15 : memref<!tpu.dma_semaphore, #tpu.memory_space<semaphore_mem>>)
      %dma_start3A_244 = arith.constant 1408 : i32
      %dma_start3A_245 = arith.constant 0 : i32
      %dma_start3A_246 = tpu.memref_slice %arg10[%dma_start3A_244, %dma_start3A_245] : memref<2560x16xf32, #tpu.memory_space<vmem>> -> memref<128x16xf32, #tpu.memory_space<vmem>>
      %dma_start3A_247 = arith.constant 1408 : i32
      %dma_start3A_248 = tpu.memref_slice %arg8[%dma_start3A_247] : memref<2560xi32, #tpu.memory_space<vmem>> -> memref<128xi32, #tpu.memory_space<vmem>>
      %dma_start3A_249 = arith.constant 0 : i32
      %dma_start3A_250 = arith.constant 0 : i32
      %dma_start3A_251 = tpu.memref_slice %arg4[%scan3A_8, %dma_start3A_249, %dma_start3A_250] : memref<26x100000x16xf32, #tpu.memory_space<hbm>> -> memref<1x100000x16xf32, #tpu.memory_space<hbm>>
      %dma_start3A_252 = tpu.memref_squeeze %dma_start3A_251 : memref<1x100000x16xf32, #tpu.memory_space<hbm>> -> memref<100000x16xf32, #tpu.memory_space<hbm>>
      %dma_start3A_253 = arith.constant 0 : i32
      %dma_start3A_254 = arith.constant 0 : i32
      %dma_start3A_255 = tpu.memref_slice %dma_start3A_252[%dma_start3A_253, %dma_start3A_254] : memref<100000x16xf32, #tpu.memory_space<hbm>> -> memref<100000x16xf32, #tpu.memory_space<hbm>>
      tpu.enqueue_indirect_dma source(%dma_start3A_255 : memref<100000x16xf32, #tpu.memory_space<hbm>>) target(%dma_start3A_246 : memref<128x16xf32, #tpu.memory_space<vmem>>) offsets(%dma_start3A_248 : memref<128xi32, #tpu.memory_space<vmem>>) semaphore(%arg14 : memref<!tpu.dma_semaphore, #tpu.memory_space<semaphore_mem>>)
      %dma_start3A_256 = arith.constant 1408 : i32
      %dma_start3A_257 = tpu.memref_slice %arg11[%dma_start3A_256] : memref<2560xf32, #tpu.memory_space<vmem>> -> memref<128xf32, #tpu.memory_space<vmem>>
      %dma_start3A_258 = arith.constant 1408 : i32
      %dma_start3A_259 = tpu.memref_slice %arg8[%dma_start3A_258] : memref<2560xi32, #tpu.memory_space<vmem>> -> memref<128xi32, #tpu.memory_space<vmem>>
      %dma_start3A_260 = arith.constant 0 : i32
      %dma_start3A_261 = tpu.memref_slice %arg5[%scan3A_8, %dma_start3A_260] : memref<26x100000xf32, #tpu.memory_space<hbm>> -> memref<1x100000xf32, #tpu.memory_space<hbm>>
      %dma_start3A_262 = tpu.memref_squeeze %dma_start3A_261 : memref<1x100000xf32, #tpu.memory_space<hbm>> -> memref<100000xf32, #tpu.memory_space<hbm>>
      %dma_start3A_263 = arith.constant 0 : i32
      %dma_start3A_264 = tpu.memref_slice %dma_start3A_262[%dma_start3A_263] : memref<100000xf32, #tpu.memory_space<hbm>> -> memref<100000xf32, #tpu.memory_space<hbm>>
      tpu.enqueue_indirect_dma source(%dma_start3A_264 : memref<100000xf32, #tpu.memory_space<hbm>>) target(%dma_start3A_257 : memref<128xf32, #tpu.memory_space<vmem>>) offsets(%dma_start3A_259 : memref<128xi32, #tpu.memory_space<vmem>>) semaphore(%arg15 : memref<!tpu.dma_semaphore, #tpu.memory_space<semaphore_mem>>)
      %dma_start3A_265 = arith.constant 1536 : i32
      %dma_start3A_266 = arith.constant 0 : i32
      %dma_start3A_267 = tpu.memref_slice %arg10[%dma_start3A_265, %dma_start3A_266] : memref<2560x16xf32, #tpu.memory_space<vmem>> -> memref<128x16xf32, #tpu.memory_space<vmem>>
      %dma_start3A_268 = arith.constant 1536 : i32
      %dma_start3A_269 = tpu.memref_slice %arg8[%dma_start3A_268] : memref<2560xi32, #tpu.memory_space<vmem>> -> memref<128xi32, #tpu.memory_space<vmem>>
      %dma_start3A_270 = arith.constant 0 : i32
      %dma_start3A_271 = arith.constant 0 : i32
      %dma_start3A_272 = tpu.memref_slice %arg4[%scan3A_8, %dma_start3A_270, %dma_start3A_271] : memref<26x100000x16xf32, #tpu.memory_space<hbm>> -> memref<1x100000x16xf32, #tpu.memory_space<hbm>>
      %dma_start3A_273 = tpu.memref_squeeze %dma_start3A_272 : memref<1x100000x16xf32, #tpu.memory_space<hbm>> -> memref<100000x16xf32, #tpu.memory_space<hbm>>
      %dma_start3A_274 = arith.constant 0 : i32
      %dma_start3A_275 = arith.constant 0 : i32
      %dma_start3A_276 = tpu.memref_slice %dma_start3A_273[%dma_start3A_274, %dma_start3A_275] : memref<100000x16xf32, #tpu.memory_space<hbm>> -> memref<100000x16xf32, #tpu.memory_space<hbm>>
      tpu.enqueue_indirect_dma source(%dma_start3A_276 : memref<100000x16xf32, #tpu.memory_space<hbm>>) target(%dma_start3A_267 : memref<128x16xf32, #tpu.memory_space<vmem>>) offsets(%dma_start3A_269 : memref<128xi32, #tpu.memory_space<vmem>>) semaphore(%arg14 : memref<!tpu.dma_semaphore, #tpu.memory_space<semaphore_mem>>)
      %dma_start3A_277 = arith.constant 1536 : i32
      %dma_start3A_278 = tpu.memref_slice %arg11[%dma_start3A_277] : memref<2560xf32, #tpu.memory_space<vmem>> -> memref<128xf32, #tpu.memory_space<vmem>>
      %dma_start3A_279 = arith.constant 1536 : i32
      %dma_start3A_280 = tpu.memref_slice %arg8[%dma_start3A_279] : memref<2560xi32, #tpu.memory_space<vmem>> -> memref<128xi32, #tpu.memory_space<vmem>>
      %dma_start3A_281 = arith.constant 0 : i32
      %dma_start3A_282 = tpu.memref_slice %arg5[%scan3A_8, %dma_start3A_281] : memref<26x100000xf32, #tpu.memory_space<hbm>> -> memref<1x100000xf32, #tpu.memory_space<hbm>>
      %dma_start3A_283 = tpu.memref_squeeze %dma_start3A_282 : memref<1x100000xf32, #tpu.memory_space<hbm>> -> memref<100000xf32, #tpu.memory_space<hbm>>
      %dma_start3A_284 = arith.constant 0 : i32
      %dma_start3A_285 = tpu.memref_slice %dma_start3A_283[%dma_start3A_284] : memref<100000xf32, #tpu.memory_space<hbm>> -> memref<100000xf32, #tpu.memory_space<hbm>>
      tpu.enqueue_indirect_dma source(%dma_start3A_285 : memref<100000xf32, #tpu.memory_space<hbm>>) target(%dma_start3A_278 : memref<128xf32, #tpu.memory_space<vmem>>) offsets(%dma_start3A_280 : memref<128xi32, #tpu.memory_space<vmem>>) semaphore(%arg15 : memref<!tpu.dma_semaphore, #tpu.memory_space<semaphore_mem>>)
      %dma_start3A_286 = arith.constant 1664 : i32
      %dma_start3A_287 = arith.constant 0 : i32
      %dma_start3A_288 = tpu.memref_slice %arg10[%dma_start3A_286, %dma_start3A_287] : memref<2560x16xf32, #tpu.memory_space<vmem>> -> memref<128x16xf32, #tpu.memory_space<vmem>>
      %dma_start3A_289 = arith.constant 1664 : i32
      %dma_start3A_290 = tpu.memref_slice %arg8[%dma_start3A_289] : memref<2560xi32, #tpu.memory_space<vmem>> -> memref<128xi32, #tpu.memory_space<vmem>>
      %dma_start3A_291 = arith.constant 0 : i32
      %dma_start3A_292 = arith.constant 0 : i32
      %dma_start3A_293 = tpu.memref_slice %arg4[%scan3A_8, %dma_start3A_291, %dma_start3A_292] : memref<26x100000x16xf32, #tpu.memory_space<hbm>> -> memref<1x100000x16xf32, #tpu.memory_space<hbm>>
      %dma_start3A_294 = tpu.memref_squeeze %dma_start3A_293 : memref<1x100000x16xf32, #tpu.memory_space<hbm>> -> memref<100000x16xf32, #tpu.memory_space<hbm>>
      %dma_start3A_295 = arith.constant 0 : i32
      %dma_start3A_296 = arith.constant 0 : i32
      %dma_start3A_297 = tpu.memref_slice %dma_start3A_294[%dma_start3A_295, %dma_start3A_296] : memref<100000x16xf32, #tpu.memory_space<hbm>> -> memref<100000x16xf32, #tpu.memory_space<hbm>>
      tpu.enqueue_indirect_dma source(%dma_start3A_297 : memref<100000x16xf32, #tpu.memory_space<hbm>>) target(%dma_start3A_288 : memref<128x16xf32, #tpu.memory_space<vmem>>) offsets(%dma_start3A_290 : memref<128xi32, #tpu.memory_space<vmem>>) semaphore(%arg14 : memref<!tpu.dma_semaphore, #tpu.memory_space<semaphore_mem>>)
      %dma_start3A_298 = arith.constant 1664 : i32
      %dma_start3A_299 = tpu.memref_slice %arg11[%dma_start3A_298] : memref<2560xf32, #tpu.memory_space<vmem>> -> memref<128xf32, #tpu.memory_space<vmem>>
      %dma_start3A_300 = arith.constant 1664 : i32
      %dma_start3A_301 = tpu.memref_slice %arg8[%dma_start3A_300] : memref<2560xi32, #tpu.memory_space<vmem>> -> memref<128xi32, #tpu.memory_space<vmem>>
      %dma_start3A_302 = arith.constant 0 : i32
      %dma_start3A_303 = tpu.memref_slice %arg5[%scan3A_8, %dma_start3A_302] : memref<26x100000xf32, #tpu.memory_space<hbm>> -> memref<1x100000xf32, #tpu.memory_space<hbm>>
      %dma_start3A_304 = tpu.memref_squeeze %dma_start3A_303 : memref<1x100000xf32, #tpu.memory_space<hbm>> -> memref<100000xf32, #tpu.memory_space<hbm>>
      %dma_start3A_305 = arith.constant 0 : i32
      %dma_start3A_306 = tpu.memref_slice %dma_start3A_304[%dma_start3A_305] : memref<100000xf32, #tpu.memory_space<hbm>> -> memref<100000xf32, #tpu.memory_space<hbm>>
      tpu.enqueue_indirect_dma source(%dma_start3A_306 : memref<100000xf32, #tpu.memory_space<hbm>>) target(%dma_start3A_299 : memref<128xf32, #tpu.memory_space<vmem>>) offsets(%dma_start3A_301 : memref<128xi32, #tpu.memory_space<vmem>>) semaphore(%arg15 : memref<!tpu.dma_semaphore, #tpu.memory_space<semaphore_mem>>)
      %dma_start3A_307 = arith.constant 1792 : i32
      %dma_start3A_308 = arith.constant 0 : i32
      %dma_start3A_309 = tpu.memref_slice %arg10[%dma_start3A_307, %dma_start3A_308] : memref<2560x16xf32, #tpu.memory_space<vmem>> -> memref<128x16xf32, #tpu.memory_space<vmem>>
      %dma_start3A_310 = arith.constant 1792 : i32
      %dma_start3A_311 = tpu.memref_slice %arg8[%dma_start3A_310] : memref<2560xi32, #tpu.memory_space<vmem>> -> memref<128xi32, #tpu.memory_space<vmem>>
      %dma_start3A_312 = arith.constant 0 : i32
      %dma_start3A_313 = arith.constant 0 : i32
      %dma_start3A_314 = tpu.memref_slice %arg4[%scan3A_8, %dma_start3A_312, %dma_start3A_313] : memref<26x100000x16xf32, #tpu.memory_space<hbm>> -> memref<1x100000x16xf32, #tpu.memory_space<hbm>>
      %dma_start3A_315 = tpu.memref_squeeze %dma_start3A_314 : memref<1x100000x16xf32, #tpu.memory_space<hbm>> -> memref<100000x16xf32, #tpu.memory_space<hbm>>
      %dma_start3A_316 = arith.constant 0 : i32
      %dma_start3A_317 = arith.constant 0 : i32
      %dma_start3A_318 = tpu.memref_slice %dma_start3A_315[%dma_start3A_316, %dma_start3A_317] : memref<100000x16xf32, #tpu.memory_space<hbm>> -> memref<100000x16xf32, #tpu.memory_space<hbm>>
      tpu.enqueue_indirect_dma source(%dma_start3A_318 : memref<100000x16xf32, #tpu.memory_space<hbm>>) target(%dma_start3A_309 : memref<128x16xf32, #tpu.memory_space<vmem>>) offsets(%dma_start3A_311 : memref<128xi32, #tpu.memory_space<vmem>>) semaphore(%arg14 : memref<!tpu.dma_semaphore, #tpu.memory_space<semaphore_mem>>)
      %dma_start3A_319 = arith.constant 1792 : i32
      %dma_start3A_320 = tpu.memref_slice %arg11[%dma_start3A_319] : memref<2560xf32, #tpu.memory_space<vmem>> -> memref<128xf32, #tpu.memory_space<vmem>>
      %dma_start3A_321 = arith.constant 1792 : i32
      %dma_start3A_322 = tpu.memref_slice %arg8[%dma_start3A_321] : memref<2560xi32, #tpu.memory_space<vmem>> -> memref<128xi32, #tpu.memory_space<vmem>>
      %dma_start3A_323 = arith.constant 0 : i32
      %dma_start3A_324 = tpu.memref_slice %arg5[%scan3A_8, %dma_start3A_323] : memref<26x100000xf32, #tpu.memory_space<hbm>> -> memref<1x100000xf32, #tpu.memory_space<hbm>>
      %dma_start3A_325 = tpu.memref_squeeze %dma_start3A_324 : memref<1x100000xf32, #tpu.memory_space<hbm>> -> memref<100000xf32, #tpu.memory_space<hbm>>
      %dma_start3A_326 = arith.constant 0 : i32
      %dma_start3A_327 = tpu.memref_slice %dma_start3A_325[%dma_start3A_326] : memref<100000xf32, #tpu.memory_space<hbm>> -> memref<100000xf32, #tpu.memory_space<hbm>>
      tpu.enqueue_indirect_dma source(%dma_start3A_327 : memref<100000xf32, #tpu.memory_space<hbm>>) target(%dma_start3A_320 : memref<128xf32, #tpu.memory_space<vmem>>) offsets(%dma_start3A_322 : memref<128xi32, #tpu.memory_space<vmem>>) semaphore(%arg15 : memref<!tpu.dma_semaphore, #tpu.memory_space<semaphore_mem>>)
      %dma_start3A_328 = arith.constant 1920 : i32
      %dma_start3A_329 = arith.constant 0 : i32
      %dma_start3A_330 = tpu.memref_slice %arg10[%dma_start3A_328, %dma_start3A_329] : memref<2560x16xf32, #tpu.memory_space<vmem>> -> memref<128x16xf32, #tpu.memory_space<vmem>>
      %dma_start3A_331 = arith.constant 1920 : i32
      %dma_start3A_332 = tpu.memref_slice %arg8[%dma_start3A_331] : memref<2560xi32, #tpu.memory_space<vmem>> -> memref<128xi32, #tpu.memory_space<vmem>>
      %dma_start3A_333 = arith.constant 0 : i32
      %dma_start3A_334 = arith.constant 0 : i32
      %dma_start3A_335 = tpu.memref_slice %arg4[%scan3A_8, %dma_start3A_333, %dma_start3A_334] : memref<26x100000x16xf32, #tpu.memory_space<hbm>> -> memref<1x100000x16xf32, #tpu.memory_space<hbm>>
      %dma_start3A_336 = tpu.memref_squeeze %dma_start3A_335 : memref<1x100000x16xf32, #tpu.memory_space<hbm>> -> memref<100000x16xf32, #tpu.memory_space<hbm>>
      %dma_start3A_337 = arith.constant 0 : i32
      %dma_start3A_338 = arith.constant 0 : i32
      %dma_start3A_339 = tpu.memref_slice %dma_start3A_336[%dma_start3A_337, %dma_start3A_338] : memref<100000x16xf32, #tpu.memory_space<hbm>> -> memref<100000x16xf32, #tpu.memory_space<hbm>>
      tpu.enqueue_indirect_dma source(%dma_start3A_339 : memref<100000x16xf32, #tpu.memory_space<hbm>>) target(%dma_start3A_330 : memref<128x16xf32, #tpu.memory_space<vmem>>) offsets(%dma_start3A_332 : memref<128xi32, #tpu.memory_space<vmem>>) semaphore(%arg14 : memref<!tpu.dma_semaphore, #tpu.memory_space<semaphore_mem>>)
      %dma_start3A_340 = arith.constant 1920 : i32
      %dma_start3A_341 = tpu.memref_slice %arg11[%dma_start3A_340] : memref<2560xf32, #tpu.memory_space<vmem>> -> memref<128xf32, #tpu.memory_space<vmem>>
      %dma_start3A_342 = arith.constant 1920 : i32
      %dma_start3A_343 = tpu.memref_slice %arg8[%dma_start3A_342] : memref<2560xi32, #tpu.memory_space<vmem>> -> memref<128xi32, #tpu.memory_space<vmem>>
      %dma_start3A_344 = arith.constant 0 : i32
      %dma_start3A_345 = tpu.memref_slice %arg5[%scan3A_8, %dma_start3A_344] : memref<26x100000xf32, #tpu.memory_space<hbm>> -> memref<1x100000xf32, #tpu.memory_space<hbm>>
      %dma_start3A_346 = tpu.memref_squeeze %dma_start3A_345 : memref<1x100000xf32, #tpu.memory_space<hbm>> -> memref<100000xf32, #tpu.memory_space<hbm>>
      %dma_start3A_347 = arith.constant 0 : i32
      %dma_start3A_348 = tpu.memref_slice %dma_start3A_346[%dma_start3A_347] : memref<100000xf32, #tpu.memory_space<hbm>> -> memref<100000xf32, #tpu.memory_space<hbm>>
      tpu.enqueue_indirect_dma source(%dma_start3A_348 : memref<100000xf32, #tpu.memory_space<hbm>>) target(%dma_start3A_341 : memref<128xf32, #tpu.memory_space<vmem>>) offsets(%dma_start3A_343 : memref<128xi32, #tpu.memory_space<vmem>>) semaphore(%arg15 : memref<!tpu.dma_semaphore, #tpu.memory_space<semaphore_mem>>)
      %dma_start3A_349 = arith.constant 2048 : i32
      %dma_start3A_350 = arith.constant 0 : i32
      %dma_start3A_351 = tpu.memref_slice %arg10[%dma_start3A_349, %dma_start3A_350] : memref<2560x16xf32, #tpu.memory_space<vmem>> -> memref<128x16xf32, #tpu.memory_space<vmem>>
      %dma_start3A_352 = arith.constant 2048 : i32
      %dma_start3A_353 = tpu.memref_slice %arg8[%dma_start3A_352] : memref<2560xi32, #tpu.memory_space<vmem>> -> memref<128xi32, #tpu.memory_space<vmem>>
      %dma_start3A_354 = arith.constant 0 : i32
      %dma_start3A_355 = arith.constant 0 : i32
      %dma_start3A_356 = tpu.memref_slice %arg4[%scan3A_8, %dma_start3A_354, %dma_start3A_355] : memref<26x100000x16xf32, #tpu.memory_space<hbm>> -> memref<1x100000x16xf32, #tpu.memory_space<hbm>>
      %dma_start3A_357 = tpu.memref_squeeze %dma_start3A_356 : memref<1x100000x16xf32, #tpu.memory_space<hbm>> -> memref<100000x16xf32, #tpu.memory_space<hbm>>
      %dma_start3A_358 = arith.constant 0 : i32
      %dma_start3A_359 = arith.constant 0 : i32
      %dma_start3A_360 = tpu.memref_slice %dma_start3A_357[%dma_start3A_358, %dma_start3A_359] : memref<100000x16xf32, #tpu.memory_space<hbm>> -> memref<100000x16xf32, #tpu.memory_space<hbm>>
      tpu.enqueue_indirect_dma source(%dma_start3A_360 : memref<100000x16xf32, #tpu.memory_space<hbm>>) target(%dma_start3A_351 : memref<128x16xf32, #tpu.memory_space<vmem>>) offsets(%dma_start3A_353 : memref<128xi32, #tpu.memory_space<vmem>>) semaphore(%arg14 : memref<!tpu.dma_semaphore, #tpu.memory_space<semaphore_mem>>)
      %dma_start3A_361 = arith.constant 2048 : i32
      %dma_start3A_362 = tpu.memref_slice %arg11[%dma_start3A_361] : memref<2560xf32, #tpu.memory_space<vmem>> -> memref<128xf32, #tpu.memory_space<vmem>>
      %dma_start3A_363 = arith.constant 2048 : i32
      %dma_start3A_364 = tpu.memref_slice %arg8[%dma_start3A_363] : memref<2560xi32, #tpu.memory_space<vmem>> -> memref<128xi32, #tpu.memory_space<vmem>>
      %dma_start3A_365 = arith.constant 0 : i32
      %dma_start3A_366 = tpu.memref_slice %arg5[%scan3A_8, %dma_start3A_365] : memref<26x100000xf32, #tpu.memory_space<hbm>> -> memref<1x100000xf32, #tpu.memory_space<hbm>>
      %dma_start3A_367 = tpu.memref_squeeze %dma_start3A_366 : memref<1x100000xf32, #tpu.memory_space<hbm>> -> memref<100000xf32, #tpu.memory_space<hbm>>
      %dma_start3A_368 = arith.constant 0 : i32
      %dma_start3A_369 = tpu.memref_slice %dma_start3A_367[%dma_start3A_368] : memref<100000xf32, #tpu.memory_space<hbm>> -> memref<100000xf32, #tpu.memory_space<hbm>>
      tpu.enqueue_indirect_dma source(%dma_start3A_369 : memref<100000xf32, #tpu.memory_space<hbm>>) target(%dma_start3A_362 : memref<128xf32, #tpu.memory_space<vmem>>) offsets(%dma_start3A_364 : memref<128xi32, #tpu.memory_space<vmem>>) semaphore(%arg15 : memref<!tpu.dma_semaphore, #tpu.memory_space<semaphore_mem>>)
      %dma_start3A_370 = arith.constant 2176 : i32
      %dma_start3A_371 = arith.constant 0 : i32
      %dma_start3A_372 = tpu.memref_slice %arg10[%dma_start3A_370, %dma_start3A_371] : memref<2560x16xf32, #tpu.memory_space<vmem>> -> memref<128x16xf32, #tpu.memory_space<vmem>>
      %dma_start3A_373 = arith.constant 2176 : i32
      %dma_start3A_374 = tpu.memref_slice %arg8[%dma_start3A_373] : memref<2560xi32, #tpu.memory_space<vmem>> -> memref<128xi32, #tpu.memory_space<vmem>>
      %dma_start3A_375 = arith.constant 0 : i32
      %dma_start3A_376 = arith.constant 0 : i32
      %dma_start3A_377 = tpu.memref_slice %arg4[%scan3A_8, %dma_start3A_375, %dma_start3A_376] : memref<26x100000x16xf32, #tpu.memory_space<hbm>> -> memref<1x100000x16xf32, #tpu.memory_space<hbm>>
      %dma_start3A_378 = tpu.memref_squeeze %dma_start3A_377 : memref<1x100000x16xf32, #tpu.memory_space<hbm>> -> memref<100000x16xf32, #tpu.memory_space<hbm>>
      %dma_start3A_379 = arith.constant 0 : i32
      %dma_start3A_380 = arith.constant 0 : i32
      %dma_start3A_381 = tpu.memref_slice %dma_start3A_378[%dma_start3A_379, %dma_start3A_380] : memref<100000x16xf32, #tpu.memory_space<hbm>> -> memref<100000x16xf32, #tpu.memory_space<hbm>>
      tpu.enqueue_indirect_dma source(%dma_start3A_381 : memref<100000x16xf32, #tpu.memory_space<hbm>>) target(%dma_start3A_372 : memref<128x16xf32, #tpu.memory_space<vmem>>) offsets(%dma_start3A_374 : memref<128xi32, #tpu.memory_space<vmem>>) semaphore(%arg14 : memref<!tpu.dma_semaphore, #tpu.memory_space<semaphore_mem>>)
      %dma_start3A_382 = arith.constant 2176 : i32
      %dma_start3A_383 = tpu.memref_slice %arg11[%dma_start3A_382] : memref<2560xf32, #tpu.memory_space<vmem>> -> memref<128xf32, #tpu.memory_space<vmem>>
      %dma_start3A_384 = arith.constant 2176 : i32
      %dma_start3A_385 = tpu.memref_slice %arg8[%dma_start3A_384] : memref<2560xi32, #tpu.memory_space<vmem>> -> memref<128xi32, #tpu.memory_space<vmem>>
      %dma_start3A_386 = arith.constant 0 : i32
      %dma_start3A_387 = tpu.memref_slice %arg5[%scan3A_8, %dma_start3A_386] : memref<26x100000xf32, #tpu.memory_space<hbm>> -> memref<1x100000xf32, #tpu.memory_space<hbm>>
      %dma_start3A_388 = tpu.memref_squeeze %dma_start3A_387 : memref<1x100000xf32, #tpu.memory_space<hbm>> -> memref<100000xf32, #tpu.memory_space<hbm>>
      %dma_start3A_389 = arith.constant 0 : i32
      %dma_start3A_390 = tpu.memref_slice %dma_start3A_388[%dma_start3A_389] : memref<100000xf32, #tpu.memory_space<hbm>> -> memref<100000xf32, #tpu.memory_space<hbm>>
      tpu.enqueue_indirect_dma source(%dma_start3A_390 : memref<100000xf32, #tpu.memory_space<hbm>>) target(%dma_start3A_383 : memref<128xf32, #tpu.memory_space<vmem>>) offsets(%dma_start3A_385 : memref<128xi32, #tpu.memory_space<vmem>>) semaphore(%arg15 : memref<!tpu.dma_semaphore, #tpu.memory_space<semaphore_mem>>)
      %dma_start3A_391 = arith.constant 2304 : i32
      %dma_start3A_392 = arith.constant 0 : i32
      %dma_start3A_393 = tpu.memref_slice %arg10[%dma_start3A_391, %dma_start3A_392] : memref<2560x16xf32, #tpu.memory_space<vmem>> -> memref<128x16xf32, #tpu.memory_space<vmem>>
      %dma_start3A_394 = arith.constant 2304 : i32
      %dma_start3A_395 = tpu.memref_slice %arg8[%dma_start3A_394] : memref<2560xi32, #tpu.memory_space<vmem>> -> memref<128xi32, #tpu.memory_space<vmem>>
      %dma_start3A_396 = arith.constant 0 : i32
      %dma_start3A_397 = arith.constant 0 : i32
      %dma_start3A_398 = tpu.memref_slice %arg4[%scan3A_8, %dma_start3A_396, %dma_start3A_397] : memref<26x100000x16xf32, #tpu.memory_space<hbm>> -> memref<1x100000x16xf32, #tpu.memory_space<hbm>>
      %dma_start3A_399 = tpu.memref_squeeze %dma_start3A_398 : memref<1x100000x16xf32, #tpu.memory_space<hbm>> -> memref<100000x16xf32, #tpu.memory_space<hbm>>
      %dma_start3A_400 = arith.constant 0 : i32
      %dma_start3A_401 = arith.constant 0 : i32
      %dma_start3A_402 = tpu.memref_slice %dma_start3A_399[%dma_start3A_400, %dma_start3A_401] : memref<100000x16xf32, #tpu.memory_space<hbm>> -> memref<100000x16xf32, #tpu.memory_space<hbm>>
      tpu.enqueue_indirect_dma source(%dma_start3A_402 : memref<100000x16xf32, #tpu.memory_space<hbm>>) target(%dma_start3A_393 : memref<128x16xf32, #tpu.memory_space<vmem>>) offsets(%dma_start3A_395 : memref<128xi32, #tpu.memory_space<vmem>>) semaphore(%arg14 : memref<!tpu.dma_semaphore, #tpu.memory_space<semaphore_mem>>)
      %dma_start3A_403 = arith.constant 2304 : i32
      %dma_start3A_404 = tpu.memref_slice %arg11[%dma_start3A_403] : memref<2560xf32, #tpu.memory_space<vmem>> -> memref<128xf32, #tpu.memory_space<vmem>>
      %dma_start3A_405 = arith.constant 2304 : i32
      %dma_start3A_406 = tpu.memref_slice %arg8[%dma_start3A_405] : memref<2560xi32, #tpu.memory_space<vmem>> -> memref<128xi32, #tpu.memory_space<vmem>>
      %dma_start3A_407 = arith.constant 0 : i32
      %dma_start3A_408 = tpu.memref_slice %arg5[%scan3A_8, %dma_start3A_407] : memref<26x100000xf32, #tpu.memory_space<hbm>> -> memref<1x100000xf32, #tpu.memory_space<hbm>>
      %dma_start3A_409 = tpu.memref_squeeze %dma_start3A_408 : memref<1x100000xf32, #tpu.memory_space<hbm>> -> memref<100000xf32, #tpu.memory_space<hbm>>
      %dma_start3A_410 = arith.constant 0 : i32
      %dma_start3A_411 = tpu.memref_slice %dma_start3A_409[%dma_start3A_410] : memref<100000xf32, #tpu.memory_space<hbm>> -> memref<100000xf32, #tpu.memory_space<hbm>>
      tpu.enqueue_indirect_dma source(%dma_start3A_411 : memref<100000xf32, #tpu.memory_space<hbm>>) target(%dma_start3A_404 : memref<128xf32, #tpu.memory_space<vmem>>) offsets(%dma_start3A_406 : memref<128xi32, #tpu.memory_space<vmem>>) semaphore(%arg15 : memref<!tpu.dma_semaphore, #tpu.memory_space<semaphore_mem>>)
      %dma_start3A_412 = arith.constant 2432 : i32
      %dma_start3A_413 = arith.constant 0 : i32
      %dma_start3A_414 = tpu.memref_slice %arg10[%dma_start3A_412, %dma_start3A_413] : memref<2560x16xf32, #tpu.memory_space<vmem>> -> memref<128x16xf32, #tpu.memory_space<vmem>>
      %dma_start3A_415 = arith.constant 2432 : i32
      %dma_start3A_416 = tpu.memref_slice %arg8[%dma_start3A_415] : memref<2560xi32, #tpu.memory_space<vmem>> -> memref<128xi32, #tpu.memory_space<vmem>>
      %dma_start3A_417 = arith.constant 0 : i32
      %dma_start3A_418 = arith.constant 0 : i32
      %dma_start3A_419 = tpu.memref_slice %arg4[%scan3A_8, %dma_start3A_417, %dma_start3A_418] : memref<26x100000x16xf32, #tpu.memory_space<hbm>> -> memref<1x100000x16xf32, #tpu.memory_space<hbm>>
      %dma_start3A_420 = tpu.memref_squeeze %dma_start3A_419 : memref<1x100000x16xf32, #tpu.memory_space<hbm>> -> memref<100000x16xf32, #tpu.memory_space<hbm>>
      %dma_start3A_421 = arith.constant 0 : i32
      %dma_start3A_422 = arith.constant 0 : i32
      %dma_start3A_423 = tpu.memref_slice %dma_start3A_420[%dma_start3A_421, %dma_start3A_422] : memref<100000x16xf32, #tpu.memory_space<hbm>> -> memref<100000x16xf32, #tpu.memory_space<hbm>>
      tpu.enqueue_indirect_dma source(%dma_start3A_423 : memref<100000x16xf32, #tpu.memory_space<hbm>>) target(%dma_start3A_414 : memref<128x16xf32, #tpu.memory_space<vmem>>) offsets(%dma_start3A_416 : memref<128xi32, #tpu.memory_space<vmem>>) semaphore(%arg14 : memref<!tpu.dma_semaphore, #tpu.memory_space<semaphore_mem>>)
      %dma_start3A_424 = arith.constant 2432 : i32
      %dma_start3A_425 = tpu.memref_slice %arg11[%dma_start3A_424] : memref<2560xf32, #tpu.memory_space<vmem>> -> memref<128xf32, #tpu.memory_space<vmem>>
      %dma_start3A_426 = arith.constant 2432 : i32
      %dma_start3A_427 = tpu.memref_slice %arg8[%dma_start3A_426] : memref<2560xi32, #tpu.memory_space<vmem>> -> memref<128xi32, #tpu.memory_space<vmem>>
      %dma_start3A_428 = arith.constant 0 : i32
      %dma_start3A_429 = tpu.memref_slice %arg5[%scan3A_8, %dma_start3A_428] : memref<26x100000xf32, #tpu.memory_space<hbm>> -> memref<1x100000xf32, #tpu.memory_space<hbm>>
      %dma_start3A_430 = tpu.memref_squeeze %dma_start3A_429 : memref<1x100000xf32, #tpu.memory_space<hbm>> -> memref<100000xf32, #tpu.memory_space<hbm>>
      %dma_start3A_431 = arith.constant 0 : i32
      %dma_start3A_432 = tpu.memref_slice %dma_start3A_430[%dma_start3A_431] : memref<100000xf32, #tpu.memory_space<hbm>> -> memref<100000xf32, #tpu.memory_space<hbm>>
      tpu.enqueue_indirect_dma source(%dma_start3A_432 : memref<100000xf32, #tpu.memory_space<hbm>>) target(%dma_start3A_425 : memref<128xf32, #tpu.memory_space<vmem>>) offsets(%dma_start3A_427 : memref<128xi32, #tpu.memory_space<vmem>>) semaphore(%arg15 : memref<!tpu.dma_semaphore, #tpu.memory_space<semaphore_mem>>)
      %dma_wait3A = arith.constant 0 : i32
      %dma_wait3A_433 = arith.constant 0 : i32
      %dma_wait3A_434 = tpu.memref_slice %arg10[%dma_wait3A, %dma_wait3A_433] : memref<2560x16xf32, #tpu.memory_space<vmem>> -> memref<128x16xf32, #tpu.memory_space<vmem>>
      %dma_wait3A_435 = arith.constant 0 : i32
      %dma_wait3A_436 = tpu.memref_slice %arg8[%dma_wait3A_435] : memref<2560xi32, #tpu.memory_space<vmem>> -> memref<128xi32, #tpu.memory_space<vmem>>
      %dma_wait3A_437 = arith.constant 0 : i32
      %dma_wait3A_438 = arith.constant 0 : i32
      %dma_wait3A_439 = tpu.memref_slice %arg4[%scan3A_8, %dma_wait3A_437, %dma_wait3A_438] : memref<26x100000x16xf32, #tpu.memory_space<hbm>> -> memref<1x100000x16xf32, #tpu.memory_space<hbm>>
      %dma_wait3A_440 = tpu.memref_squeeze %dma_wait3A_439 : memref<1x100000x16xf32, #tpu.memory_space<hbm>> -> memref<100000x16xf32, #tpu.memory_space<hbm>>
      %dma_wait3A_441 = arith.constant 0 : i32
      %dma_wait3A_442 = arith.constant 0 : i32
      %dma_wait3A_443 = tpu.memref_slice %dma_wait3A_440[%dma_wait3A_441, %dma_wait3A_442] : memref<100000x16xf32, #tpu.memory_space<hbm>> -> memref<100000x16xf32, #tpu.memory_space<hbm>>
      tpu.wait_indirect_dma semaphore(%arg14 : memref<!tpu.dma_semaphore, #tpu.memory_space<semaphore_mem>>) src(%dma_wait3A_443 : memref<100000x16xf32, #tpu.memory_space<hbm>>) dst(%dma_wait3A_434 : memref<128x16xf32, #tpu.memory_space<vmem>>)
      %dma_wait3A_444 = arith.constant 0 : i32
      %dma_wait3A_445 = tpu.memref_slice %arg11[%dma_wait3A_444] : memref<2560xf32, #tpu.memory_space<vmem>> -> memref<128xf32, #tpu.memory_space<vmem>>
      %dma_wait3A_446 = arith.constant 0 : i32
      %dma_wait3A_447 = tpu.memref_slice %arg8[%dma_wait3A_446] : memref<2560xi32, #tpu.memory_space<vmem>> -> memref<128xi32, #tpu.memory_space<vmem>>
      %dma_wait3A_448 = arith.constant 0 : i32
      %dma_wait3A_449 = tpu.memref_slice %arg5[%scan3A_8, %dma_wait3A_448] : memref<26x100000xf32, #tpu.memory_space<hbm>> -> memref<1x100000xf32, #tpu.memory_space<hbm>>
      %dma_wait3A_450 = tpu.memref_squeeze %dma_wait3A_449 : memref<1x100000xf32, #tpu.memory_space<hbm>> -> memref<100000xf32, #tpu.memory_space<hbm>>
      %dma_wait3A_451 = arith.constant 0 : i32
      %dma_wait3A_452 = tpu.memref_slice %dma_wait3A_450[%dma_wait3A_451] : memref<100000xf32, #tpu.memory_space<hbm>> -> memref<100000xf32, #tpu.memory_space<hbm>>
      tpu.wait_indirect_dma semaphore(%arg15 : memref<!tpu.dma_semaphore, #tpu.memory_space<semaphore_mem>>) src(%dma_wait3A_452 : memref<100000xf32, #tpu.memory_space<hbm>>) dst(%dma_wait3A_445 : memref<128xf32, #tpu.memory_space<vmem>>)
      %dma_wait3A_453 = arith.constant 128 : i32
      %dma_wait3A_454 = arith.constant 0 : i32
      %dma_wait3A_455 = tpu.memref_slice %arg10[%dma_wait3A_453, %dma_wait3A_454] : memref<2560x16xf32, #tpu.memory_space<vmem>> -> memref<128x16xf32, #tpu.memory_space<vmem>>
      %dma_wait3A_456 = arith.constant 128 : i32
      %dma_wait3A_457 = tpu.memref_slice %arg8[%dma_wait3A_456] : memref<2560xi32, #tpu.memory_space<vmem>> -> memref<128xi32, #tpu.memory_space<vmem>>
      %dma_wait3A_458 = arith.constant 0 : i32
      %dma_wait3A_459 = arith.constant 0 : i32
      %dma_wait3A_460 = tpu.memref_slice %arg4[%scan3A_8, %dma_wait3A_458, %dma_wait3A_459] : memref<26x100000x16xf32, #tpu.memory_space<hbm>> -> memref<1x100000x16xf32, #tpu.memory_space<hbm>>
      %dma_wait3A_461 = tpu.memref_squeeze %dma_wait3A_460 : memref<1x100000x16xf32, #tpu.memory_space<hbm>> -> memref<100000x16xf32, #tpu.memory_space<hbm>>
      %dma_wait3A_462 = arith.constant 0 : i32
      %dma_wait3A_463 = arith.constant 0 : i32
      %dma_wait3A_464 = tpu.memref_slice %dma_wait3A_461[%dma_wait3A_462, %dma_wait3A_463] : memref<100000x16xf32, #tpu.memory_space<hbm>> -> memref<100000x16xf32, #tpu.memory_space<hbm>>
      tpu.wait_indirect_dma semaphore(%arg14 : memref<!tpu.dma_semaphore, #tpu.memory_space<semaphore_mem>>) src(%dma_wait3A_464 : memref<100000x16xf32, #tpu.memory_space<hbm>>) dst(%dma_wait3A_455 : memref<128x16xf32, #tpu.memory_space<vmem>>)
      %dma_wait3A_465 = arith.constant 128 : i32
      %dma_wait3A_466 = tpu.memref_slice %arg11[%dma_wait3A_465] : memref<2560xf32, #tpu.memory_space<vmem>> -> memref<128xf32, #tpu.memory_space<vmem>>
      %dma_wait3A_467 = arith.constant 128 : i32
      %dma_wait3A_468 = tpu.memref_slice %arg8[%dma_wait3A_467] : memref<2560xi32, #tpu.memory_space<vmem>> -> memref<128xi32, #tpu.memory_space<vmem>>
      %dma_wait3A_469 = arith.constant 0 : i32
      %dma_wait3A_470 = tpu.memref_slice %arg5[%scan3A_8, %dma_wait3A_469] : memref<26x100000xf32, #tpu.memory_space<hbm>> -> memref<1x100000xf32, #tpu.memory_space<hbm>>
      %dma_wait3A_471 = tpu.memref_squeeze %dma_wait3A_470 : memref<1x100000xf32, #tpu.memory_space<hbm>> -> memref<100000xf32, #tpu.memory_space<hbm>>
      %dma_wait3A_472 = arith.constant 0 : i32
      %dma_wait3A_473 = tpu.memref_slice %dma_wait3A_471[%dma_wait3A_472] : memref<100000xf32, #tpu.memory_space<hbm>> -> memref<100000xf32, #tpu.memory_space<hbm>>
      tpu.wait_indirect_dma semaphore(%arg15 : memref<!tpu.dma_semaphore, #tpu.memory_space<semaphore_mem>>) src(%dma_wait3A_473 : memref<100000xf32, #tpu.memory_space<hbm>>) dst(%dma_wait3A_466 : memref<128xf32, #tpu.memory_space<vmem>>)
      %dma_wait3A_474 = arith.constant 256 : i32
      %dma_wait3A_475 = arith.constant 0 : i32
      %dma_wait3A_476 = tpu.memref_slice %arg10[%dma_wait3A_474, %dma_wait3A_475] : memref<2560x16xf32, #tpu.memory_space<vmem>> -> memref<128x16xf32, #tpu.memory_space<vmem>>
      %dma_wait3A_477 = arith.constant 256 : i32
      %dma_wait3A_478 = tpu.memref_slice %arg8[%dma_wait3A_477] : memref<2560xi32, #tpu.memory_space<vmem>> -> memref<128xi32, #tpu.memory_space<vmem>>
      %dma_wait3A_479 = arith.constant 0 : i32
      %dma_wait3A_480 = arith.constant 0 : i32
      %dma_wait3A_481 = tpu.memref_slice %arg4[%scan3A_8, %dma_wait3A_479, %dma_wait3A_480] : memref<26x100000x16xf32, #tpu.memory_space<hbm>> -> memref<1x100000x16xf32, #tpu.memory_space<hbm>>
      %dma_wait3A_482 = tpu.memref_squeeze %dma_wait3A_481 : memref<1x100000x16xf32, #tpu.memory_space<hbm>> -> memref<100000x16xf32, #tpu.memory_space<hbm>>
      %dma_wait3A_483 = arith.constant 0 : i32
      %dma_wait3A_484 = arith.constant 0 : i32
      %dma_wait3A_485 = tpu.memref_slice %dma_wait3A_482[%dma_wait3A_483, %dma_wait3A_484] : memref<100000x16xf32, #tpu.memory_space<hbm>> -> memref<100000x16xf32, #tpu.memory_space<hbm>>
      tpu.wait_indirect_dma semaphore(%arg14 : memref<!tpu.dma_semaphore, #tpu.memory_space<semaphore_mem>>) src(%dma_wait3A_485 : memref<100000x16xf32, #tpu.memory_space<hbm>>) dst(%dma_wait3A_476 : memref<128x16xf32, #tpu.memory_space<vmem>>)
      %dma_wait3A_486 = arith.constant 256 : i32
      %dma_wait3A_487 = tpu.memref_slice %arg11[%dma_wait3A_486] : memref<2560xf32, #tpu.memory_space<vmem>> -> memref<128xf32, #tpu.memory_space<vmem>>
      %dma_wait3A_488 = arith.constant 256 : i32
      %dma_wait3A_489 = tpu.memref_slice %arg8[%dma_wait3A_488] : memref<2560xi32, #tpu.memory_space<vmem>> -> memref<128xi32, #tpu.memory_space<vmem>>
      %dma_wait3A_490 = arith.constant 0 : i32
      %dma_wait3A_491 = tpu.memref_slice %arg5[%scan3A_8, %dma_wait3A_490] : memref<26x100000xf32, #tpu.memory_space<hbm>> -> memref<1x100000xf32, #tpu.memory_space<hbm>>
      %dma_wait3A_492 = tpu.memref_squeeze %dma_wait3A_491 : memref<1x100000xf32, #tpu.memory_space<hbm>> -> memref<100000xf32, #tpu.memory_space<hbm>>
      %dma_wait3A_493 = arith.constant 0 : i32
      %dma_wait3A_494 = tpu.memref_slice %dma_wait3A_492[%dma_wait3A_493] : memref<100000xf32, #tpu.memory_space<hbm>> -> memref<100000xf32, #tpu.memory_space<hbm>>
      tpu.wait_indirect_dma semaphore(%arg15 : memref<!tpu.dma_semaphore, #tpu.memory_space<semaphore_mem>>) src(%dma_wait3A_494 : memref<100000xf32, #tpu.memory_space<hbm>>) dst(%dma_wait3A_487 : memref<128xf32, #tpu.memory_space<vmem>>)
      %dma_wait3A_495 = arith.constant 384 : i32
      %dma_wait3A_496 = arith.constant 0 : i32
      %dma_wait3A_497 = tpu.memref_slice %arg10[%dma_wait3A_495, %dma_wait3A_496] : memref<2560x16xf32, #tpu.memory_space<vmem>> -> memref<128x16xf32, #tpu.memory_space<vmem>>
      %dma_wait3A_498 = arith.constant 384 : i32
      %dma_wait3A_499 = tpu.memref_slice %arg8[%dma_wait3A_498] : memref<2560xi32, #tpu.memory_space<vmem>> -> memref<128xi32, #tpu.memory_space<vmem>>
      %dma_wait3A_500 = arith.constant 0 : i32
      %dma_wait3A_501 = arith.constant 0 : i32
      %dma_wait3A_502 = tpu.memref_slice %arg4[%scan3A_8, %dma_wait3A_500, %dma_wait3A_501] : memref<26x100000x16xf32, #tpu.memory_space<hbm>> -> memref<1x100000x16xf32, #tpu.memory_space<hbm>>
      %dma_wait3A_503 = tpu.memref_squeeze %dma_wait3A_502 : memref<1x100000x16xf32, #tpu.memory_space<hbm>> -> memref<100000x16xf32, #tpu.memory_space<hbm>>
      %dma_wait3A_504 = arith.constant 0 : i32
      %dma_wait3A_505 = arith.constant 0 : i32
      %dma_wait3A_506 = tpu.memref_slice %dma_wait3A_503[%dma_wait3A_504, %dma_wait3A_505] : memref<100000x16xf32, #tpu.memory_space<hbm>> -> memref<100000x16xf32, #tpu.memory_space<hbm>>
      tpu.wait_indirect_dma semaphore(%arg14 : memref<!tpu.dma_semaphore, #tpu.memory_space<semaphore_mem>>) src(%dma_wait3A_506 : memref<100000x16xf32, #tpu.memory_space<hbm>>) dst(%dma_wait3A_497 : memref<128x16xf32, #tpu.memory_space<vmem>>)
      %dma_wait3A_507 = arith.constant 384 : i32
      %dma_wait3A_508 = tpu.memref_slice %arg11[%dma_wait3A_507] : memref<2560xf32, #tpu.memory_space<vmem>> -> memref<128xf32, #tpu.memory_space<vmem>>
      %dma_wait3A_509 = arith.constant 384 : i32
      %dma_wait3A_510 = tpu.memref_slice %arg8[%dma_wait3A_509] : memref<2560xi32, #tpu.memory_space<vmem>> -> memref<128xi32, #tpu.memory_space<vmem>>
      %dma_wait3A_511 = arith.constant 0 : i32
      %dma_wait3A_512 = tpu.memref_slice %arg5[%scan3A_8, %dma_wait3A_511] : memref<26x100000xf32, #tpu.memory_space<hbm>> -> memref<1x100000xf32, #tpu.memory_space<hbm>>
      %dma_wait3A_513 = tpu.memref_squeeze %dma_wait3A_512 : memref<1x100000xf32, #tpu.memory_space<hbm>> -> memref<100000xf32, #tpu.memory_space<hbm>>
      %dma_wait3A_514 = arith.constant 0 : i32
      %dma_wait3A_515 = tpu.memref_slice %dma_wait3A_513[%dma_wait3A_514] : memref<100000xf32, #tpu.memory_space<hbm>> -> memref<100000xf32, #tpu.memory_space<hbm>>
      tpu.wait_indirect_dma semaphore(%arg15 : memref<!tpu.dma_semaphore, #tpu.memory_space<semaphore_mem>>) src(%dma_wait3A_515 : memref<100000xf32, #tpu.memory_space<hbm>>) dst(%dma_wait3A_508 : memref<128xf32, #tpu.memory_space<vmem>>)
      %dma_wait3A_516 = arith.constant 512 : i32
      %dma_wait3A_517 = arith.constant 0 : i32
      %dma_wait3A_518 = tpu.memref_slice %arg10[%dma_wait3A_516, %dma_wait3A_517] : memref<2560x16xf32, #tpu.memory_space<vmem>> -> memref<128x16xf32, #tpu.memory_space<vmem>>
      %dma_wait3A_519 = arith.constant 512 : i32
      %dma_wait3A_520 = tpu.memref_slice %arg8[%dma_wait3A_519] : memref<2560xi32, #tpu.memory_space<vmem>> -> memref<128xi32, #tpu.memory_space<vmem>>
      %dma_wait3A_521 = arith.constant 0 : i32
      %dma_wait3A_522 = arith.constant 0 : i32
      %dma_wait3A_523 = tpu.memref_slice %arg4[%scan3A_8, %dma_wait3A_521, %dma_wait3A_522] : memref<26x100000x16xf32, #tpu.memory_space<hbm>> -> memref<1x100000x16xf32, #tpu.memory_space<hbm>>
      %dma_wait3A_524 = tpu.memref_squeeze %dma_wait3A_523 : memref<1x100000x16xf32, #tpu.memory_space<hbm>> -> memref<100000x16xf32, #tpu.memory_space<hbm>>
      %dma_wait3A_525 = arith.constant 0 : i32
      %dma_wait3A_526 = arith.constant 0 : i32
      %dma_wait3A_527 = tpu.memref_slice %dma_wait3A_524[%dma_wait3A_525, %dma_wait3A_526] : memref<100000x16xf32, #tpu.memory_space<hbm>> -> memref<100000x16xf32, #tpu.memory_space<hbm>>
      tpu.wait_indirect_dma semaphore(%arg14 : memref<!tpu.dma_semaphore, #tpu.memory_space<semaphore_mem>>) src(%dma_wait3A_527 : memref<100000x16xf32, #tpu.memory_space<hbm>>) dst(%dma_wait3A_518 : memref<128x16xf32, #tpu.memory_space<vmem>>)
      %dma_wait3A_528 = arith.constant 512 : i32
      %dma_wait3A_529 = tpu.memref_slice %arg11[%dma_wait3A_528] : memref<2560xf32, #tpu.memory_space<vmem>> -> memref<128xf32, #tpu.memory_space<vmem>>
      %dma_wait3A_530 = arith.constant 512 : i32
      %dma_wait3A_531 = tpu.memref_slice %arg8[%dma_wait3A_530] : memref<2560xi32, #tpu.memory_space<vmem>> -> memref<128xi32, #tpu.memory_space<vmem>>
      %dma_wait3A_532 = arith.constant 0 : i32
      %dma_wait3A_533 = tpu.memref_slice %arg5[%scan3A_8, %dma_wait3A_532] : memref<26x100000xf32, #tpu.memory_space<hbm>> -> memref<1x100000xf32, #tpu.memory_space<hbm>>
      %dma_wait3A_534 = tpu.memref_squeeze %dma_wait3A_533 : memref<1x100000xf32, #tpu.memory_space<hbm>> -> memref<100000xf32, #tpu.memory_space<hbm>>
      %dma_wait3A_535 = arith.constant 0 : i32
      %dma_wait3A_536 = tpu.memref_slice %dma_wait3A_534[%dma_wait3A_535] : memref<100000xf32, #tpu.memory_space<hbm>> -> memref<100000xf32, #tpu.memory_space<hbm>>
      tpu.wait_indirect_dma semaphore(%arg15 : memref<!tpu.dma_semaphore, #tpu.memory_space<semaphore_mem>>) src(%dma_wait3A_536 : memref<100000xf32, #tpu.memory_space<hbm>>) dst(%dma_wait3A_529 : memref<128xf32, #tpu.memory_space<vmem>>)
      %dma_wait3A_537 = arith.constant 640 : i32
      %dma_wait3A_538 = arith.constant 0 : i32
      %dma_wait3A_539 = tpu.memref_slice %arg10[%dma_wait3A_537, %dma_wait3A_538] : memref<2560x16xf32, #tpu.memory_space<vmem>> -> memref<128x16xf32, #tpu.memory_space<vmem>>
      %dma_wait3A_540 = arith.constant 640 : i32
      %dma_wait3A_541 = tpu.memref_slice %arg8[%dma_wait3A_540] : memref<2560xi32, #tpu.memory_space<vmem>> -> memref<128xi32, #tpu.memory_space<vmem>>
      %dma_wait3A_542 = arith.constant 0 : i32
      %dma_wait3A_543 = arith.constant 0 : i32
      %dma_wait3A_544 = tpu.memref_slice %arg4[%scan3A_8, %dma_wait3A_542, %dma_wait3A_543] : memref<26x100000x16xf32, #tpu.memory_space<hbm>> -> memref<1x100000x16xf32, #tpu.memory_space<hbm>>
      %dma_wait3A_545 = tpu.memref_squeeze %dma_wait3A_544 : memref<1x100000x16xf32, #tpu.memory_space<hbm>> -> memref<100000x16xf32, #tpu.memory_space<hbm>>
      %dma_wait3A_546 = arith.constant 0 : i32
      %dma_wait3A_547 = arith.constant 0 : i32
      %dma_wait3A_548 = tpu.memref_slice %dma_wait3A_545[%dma_wait3A_546, %dma_wait3A_547] : memref<100000x16xf32, #tpu.memory_space<hbm>> -> memref<100000x16xf32, #tpu.memory_space<hbm>>
      tpu.wait_indirect_dma semaphore(%arg14 : memref<!tpu.dma_semaphore, #tpu.memory_space<semaphore_mem>>) src(%dma_wait3A_548 : memref<100000x16xf32, #tpu.memory_space<hbm>>) dst(%dma_wait3A_539 : memref<128x16xf32, #tpu.memory_space<vmem>>)
      %dma_wait3A_549 = arith.constant 640 : i32
      %dma_wait3A_550 = tpu.memref_slice %arg11[%dma_wait3A_549] : memref<2560xf32, #tpu.memory_space<vmem>> -> memref<128xf32, #tpu.memory_space<vmem>>
      %dma_wait3A_551 = arith.constant 640 : i32
      %dma_wait3A_552 = tpu.memref_slice %arg8[%dma_wait3A_551] : memref<2560xi32, #tpu.memory_space<vmem>> -> memref<128xi32, #tpu.memory_space<vmem>>
      %dma_wait3A_553 = arith.constant 0 : i32
      %dma_wait3A_554 = tpu.memref_slice %arg5[%scan3A_8, %dma_wait3A_553] : memref<26x100000xf32, #tpu.memory_space<hbm>> -> memref<1x100000xf32, #tpu.memory_space<hbm>>
      %dma_wait3A_555 = tpu.memref_squeeze %dma_wait3A_554 : memref<1x100000xf32, #tpu.memory_space<hbm>> -> memref<100000xf32, #tpu.memory_space<hbm>>
      %dma_wait3A_556 = arith.constant 0 : i32
      %dma_wait3A_557 = tpu.memref_slice %dma_wait3A_555[%dma_wait3A_556] : memref<100000xf32, #tpu.memory_space<hbm>> -> memref<100000xf32, #tpu.memory_space<hbm>>
      tpu.wait_indirect_dma semaphore(%arg15 : memref<!tpu.dma_semaphore, #tpu.memory_space<semaphore_mem>>) src(%dma_wait3A_557 : memref<100000xf32, #tpu.memory_space<hbm>>) dst(%dma_wait3A_550 : memref<128xf32, #tpu.memory_space<vmem>>)
      %dma_wait3A_558 = arith.constant 768 : i32
      %dma_wait3A_559 = arith.constant 0 : i32
      %dma_wait3A_560 = tpu.memref_slice %arg10[%dma_wait3A_558, %dma_wait3A_559] : memref<2560x16xf32, #tpu.memory_space<vmem>> -> memref<128x16xf32, #tpu.memory_space<vmem>>
      %dma_wait3A_561 = arith.constant 768 : i32
      %dma_wait3A_562 = tpu.memref_slice %arg8[%dma_wait3A_561] : memref<2560xi32, #tpu.memory_space<vmem>> -> memref<128xi32, #tpu.memory_space<vmem>>
      %dma_wait3A_563 = arith.constant 0 : i32
      %dma_wait3A_564 = arith.constant 0 : i32
      %dma_wait3A_565 = tpu.memref_slice %arg4[%scan3A_8, %dma_wait3A_563, %dma_wait3A_564] : memref<26x100000x16xf32, #tpu.memory_space<hbm>> -> memref<1x100000x16xf32, #tpu.memory_space<hbm>>
      %dma_wait3A_566 = tpu.memref_squeeze %dma_wait3A_565 : memref<1x100000x16xf32, #tpu.memory_space<hbm>> -> memref<100000x16xf32, #tpu.memory_space<hbm>>
      %dma_wait3A_567 = arith.constant 0 : i32
      %dma_wait3A_568 = arith.constant 0 : i32
      %dma_wait3A_569 = tpu.memref_slice %dma_wait3A_566[%dma_wait3A_567, %dma_wait3A_568] : memref<100000x16xf32, #tpu.memory_space<hbm>> -> memref<100000x16xf32, #tpu.memory_space<hbm>>
      tpu.wait_indirect_dma semaphore(%arg14 : memref<!tpu.dma_semaphore, #tpu.memory_space<semaphore_mem>>) src(%dma_wait3A_569 : memref<100000x16xf32, #tpu.memory_space<hbm>>) dst(%dma_wait3A_560 : memref<128x16xf32, #tpu.memory_space<vmem>>)
      %dma_wait3A_570 = arith.constant 768 : i32
      %dma_wait3A_571 = tpu.memref_slice %arg11[%dma_wait3A_570] : memref<2560xf32, #tpu.memory_space<vmem>> -> memref<128xf32, #tpu.memory_space<vmem>>
      %dma_wait3A_572 = arith.constant 768 : i32
      %dma_wait3A_573 = tpu.memref_slice %arg8[%dma_wait3A_572] : memref<2560xi32, #tpu.memory_space<vmem>> -> memref<128xi32, #tpu.memory_space<vmem>>
      %dma_wait3A_574 = arith.constant 0 : i32
      %dma_wait3A_575 = tpu.memref_slice %arg5[%scan3A_8, %dma_wait3A_574] : memref<26x100000xf32, #tpu.memory_space<hbm>> -> memref<1x100000xf32, #tpu.memory_space<hbm>>
      %dma_wait3A_576 = tpu.memref_squeeze %dma_wait3A_575 : memref<1x100000xf32, #tpu.memory_space<hbm>> -> memref<100000xf32, #tpu.memory_space<hbm>>
      %dma_wait3A_577 = arith.constant 0 : i32
      %dma_wait3A_578 = tpu.memref_slice %dma_wait3A_576[%dma_wait3A_577] : memref<100000xf32, #tpu.memory_space<hbm>> -> memref<100000xf32, #tpu.memory_space<hbm>>
      tpu.wait_indirect_dma semaphore(%arg15 : memref<!tpu.dma_semaphore, #tpu.memory_space<semaphore_mem>>) src(%dma_wait3A_578 : memref<100000xf32, #tpu.memory_space<hbm>>) dst(%dma_wait3A_571 : memref<128xf32, #tpu.memory_space<vmem>>)
      %dma_wait3A_579 = arith.constant 896 : i32
      %dma_wait3A_580 = arith.constant 0 : i32
      %dma_wait3A_581 = tpu.memref_slice %arg10[%dma_wait3A_579, %dma_wait3A_580] : memref<2560x16xf32, #tpu.memory_space<vmem>> -> memref<128x16xf32, #tpu.memory_space<vmem>>
      %dma_wait3A_582 = arith.constant 896 : i32
      %dma_wait3A_583 = tpu.memref_slice %arg8[%dma_wait3A_582] : memref<2560xi32, #tpu.memory_space<vmem>> -> memref<128xi32, #tpu.memory_space<vmem>>
      %dma_wait3A_584 = arith.constant 0 : i32
      %dma_wait3A_585 = arith.constant 0 : i32
      %dma_wait3A_586 = tpu.memref_slice %arg4[%scan3A_8, %dma_wait3A_584, %dma_wait3A_585] : memref<26x100000x16xf32, #tpu.memory_space<hbm>> -> memref<1x100000x16xf32, #tpu.memory_space<hbm>>
      %dma_wait3A_587 = tpu.memref_squeeze %dma_wait3A_586 : memref<1x100000x16xf32, #tpu.memory_space<hbm>> -> memref<100000x16xf32, #tpu.memory_space<hbm>>
      %dma_wait3A_588 = arith.constant 0 : i32
      %dma_wait3A_589 = arith.constant 0 : i32
      %dma_wait3A_590 = tpu.memref_slice %dma_wait3A_587[%dma_wait3A_588, %dma_wait3A_589] : memref<100000x16xf32, #tpu.memory_space<hbm>> -> memref<100000x16xf32, #tpu.memory_space<hbm>>
      tpu.wait_indirect_dma semaphore(%arg14 : memref<!tpu.dma_semaphore, #tpu.memory_space<semaphore_mem>>) src(%dma_wait3A_590 : memref<100000x16xf32, #tpu.memory_space<hbm>>) dst(%dma_wait3A_581 : memref<128x16xf32, #tpu.memory_space<vmem>>)
      %dma_wait3A_591 = arith.constant 896 : i32
      %dma_wait3A_592 = tpu.memref_slice %arg11[%dma_wait3A_591] : memref<2560xf32, #tpu.memory_space<vmem>> -> memref<128xf32, #tpu.memory_space<vmem>>
      %dma_wait3A_593 = arith.constant 896 : i32
      %dma_wait3A_594 = tpu.memref_slice %arg8[%dma_wait3A_593] : memref<2560xi32, #tpu.memory_space<vmem>> -> memref<128xi32, #tpu.memory_space<vmem>>
      %dma_wait3A_595 = arith.constant 0 : i32
      %dma_wait3A_596 = tpu.memref_slice %arg5[%scan3A_8, %dma_wait3A_595] : memref<26x100000xf32, #tpu.memory_space<hbm>> -> memref<1x100000xf32, #tpu.memory_space<hbm>>
      %dma_wait3A_597 = tpu.memref_squeeze %dma_wait3A_596 : memref<1x100000xf32, #tpu.memory_space<hbm>> -> memref<100000xf32, #tpu.memory_space<hbm>>
      %dma_wait3A_598 = arith.constant 0 : i32
      %dma_wait3A_599 = tpu.memref_slice %dma_wait3A_597[%dma_wait3A_598] : memref<100000xf32, #tpu.memory_space<hbm>> -> memref<100000xf32, #tpu.memory_space<hbm>>
      tpu.wait_indirect_dma semaphore(%arg15 : memref<!tpu.dma_semaphore, #tpu.memory_space<semaphore_mem>>) src(%dma_wait3A_599 : memref<100000xf32, #tpu.memory_space<hbm>>) dst(%dma_wait3A_592 : memref<128xf32, #tpu.memory_space<vmem>>)
      %dma_wait3A_600 = arith.constant 1024 : i32
      %dma_wait3A_601 = arith.constant 0 : i32
      %dma_wait3A_602 = tpu.memref_slice %arg10[%dma_wait3A_600, %dma_wait3A_601] : memref<2560x16xf32, #tpu.memory_space<vmem>> -> memref<128x16xf32, #tpu.memory_space<vmem>>
      %dma_wait3A_603 = arith.constant 1024 : i32
      %dma_wait3A_604 = tpu.memref_slice %arg8[%dma_wait3A_603] : memref<2560xi32, #tpu.memory_space<vmem>> -> memref<128xi32, #tpu.memory_space<vmem>>
      %dma_wait3A_605 = arith.constant 0 : i32
      %dma_wait3A_606 = arith.constant 0 : i32
      %dma_wait3A_607 = tpu.memref_slice %arg4[%scan3A_8, %dma_wait3A_605, %dma_wait3A_606] : memref<26x100000x16xf32, #tpu.memory_space<hbm>> -> memref<1x100000x16xf32, #tpu.memory_space<hbm>>
      %dma_wait3A_608 = tpu.memref_squeeze %dma_wait3A_607 : memref<1x100000x16xf32, #tpu.memory_space<hbm>> -> memref<100000x16xf32, #tpu.memory_space<hbm>>
      %dma_wait3A_609 = arith.constant 0 : i32
      %dma_wait3A_610 = arith.constant 0 : i32
      %dma_wait3A_611 = tpu.memref_slice %dma_wait3A_608[%dma_wait3A_609, %dma_wait3A_610] : memref<100000x16xf32, #tpu.memory_space<hbm>> -> memref<100000x16xf32, #tpu.memory_space<hbm>>
      tpu.wait_indirect_dma semaphore(%arg14 : memref<!tpu.dma_semaphore, #tpu.memory_space<semaphore_mem>>) src(%dma_wait3A_611 : memref<100000x16xf32, #tpu.memory_space<hbm>>) dst(%dma_wait3A_602 : memref<128x16xf32, #tpu.memory_space<vmem>>)
      %dma_wait3A_612 = arith.constant 1024 : i32
      %dma_wait3A_613 = tpu.memref_slice %arg11[%dma_wait3A_612] : memref<2560xf32, #tpu.memory_space<vmem>> -> memref<128xf32, #tpu.memory_space<vmem>>
      %dma_wait3A_614 = arith.constant 1024 : i32
      %dma_wait3A_615 = tpu.memref_slice %arg8[%dma_wait3A_614] : memref<2560xi32, #tpu.memory_space<vmem>> -> memref<128xi32, #tpu.memory_space<vmem>>
      %dma_wait3A_616 = arith.constant 0 : i32
      %dma_wait3A_617 = tpu.memref_slice %arg5[%scan3A_8, %dma_wait3A_616] : memref<26x100000xf32, #tpu.memory_space<hbm>> -> memref<1x100000xf32, #tpu.memory_space<hbm>>
      %dma_wait3A_618 = tpu.memref_squeeze %dma_wait3A_617 : memref<1x100000xf32, #tpu.memory_space<hbm>> -> memref<100000xf32, #tpu.memory_space<hbm>>
      %dma_wait3A_619 = arith.constant 0 : i32
      %dma_wait3A_620 = tpu.memref_slice %dma_wait3A_618[%dma_wait3A_619] : memref<100000xf32, #tpu.memory_space<hbm>> -> memref<100000xf32, #tpu.memory_space<hbm>>
      tpu.wait_indirect_dma semaphore(%arg15 : memref<!tpu.dma_semaphore, #tpu.memory_space<semaphore_mem>>) src(%dma_wait3A_620 : memref<100000xf32, #tpu.memory_space<hbm>>) dst(%dma_wait3A_613 : memref<128xf32, #tpu.memory_space<vmem>>)
      %dma_wait3A_621 = arith.constant 1152 : i32
      %dma_wait3A_622 = arith.constant 0 : i32
      %dma_wait3A_623 = tpu.memref_slice %arg10[%dma_wait3A_621, %dma_wait3A_622] : memref<2560x16xf32, #tpu.memory_space<vmem>> -> memref<128x16xf32, #tpu.memory_space<vmem>>
      %dma_wait3A_624 = arith.constant 1152 : i32
      %dma_wait3A_625 = tpu.memref_slice %arg8[%dma_wait3A_624] : memref<2560xi32, #tpu.memory_space<vmem>> -> memref<128xi32, #tpu.memory_space<vmem>>
      %dma_wait3A_626 = arith.constant 0 : i32
      %dma_wait3A_627 = arith.constant 0 : i32
      %dma_wait3A_628 = tpu.memref_slice %arg4[%scan3A_8, %dma_wait3A_626, %dma_wait3A_627] : memref<26x100000x16xf32, #tpu.memory_space<hbm>> -> memref<1x100000x16xf32, #tpu.memory_space<hbm>>
      %dma_wait3A_629 = tpu.memref_squeeze %dma_wait3A_628 : memref<1x100000x16xf32, #tpu.memory_space<hbm>> -> memref<100000x16xf32, #tpu.memory_space<hbm>>
      %dma_wait3A_630 = arith.constant 0 : i32
      %dma_wait3A_631 = arith.constant 0 : i32
      %dma_wait3A_632 = tpu.memref_slice %dma_wait3A_629[%dma_wait3A_630, %dma_wait3A_631] : memref<100000x16xf32, #tpu.memory_space<hbm>> -> memref<100000x16xf32, #tpu.memory_space<hbm>>
      tpu.wait_indirect_dma semaphore(%arg14 : memref<!tpu.dma_semaphore, #tpu.memory_space<semaphore_mem>>) src(%dma_wait3A_632 : memref<100000x16xf32, #tpu.memory_space<hbm>>) dst(%dma_wait3A_623 : memref<128x16xf32, #tpu.memory_space<vmem>>)
      %dma_wait3A_633 = arith.constant 1152 : i32
      %dma_wait3A_634 = tpu.memref_slice %arg11[%dma_wait3A_633] : memref<2560xf32, #tpu.memory_space<vmem>> -> memref<128xf32, #tpu.memory_space<vmem>>
      %dma_wait3A_635 = arith.constant 1152 : i32
      %dma_wait3A_636 = tpu.memref_slice %arg8[%dma_wait3A_635] : memref<2560xi32, #tpu.memory_space<vmem>> -> memref<128xi32, #tpu.memory_space<vmem>>
      %dma_wait3A_637 = arith.constant 0 : i32
      %dma_wait3A_638 = tpu.memref_slice %arg5[%scan3A_8, %dma_wait3A_637] : memref<26x100000xf32, #tpu.memory_space<hbm>> -> memref<1x100000xf32, #tpu.memory_space<hbm>>
      %dma_wait3A_639 = tpu.memref_squeeze %dma_wait3A_638 : memref<1x100000xf32, #tpu.memory_space<hbm>> -> memref<100000xf32, #tpu.memory_space<hbm>>
      %dma_wait3A_640 = arith.constant 0 : i32
      %dma_wait3A_641 = tpu.memref_slice %dma_wait3A_639[%dma_wait3A_640] : memref<100000xf32, #tpu.memory_space<hbm>> -> memref<100000xf32, #tpu.memory_space<hbm>>
      tpu.wait_indirect_dma semaphore(%arg15 : memref<!tpu.dma_semaphore, #tpu.memory_space<semaphore_mem>>) src(%dma_wait3A_641 : memref<100000xf32, #tpu.memory_space<hbm>>) dst(%dma_wait3A_634 : memref<128xf32, #tpu.memory_space<vmem>>)
      %dma_wait3A_642 = arith.constant 1280 : i32
      %dma_wait3A_643 = arith.constant 0 : i32
      %dma_wait3A_644 = tpu.memref_slice %arg10[%dma_wait3A_642, %dma_wait3A_643] : memref<2560x16xf32, #tpu.memory_space<vmem>> -> memref<128x16xf32, #tpu.memory_space<vmem>>
      %dma_wait3A_645 = arith.constant 1280 : i32
      %dma_wait3A_646 = tpu.memref_slice %arg8[%dma_wait3A_645] : memref<2560xi32, #tpu.memory_space<vmem>> -> memref<128xi32, #tpu.memory_space<vmem>>
      %dma_wait3A_647 = arith.constant 0 : i32
      %dma_wait3A_648 = arith.constant 0 : i32
      %dma_wait3A_649 = tpu.memref_slice %arg4[%scan3A_8, %dma_wait3A_647, %dma_wait3A_648] : memref<26x100000x16xf32, #tpu.memory_space<hbm>> -> memref<1x100000x16xf32, #tpu.memory_space<hbm>>
      %dma_wait3A_650 = tpu.memref_squeeze %dma_wait3A_649 : memref<1x100000x16xf32, #tpu.memory_space<hbm>> -> memref<100000x16xf32, #tpu.memory_space<hbm>>
      %dma_wait3A_651 = arith.constant 0 : i32
      %dma_wait3A_652 = arith.constant 0 : i32
      %dma_wait3A_653 = tpu.memref_slice %dma_wait3A_650[%dma_wait3A_651, %dma_wait3A_652] : memref<100000x16xf32, #tpu.memory_space<hbm>> -> memref<100000x16xf32, #tpu.memory_space<hbm>>
      tpu.wait_indirect_dma semaphore(%arg14 : memref<!tpu.dma_semaphore, #tpu.memory_space<semaphore_mem>>) src(%dma_wait3A_653 : memref<100000x16xf32, #tpu.memory_space<hbm>>) dst(%dma_wait3A_644 : memref<128x16xf32, #tpu.memory_space<vmem>>)
      %dma_wait3A_654 = arith.constant 1280 : i32
      %dma_wait3A_655 = tpu.memref_slice %arg11[%dma_wait3A_654] : memref<2560xf32, #tpu.memory_space<vmem>> -> memref<128xf32, #tpu.memory_space<vmem>>
      %dma_wait3A_656 = arith.constant 1280 : i32
      %dma_wait3A_657 = tpu.memref_slice %arg8[%dma_wait3A_656] : memref<2560xi32, #tpu.memory_space<vmem>> -> memref<128xi32, #tpu.memory_space<vmem>>
      %dma_wait3A_658 = arith.constant 0 : i32
      %dma_wait3A_659 = tpu.memref_slice %arg5[%scan3A_8, %dma_wait3A_658] : memref<26x100000xf32, #tpu.memory_space<hbm>> -> memref<1x100000xf32, #tpu.memory_space<hbm>>
      %dma_wait3A_660 = tpu.memref_squeeze %dma_wait3A_659 : memref<1x100000xf32, #tpu.memory_space<hbm>> -> memref<100000xf32, #tpu.memory_space<hbm>>
      %dma_wait3A_661 = arith.constant 0 : i32
      %dma_wait3A_662 = tpu.memref_slice %dma_wait3A_660[%dma_wait3A_661] : memref<100000xf32, #tpu.memory_space<hbm>> -> memref<100000xf32, #tpu.memory_space<hbm>>
      tpu.wait_indirect_dma semaphore(%arg15 : memref<!tpu.dma_semaphore, #tpu.memory_space<semaphore_mem>>) src(%dma_wait3A_662 : memref<100000xf32, #tpu.memory_space<hbm>>) dst(%dma_wait3A_655 : memref<128xf32, #tpu.memory_space<vmem>>)
      %dma_wait3A_663 = arith.constant 1408 : i32
      %dma_wait3A_664 = arith.constant 0 : i32
      %dma_wait3A_665 = tpu.memref_slice %arg10[%dma_wait3A_663, %dma_wait3A_664] : memref<2560x16xf32, #tpu.memory_space<vmem>> -> memref<128x16xf32, #tpu.memory_space<vmem>>
      %dma_wait3A_666 = arith.constant 1408 : i32
      %dma_wait3A_667 = tpu.memref_slice %arg8[%dma_wait3A_666] : memref<2560xi32, #tpu.memory_space<vmem>> -> memref<128xi32, #tpu.memory_space<vmem>>
      %dma_wait3A_668 = arith.constant 0 : i32
      %dma_wait3A_669 = arith.constant 0 : i32
      %dma_wait3A_670 = tpu.memref_slice %arg4[%scan3A_8, %dma_wait3A_668, %dma_wait3A_669] : memref<26x100000x16xf32, #tpu.memory_space<hbm>> -> memref<1x100000x16xf32, #tpu.memory_space<hbm>>
      %dma_wait3A_671 = tpu.memref_squeeze %dma_wait3A_670 : memref<1x100000x16xf32, #tpu.memory_space<hbm>> -> memref<100000x16xf32, #tpu.memory_space<hbm>>
      %dma_wait3A_672 = arith.constant 0 : i32
      %dma_wait3A_673 = arith.constant 0 : i32
      %dma_wait3A_674 = tpu.memref_slice %dma_wait3A_671[%dma_wait3A_672, %dma_wait3A_673] : memref<100000x16xf32, #tpu.memory_space<hbm>> -> memref<100000x16xf32, #tpu.memory_space<hbm>>
      tpu.wait_indirect_dma semaphore(%arg14 : memref<!tpu.dma_semaphore, #tpu.memory_space<semaphore_mem>>) src(%dma_wait3A_674 : memref<100000x16xf32, #tpu.memory_space<hbm>>) dst(%dma_wait3A_665 : memref<128x16xf32, #tpu.memory_space<vmem>>)
      %dma_wait3A_675 = arith.constant 1408 : i32
      %dma_wait3A_676 = tpu.memref_slice %arg11[%dma_wait3A_675] : memref<2560xf32, #tpu.memory_space<vmem>> -> memref<128xf32, #tpu.memory_space<vmem>>
      %dma_wait3A_677 = arith.constant 1408 : i32
      %dma_wait3A_678 = tpu.memref_slice %arg8[%dma_wait3A_677] : memref<2560xi32, #tpu.memory_space<vmem>> -> memref<128xi32, #tpu.memory_space<vmem>>
      %dma_wait3A_679 = arith.constant 0 : i32
      %dma_wait3A_680 = tpu.memref_slice %arg5[%scan3A_8, %dma_wait3A_679] : memref<26x100000xf32, #tpu.memory_space<hbm>> -> memref<1x100000xf32, #tpu.memory_space<hbm>>
      %dma_wait3A_681 = tpu.memref_squeeze %dma_wait3A_680 : memref<1x100000xf32, #tpu.memory_space<hbm>> -> memref<100000xf32, #tpu.memory_space<hbm>>
      %dma_wait3A_682 = arith.constant 0 : i32
      %dma_wait3A_683 = tpu.memref_slice %dma_wait3A_681[%dma_wait3A_682] : memref<100000xf32, #tpu.memory_space<hbm>> -> memref<100000xf32, #tpu.memory_space<hbm>>
      tpu.wait_indirect_dma semaphore(%arg15 : memref<!tpu.dma_semaphore, #tpu.memory_space<semaphore_mem>>) src(%dma_wait3A_683 : memref<100000xf32, #tpu.memory_space<hbm>>) dst(%dma_wait3A_676 : memref<128xf32, #tpu.memory_space<vmem>>)
      %dma_wait3A_684 = arith.constant 1536 : i32
      %dma_wait3A_685 = arith.constant 0 : i32
      %dma_wait3A_686 = tpu.memref_slice %arg10[%dma_wait3A_684, %dma_wait3A_685] : memref<2560x16xf32, #tpu.memory_space<vmem>> -> memref<128x16xf32, #tpu.memory_space<vmem>>
      %dma_wait3A_687 = arith.constant 1536 : i32
      %dma_wait3A_688 = tpu.memref_slice %arg8[%dma_wait3A_687] : memref<2560xi32, #tpu.memory_space<vmem>> -> memref<128xi32, #tpu.memory_space<vmem>>
      %dma_wait3A_689 = arith.constant 0 : i32
      %dma_wait3A_690 = arith.constant 0 : i32
      %dma_wait3A_691 = tpu.memref_slice %arg4[%scan3A_8, %dma_wait3A_689, %dma_wait3A_690] : memref<26x100000x16xf32, #tpu.memory_space<hbm>> -> memref<1x100000x16xf32, #tpu.memory_space<hbm>>
      %dma_wait3A_692 = tpu.memref_squeeze %dma_wait3A_691 : memref<1x100000x16xf32, #tpu.memory_space<hbm>> -> memref<100000x16xf32, #tpu.memory_space<hbm>>
      %dma_wait3A_693 = arith.constant 0 : i32
      %dma_wait3A_694 = arith.constant 0 : i32
      %dma_wait3A_695 = tpu.memref_slice %dma_wait3A_692[%dma_wait3A_693, %dma_wait3A_694] : memref<100000x16xf32, #tpu.memory_space<hbm>> -> memref<100000x16xf32, #tpu.memory_space<hbm>>
      tpu.wait_indirect_dma semaphore(%arg14 : memref<!tpu.dma_semaphore, #tpu.memory_space<semaphore_mem>>) src(%dma_wait3A_695 : memref<100000x16xf32, #tpu.memory_space<hbm>>) dst(%dma_wait3A_686 : memref<128x16xf32, #tpu.memory_space<vmem>>)
      %dma_wait3A_696 = arith.constant 1536 : i32
      %dma_wait3A_697 = tpu.memref_slice %arg11[%dma_wait3A_696] : memref<2560xf32, #tpu.memory_space<vmem>> -> memref<128xf32, #tpu.memory_space<vmem>>
      %dma_wait3A_698 = arith.constant 1536 : i32
      %dma_wait3A_699 = tpu.memref_slice %arg8[%dma_wait3A_698] : memref<2560xi32, #tpu.memory_space<vmem>> -> memref<128xi32, #tpu.memory_space<vmem>>
      %dma_wait3A_700 = arith.constant 0 : i32
      %dma_wait3A_701 = tpu.memref_slice %arg5[%scan3A_8, %dma_wait3A_700] : memref<26x100000xf32, #tpu.memory_space<hbm>> -> memref<1x100000xf32, #tpu.memory_space<hbm>>
      %dma_wait3A_702 = tpu.memref_squeeze %dma_wait3A_701 : memref<1x100000xf32, #tpu.memory_space<hbm>> -> memref<100000xf32, #tpu.memory_space<hbm>>
      %dma_wait3A_703 = arith.constant 0 : i32
      %dma_wait3A_704 = tpu.memref_slice %dma_wait3A_702[%dma_wait3A_703] : memref<100000xf32, #tpu.memory_space<hbm>> -> memref<100000xf32, #tpu.memory_space<hbm>>
      tpu.wait_indirect_dma semaphore(%arg15 : memref<!tpu.dma_semaphore, #tpu.memory_space<semaphore_mem>>) src(%dma_wait3A_704 : memref<100000xf32, #tpu.memory_space<hbm>>) dst(%dma_wait3A_697 : memref<128xf32, #tpu.memory_space<vmem>>)
      %dma_wait3A_705 = arith.constant 1664 : i32
      %dma_wait3A_706 = arith.constant 0 : i32
      %dma_wait3A_707 = tpu.memref_slice %arg10[%dma_wait3A_705, %dma_wait3A_706] : memref<2560x16xf32, #tpu.memory_space<vmem>> -> memref<128x16xf32, #tpu.memory_space<vmem>>
      %dma_wait3A_708 = arith.constant 1664 : i32
      %dma_wait3A_709 = tpu.memref_slice %arg8[%dma_wait3A_708] : memref<2560xi32, #tpu.memory_space<vmem>> -> memref<128xi32, #tpu.memory_space<vmem>>
      %dma_wait3A_710 = arith.constant 0 : i32
      %dma_wait3A_711 = arith.constant 0 : i32
      %dma_wait3A_712 = tpu.memref_slice %arg4[%scan3A_8, %dma_wait3A_710, %dma_wait3A_711] : memref<26x100000x16xf32, #tpu.memory_space<hbm>> -> memref<1x100000x16xf32, #tpu.memory_space<hbm>>
      %dma_wait3A_713 = tpu.memref_squeeze %dma_wait3A_712 : memref<1x100000x16xf32, #tpu.memory_space<hbm>> -> memref<100000x16xf32, #tpu.memory_space<hbm>>
      %dma_wait3A_714 = arith.constant 0 : i32
      %dma_wait3A_715 = arith.constant 0 : i32
      %dma_wait3A_716 = tpu.memref_slice %dma_wait3A_713[%dma_wait3A_714, %dma_wait3A_715] : memref<100000x16xf32, #tpu.memory_space<hbm>> -> memref<100000x16xf32, #tpu.memory_space<hbm>>
      tpu.wait_indirect_dma semaphore(%arg14 : memref<!tpu.dma_semaphore, #tpu.memory_space<semaphore_mem>>) src(%dma_wait3A_716 : memref<100000x16xf32, #tpu.memory_space<hbm>>) dst(%dma_wait3A_707 : memref<128x16xf32, #tpu.memory_space<vmem>>)
      %dma_wait3A_717 = arith.constant 1664 : i32
      %dma_wait3A_718 = tpu.memref_slice %arg11[%dma_wait3A_717] : memref<2560xf32, #tpu.memory_space<vmem>> -> memref<128xf32, #tpu.memory_space<vmem>>
      %dma_wait3A_719 = arith.constant 1664 : i32
      %dma_wait3A_720 = tpu.memref_slice %arg8[%dma_wait3A_719] : memref<2560xi32, #tpu.memory_space<vmem>> -> memref<128xi32, #tpu.memory_space<vmem>>
      %dma_wait3A_721 = arith.constant 0 : i32
      %dma_wait3A_722 = tpu.memref_slice %arg5[%scan3A_8, %dma_wait3A_721] : memref<26x100000xf32, #tpu.memory_space<hbm>> -> memref<1x100000xf32, #tpu.memory_space<hbm>>
      %dma_wait3A_723 = tpu.memref_squeeze %dma_wait3A_722 : memref<1x100000xf32, #tpu.memory_space<hbm>> -> memref<100000xf32, #tpu.memory_space<hbm>>
      %dma_wait3A_724 = arith.constant 0 : i32
      %dma_wait3A_725 = tpu.memref_slice %dma_wait3A_723[%dma_wait3A_724] : memref<100000xf32, #tpu.memory_space<hbm>> -> memref<100000xf32, #tpu.memory_space<hbm>>
      tpu.wait_indirect_dma semaphore(%arg15 : memref<!tpu.dma_semaphore, #tpu.memory_space<semaphore_mem>>) src(%dma_wait3A_725 : memref<100000xf32, #tpu.memory_space<hbm>>) dst(%dma_wait3A_718 : memref<128xf32, #tpu.memory_space<vmem>>)
      %dma_wait3A_726 = arith.constant 1792 : i32
      %dma_wait3A_727 = arith.constant 0 : i32
      %dma_wait3A_728 = tpu.memref_slice %arg10[%dma_wait3A_726, %dma_wait3A_727] : memref<2560x16xf32, #tpu.memory_space<vmem>> -> memref<128x16xf32, #tpu.memory_space<vmem>>
      %dma_wait3A_729 = arith.constant 1792 : i32
      %dma_wait3A_730 = tpu.memref_slice %arg8[%dma_wait3A_729] : memref<2560xi32, #tpu.memory_space<vmem>> -> memref<128xi32, #tpu.memory_space<vmem>>
      %dma_wait3A_731 = arith.constant 0 : i32
      %dma_wait3A_732 = arith.constant 0 : i32
      %dma_wait3A_733 = tpu.memref_slice %arg4[%scan3A_8, %dma_wait3A_731, %dma_wait3A_732] : memref<26x100000x16xf32, #tpu.memory_space<hbm>> -> memref<1x100000x16xf32, #tpu.memory_space<hbm>>
      %dma_wait3A_734 = tpu.memref_squeeze %dma_wait3A_733 : memref<1x100000x16xf32, #tpu.memory_space<hbm>> -> memref<100000x16xf32, #tpu.memory_space<hbm>>
      %dma_wait3A_735 = arith.constant 0 : i32
      %dma_wait3A_736 = arith.constant 0 : i32
      %dma_wait3A_737 = tpu.memref_slice %dma_wait3A_734[%dma_wait3A_735, %dma_wait3A_736] : memref<100000x16xf32, #tpu.memory_space<hbm>> -> memref<100000x16xf32, #tpu.memory_space<hbm>>
      tpu.wait_indirect_dma semaphore(%arg14 : memref<!tpu.dma_semaphore, #tpu.memory_space<semaphore_mem>>) src(%dma_wait3A_737 : memref<100000x16xf32, #tpu.memory_space<hbm>>) dst(%dma_wait3A_728 : memref<128x16xf32, #tpu.memory_space<vmem>>)
      %dma_wait3A_738 = arith.constant 1792 : i32
      %dma_wait3A_739 = tpu.memref_slice %arg11[%dma_wait3A_738] : memref<2560xf32, #tpu.memory_space<vmem>> -> memref<128xf32, #tpu.memory_space<vmem>>
      %dma_wait3A_740 = arith.constant 1792 : i32
      %dma_wait3A_741 = tpu.memref_slice %arg8[%dma_wait3A_740] : memref<2560xi32, #tpu.memory_space<vmem>> -> memref<128xi32, #tpu.memory_space<vmem>>
      %dma_wait3A_742 = arith.constant 0 : i32
      %dma_wait3A_743 = tpu.memref_slice %arg5[%scan3A_8, %dma_wait3A_742] : memref<26x100000xf32, #tpu.memory_space<hbm>> -> memref<1x100000xf32, #tpu.memory_space<hbm>>
      %dma_wait3A_744 = tpu.memref_squeeze %dma_wait3A_743 : memref<1x100000xf32, #tpu.memory_space<hbm>> -> memref<100000xf32, #tpu.memory_space<hbm>>
      %dma_wait3A_745 = arith.constant 0 : i32
      %dma_wait3A_746 = tpu.memref_slice %dma_wait3A_744[%dma_wait3A_745] : memref<100000xf32, #tpu.memory_space<hbm>> -> memref<100000xf32, #tpu.memory_space<hbm>>
      tpu.wait_indirect_dma semaphore(%arg15 : memref<!tpu.dma_semaphore, #tpu.memory_space<semaphore_mem>>) src(%dma_wait3A_746 : memref<100000xf32, #tpu.memory_space<hbm>>) dst(%dma_wait3A_739 : memref<128xf32, #tpu.memory_space<vmem>>)
      %dma_wait3A_747 = arith.constant 1920 : i32
      %dma_wait3A_748 = arith.constant 0 : i32
      %dma_wait3A_749 = tpu.memref_slice %arg10[%dma_wait3A_747, %dma_wait3A_748] : memref<2560x16xf32, #tpu.memory_space<vmem>> -> memref<128x16xf32, #tpu.memory_space<vmem>>
      %dma_wait3A_750 = arith.constant 1920 : i32
      %dma_wait3A_751 = tpu.memref_slice %arg8[%dma_wait3A_750] : memref<2560xi32, #tpu.memory_space<vmem>> -> memref<128xi32, #tpu.memory_space<vmem>>
      %dma_wait3A_752 = arith.constant 0 : i32
      %dma_wait3A_753 = arith.constant 0 : i32
      %dma_wait3A_754 = tpu.memref_slice %arg4[%scan3A_8, %dma_wait3A_752, %dma_wait3A_753] : memref<26x100000x16xf32, #tpu.memory_space<hbm>> -> memref<1x100000x16xf32, #tpu.memory_space<hbm>>
      %dma_wait3A_755 = tpu.memref_squeeze %dma_wait3A_754 : memref<1x100000x16xf32, #tpu.memory_space<hbm>> -> memref<100000x16xf32, #tpu.memory_space<hbm>>
      %dma_wait3A_756 = arith.constant 0 : i32
      %dma_wait3A_757 = arith.constant 0 : i32
      %dma_wait3A_758 = tpu.memref_slice %dma_wait3A_755[%dma_wait3A_756, %dma_wait3A_757] : memref<100000x16xf32, #tpu.memory_space<hbm>> -> memref<100000x16xf32, #tpu.memory_space<hbm>>
      tpu.wait_indirect_dma semaphore(%arg14 : memref<!tpu.dma_semaphore, #tpu.memory_space<semaphore_mem>>) src(%dma_wait3A_758 : memref<100000x16xf32, #tpu.memory_space<hbm>>) dst(%dma_wait3A_749 : memref<128x16xf32, #tpu.memory_space<vmem>>)
      %dma_wait3A_759 = arith.constant 1920 : i32
      %dma_wait3A_760 = tpu.memref_slice %arg11[%dma_wait3A_759] : memref<2560xf32, #tpu.memory_space<vmem>> -> memref<128xf32, #tpu.memory_space<vmem>>
      %dma_wait3A_761 = arith.constant 1920 : i32
      %dma_wait3A_762 = tpu.memref_slice %arg8[%dma_wait3A_761] : memref<2560xi32, #tpu.memory_space<vmem>> -> memref<128xi32, #tpu.memory_space<vmem>>
      %dma_wait3A_763 = arith.constant 0 : i32
      %dma_wait3A_764 = tpu.memref_slice %arg5[%scan3A_8, %dma_wait3A_763] : memref<26x100000xf32, #tpu.memory_space<hbm>> -> memref<1x100000xf32, #tpu.memory_space<hbm>>
      %dma_wait3A_765 = tpu.memref_squeeze %dma_wait3A_764 : memref<1x100000xf32, #tpu.memory_space<hbm>> -> memref<100000xf32, #tpu.memory_space<hbm>>
      %dma_wait3A_766 = arith.constant 0 : i32
      %dma_wait3A_767 = tpu.memref_slice %dma_wait3A_765[%dma_wait3A_766] : memref<100000xf32, #tpu.memory_space<hbm>> -> memref<100000xf32, #tpu.memory_space<hbm>>
      tpu.wait_indirect_dma semaphore(%arg15 : memref<!tpu.dma_semaphore, #tpu.memory_space<semaphore_mem>>) src(%dma_wait3A_767 : memref<100000xf32, #tpu.memory_space<hbm>>) dst(%dma_wait3A_760 : memref<128xf32, #tpu.memory_space<vmem>>)
      %dma_wait3A_768 = arith.constant 2048 : i32
      %dma_wait3A_769 = arith.constant 0 : i32
      %dma_wait3A_770 = tpu.memref_slice %arg10[%dma_wait3A_768, %dma_wait3A_769] : memref<2560x16xf32, #tpu.memory_space<vmem>> -> memref<128x16xf32, #tpu.memory_space<vmem>>
      %dma_wait3A_771 = arith.constant 2048 : i32
      %dma_wait3A_772 = tpu.memref_slice %arg8[%dma_wait3A_771] : memref<2560xi32, #tpu.memory_space<vmem>> -> memref<128xi32, #tpu.memory_space<vmem>>
      %dma_wait3A_773 = arith.constant 0 : i32
      %dma_wait3A_774 = arith.constant 0 : i32
      %dma_wait3A_775 = tpu.memref_slice %arg4[%scan3A_8, %dma_wait3A_773, %dma_wait3A_774] : memref<26x100000x16xf32, #tpu.memory_space<hbm>> -> memref<1x100000x16xf32, #tpu.memory_space<hbm>>
      %dma_wait3A_776 = tpu.memref_squeeze %dma_wait3A_775 : memref<1x100000x16xf32, #tpu.memory_space<hbm>> -> memref<100000x16xf32, #tpu.memory_space<hbm>>
      %dma_wait3A_777 = arith.constant 0 : i32
      %dma_wait3A_778 = arith.constant 0 : i32
      %dma_wait3A_779 = tpu.memref_slice %dma_wait3A_776[%dma_wait3A_777, %dma_wait3A_778] : memref<100000x16xf32, #tpu.memory_space<hbm>> -> memref<100000x16xf32, #tpu.memory_space<hbm>>
      tpu.wait_indirect_dma semaphore(%arg14 : memref<!tpu.dma_semaphore, #tpu.memory_space<semaphore_mem>>) src(%dma_wait3A_779 : memref<100000x16xf32, #tpu.memory_space<hbm>>) dst(%dma_wait3A_770 : memref<128x16xf32, #tpu.memory_space<vmem>>)
      %dma_wait3A_780 = arith.constant 2048 : i32
      %dma_wait3A_781 = tpu.memref_slice %arg11[%dma_wait3A_780] : memref<2560xf32, #tpu.memory_space<vmem>> -> memref<128xf32, #tpu.memory_space<vmem>>
      %dma_wait3A_782 = arith.constant 2048 : i32
      %dma_wait3A_783 = tpu.memref_slice %arg8[%dma_wait3A_782] : memref<2560xi32, #tpu.memory_space<vmem>> -> memref<128xi32, #tpu.memory_space<vmem>>
      %dma_wait3A_784 = arith.constant 0 : i32
      %dma_wait3A_785 = tpu.memref_slice %arg5[%scan3A_8, %dma_wait3A_784] : memref<26x100000xf32, #tpu.memory_space<hbm>> -> memref<1x100000xf32, #tpu.memory_space<hbm>>
      %dma_wait3A_786 = tpu.memref_squeeze %dma_wait3A_785 : memref<1x100000xf32, #tpu.memory_space<hbm>> -> memref<100000xf32, #tpu.memory_space<hbm>>
      %dma_wait3A_787 = arith.constant 0 : i32
      %dma_wait3A_788 = tpu.memref_slice %dma_wait3A_786[%dma_wait3A_787] : memref<100000xf32, #tpu.memory_space<hbm>> -> memref<100000xf32, #tpu.memory_space<hbm>>
      tpu.wait_indirect_dma semaphore(%arg15 : memref<!tpu.dma_semaphore, #tpu.memory_space<semaphore_mem>>) src(%dma_wait3A_788 : memref<100000xf32, #tpu.memory_space<hbm>>) dst(%dma_wait3A_781 : memref<128xf32, #tpu.memory_space<vmem>>)
      %dma_wait3A_789 = arith.constant 2176 : i32
      %dma_wait3A_790 = arith.constant 0 : i32
      %dma_wait3A_791 = tpu.memref_slice %arg10[%dma_wait3A_789, %dma_wait3A_790] : memref<2560x16xf32, #tpu.memory_space<vmem>> -> memref<128x16xf32, #tpu.memory_space<vmem>>
      %dma_wait3A_792 = arith.constant 2176 : i32
      %dma_wait3A_793 = tpu.memref_slice %arg8[%dma_wait3A_792] : memref<2560xi32, #tpu.memory_space<vmem>> -> memref<128xi32, #tpu.memory_space<vmem>>
      %dma_wait3A_794 = arith.constant 0 : i32
      %dma_wait3A_795 = arith.constant 0 : i32
      %dma_wait3A_796 = tpu.memref_slice %arg4[%scan3A_8, %dma_wait3A_794, %dma_wait3A_795] : memref<26x100000x16xf32, #tpu.memory_space<hbm>> -> memref<1x100000x16xf32, #tpu.memory_space<hbm>>
      %dma_wait3A_797 = tpu.memref_squeeze %dma_wait3A_796 : memref<1x100000x16xf32, #tpu.memory_space<hbm>> -> memref<100000x16xf32, #tpu.memory_space<hbm>>
      %dma_wait3A_798 = arith.constant 0 : i32
      %dma_wait3A_799 = arith.constant 0 : i32
      %dma_wait3A_800 = tpu.memref_slice %dma_wait3A_797[%dma_wait3A_798, %dma_wait3A_799] : memref<100000x16xf32, #tpu.memory_space<hbm>> -> memref<100000x16xf32, #tpu.memory_space<hbm>>
      tpu.wait_indirect_dma semaphore(%arg14 : memref<!tpu.dma_semaphore, #tpu.memory_space<semaphore_mem>>) src(%dma_wait3A_800 : memref<100000x16xf32, #tpu.memory_space<hbm>>) dst(%dma_wait3A_791 : memref<128x16xf32, #tpu.memory_space<vmem>>)
      %dma_wait3A_801 = arith.constant 2176 : i32
      %dma_wait3A_802 = tpu.memref_slice %arg11[%dma_wait3A_801] : memref<2560xf32, #tpu.memory_space<vmem>> -> memref<128xf32, #tpu.memory_space<vmem>>
      %dma_wait3A_803 = arith.constant 2176 : i32
      %dma_wait3A_804 = tpu.memref_slice %arg8[%dma_wait3A_803] : memref<2560xi32, #tpu.memory_space<vmem>> -> memref<128xi32, #tpu.memory_space<vmem>>
      %dma_wait3A_805 = arith.constant 0 : i32
      %dma_wait3A_806 = tpu.memref_slice %arg5[%scan3A_8, %dma_wait3A_805] : memref<26x100000xf32, #tpu.memory_space<hbm>> -> memref<1x100000xf32, #tpu.memory_space<hbm>>
      %dma_wait3A_807 = tpu.memref_squeeze %dma_wait3A_806 : memref<1x100000xf32, #tpu.memory_space<hbm>> -> memref<100000xf32, #tpu.memory_space<hbm>>
      %dma_wait3A_808 = arith.constant 0 : i32
      %dma_wait3A_809 = tpu.memref_slice %dma_wait3A_807[%dma_wait3A_808] : memref<100000xf32, #tpu.memory_space<hbm>> -> memref<100000xf32, #tpu.memory_space<hbm>>
      tpu.wait_indirect_dma semaphore(%arg15 : memref<!tpu.dma_semaphore, #tpu.memory_space<semaphore_mem>>) src(%dma_wait3A_809 : memref<100000xf32, #tpu.memory_space<hbm>>) dst(%dma_wait3A_802 : memref<128xf32, #tpu.memory_space<vmem>>)
      %dma_wait3A_810 = arith.constant 2304 : i32
      %dma_wait3A_811 = arith.constant 0 : i32
      %dma_wait3A_812 = tpu.memref_slice %arg10[%dma_wait3A_810, %dma_wait3A_811] : memref<2560x16xf32, #tpu.memory_space<vmem>> -> memref<128x16xf32, #tpu.memory_space<vmem>>
      %dma_wait3A_813 = arith.constant 2304 : i32
      %dma_wait3A_814 = tpu.memref_slice %arg8[%dma_wait3A_813] : memref<2560xi32, #tpu.memory_space<vmem>> -> memref<128xi32, #tpu.memory_space<vmem>>
      %dma_wait3A_815 = arith.constant 0 : i32
      %dma_wait3A_816 = arith.constant 0 : i32
      %dma_wait3A_817 = tpu.memref_slice %arg4[%scan3A_8, %dma_wait3A_815, %dma_wait3A_816] : memref<26x100000x16xf32, #tpu.memory_space<hbm>> -> memref<1x100000x16xf32, #tpu.memory_space<hbm>>
      %dma_wait3A_818 = tpu.memref_squeeze %dma_wait3A_817 : memref<1x100000x16xf32, #tpu.memory_space<hbm>> -> memref<100000x16xf32, #tpu.memory_space<hbm>>
      %dma_wait3A_819 = arith.constant 0 : i32
      %dma_wait3A_820 = arith.constant 0 : i32
      %dma_wait3A_821 = tpu.memref_slice %dma_wait3A_818[%dma_wait3A_819, %dma_wait3A_820] : memref<100000x16xf32, #tpu.memory_space<hbm>> -> memref<100000x16xf32, #tpu.memory_space<hbm>>
      tpu.wait_indirect_dma semaphore(%arg14 : memref<!tpu.dma_semaphore, #tpu.memory_space<semaphore_mem>>) src(%dma_wait3A_821 : memref<100000x16xf32, #tpu.memory_space<hbm>>) dst(%dma_wait3A_812 : memref<128x16xf32, #tpu.memory_space<vmem>>)
      %dma_wait3A_822 = arith.constant 2304 : i32
      %dma_wait3A_823 = tpu.memref_slice %arg11[%dma_wait3A_822] : memref<2560xf32, #tpu.memory_space<vmem>> -> memref<128xf32, #tpu.memory_space<vmem>>
      %dma_wait3A_824 = arith.constant 2304 : i32
      %dma_wait3A_825 = tpu.memref_slice %arg8[%dma_wait3A_824] : memref<2560xi32, #tpu.memory_space<vmem>> -> memref<128xi32, #tpu.memory_space<vmem>>
      %dma_wait3A_826 = arith.constant 0 : i32
      %dma_wait3A_827 = tpu.memref_slice %arg5[%scan3A_8, %dma_wait3A_826] : memref<26x100000xf32, #tpu.memory_space<hbm>> -> memref<1x100000xf32, #tpu.memory_space<hbm>>
      %dma_wait3A_828 = tpu.memref_squeeze %dma_wait3A_827 : memref<1x100000xf32, #tpu.memory_space<hbm>> -> memref<100000xf32, #tpu.memory_space<hbm>>
      %dma_wait3A_829 = arith.constant 0 : i32
      %dma_wait3A_830 = tpu.memref_slice %dma_wait3A_828[%dma_wait3A_829] : memref<100000xf32, #tpu.memory_space<hbm>> -> memref<100000xf32, #tpu.memory_space<hbm>>
      tpu.wait_indirect_dma semaphore(%arg15 : memref<!tpu.dma_semaphore, #tpu.memory_space<semaphore_mem>>) src(%dma_wait3A_830 : memref<100000xf32, #tpu.memory_space<hbm>>) dst(%dma_wait3A_823 : memref<128xf32, #tpu.memory_space<vmem>>)
      %dma_wait3A_831 = arith.constant 2432 : i32
      %dma_wait3A_832 = arith.constant 0 : i32
      %dma_wait3A_833 = tpu.memref_slice %arg10[%dma_wait3A_831, %dma_wait3A_832] : memref<2560x16xf32, #tpu.memory_space<vmem>> -> memref<128x16xf32, #tpu.memory_space<vmem>>
      %dma_wait3A_834 = arith.constant 2432 : i32
      %dma_wait3A_835 = tpu.memref_slice %arg8[%dma_wait3A_834] : memref<2560xi32, #tpu.memory_space<vmem>> -> memref<128xi32, #tpu.memory_space<vmem>>
      %dma_wait3A_836 = arith.constant 0 : i32
      %dma_wait3A_837 = arith.constant 0 : i32
      %dma_wait3A_838 = tpu.memref_slice %arg4[%scan3A_8, %dma_wait3A_836, %dma_wait3A_837] : memref<26x100000x16xf32, #tpu.memory_space<hbm>> -> memref<1x100000x16xf32, #tpu.memory_space<hbm>>
      %dma_wait3A_839 = tpu.memref_squeeze %dma_wait3A_838 : memref<1x100000x16xf32, #tpu.memory_space<hbm>> -> memref<100000x16xf32, #tpu.memory_space<hbm>>
      %dma_wait3A_840 = arith.constant 0 : i32
      %dma_wait3A_841 = arith.constant 0 : i32
      %dma_wait3A_842 = tpu.memref_slice %dma_wait3A_839[%dma_wait3A_840, %dma_wait3A_841] : memref<100000x16xf32, #tpu.memory_space<hbm>> -> memref<100000x16xf32, #tpu.memory_space<hbm>>
      tpu.wait_indirect_dma semaphore(%arg14 : memref<!tpu.dma_semaphore, #tpu.memory_space<semaphore_mem>>) src(%dma_wait3A_842 : memref<100000x16xf32, #tpu.memory_space<hbm>>) dst(%dma_wait3A_833 : memref<128x16xf32, #tpu.memory_space<vmem>>)
      %dma_wait3A_843 = arith.constant 2432 : i32
      %dma_wait3A_844 = tpu.memref_slice %arg11[%dma_wait3A_843] : memref<2560xf32, #tpu.memory_space<vmem>> -> memref<128xf32, #tpu.memory_space<vmem>>
      %dma_wait3A_845 = arith.constant 2432 : i32
      %dma_wait3A_846 = tpu.memref_slice %arg8[%dma_wait3A_845] : memref<2560xi32, #tpu.memory_space<vmem>> -> memref<128xi32, #tpu.memory_space<vmem>>
      %dma_wait3A_847 = arith.constant 0 : i32
      %dma_wait3A_848 = tpu.memref_slice %arg5[%scan3A_8, %dma_wait3A_847] : memref<26x100000xf32, #tpu.memory_space<hbm>> -> memref<1x100000xf32, #tpu.memory_space<hbm>>
      %dma_wait3A_849 = tpu.memref_squeeze %dma_wait3A_848 : memref<1x100000xf32, #tpu.memory_space<hbm>> -> memref<100000xf32, #tpu.memory_space<hbm>>
      %dma_wait3A_850 = arith.constant 0 : i32
      %dma_wait3A_851 = tpu.memref_slice %dma_wait3A_849[%dma_wait3A_850] : memref<100000xf32, #tpu.memory_space<hbm>> -> memref<100000xf32, #tpu.memory_space<hbm>>
      tpu.wait_indirect_dma semaphore(%arg15 : memref<!tpu.dma_semaphore, #tpu.memory_space<semaphore_mem>>) src(%dma_wait3A_851 : memref<100000xf32, #tpu.memory_space<hbm>>) dst(%dma_wait3A_844 : memref<128xf32, #tpu.memory_space<vmem>>)
      %scan3A_852 = arith.constant 0 : i32
      %scan3A_853 = arith.constant 0 : i32
      %scan3A_854 = arith.constant 64 : i32
      %scan3A_855 = arith.addi %scan3A_853, %scan3A_854 : i32
      %scan3A_856 = arith.constant 1 : i32
      scf.for %scan3A_870 = %scan3A_853 to %scan3A_855 step %scan3A_856  : i32 {
        %mul3A_871 = arith.constant 2 : i32
        %mul3A_872 = arith.muli %scan3A_870, %mul3A_871 : i32
        %add3A_873 = arith.constant 0 : i32
        %add3A_874 = arith.addi %mul3A_872, %add3A_873 : i32
        %mul3A_875 = arith.constant 20 : i32
        %mul3A_876 = arith.muli %add3A_874, %mul3A_875 : i32
        %get3A = arith.index_cast %mul3A_876 : i32 to index
        %get3A_877 = tpu.vector_load %arg9[%get3A] {strides = array<i32>} : memref<2560xf32, #tpu.memory_space<vmem>>, vector<16xf32>,
        %get3A_878 = vector.shape_cast %get3A_877 : vector<16xf32> to vector<16xf32>
        %add3A_879 = arith.constant 4 : i32
        %add3A_880 = arith.addi %mul3A_876, %add3A_879 : i32
        %get3A_881 = arith.index_cast %add3A_880 : i32 to index
        %get3A_882 = tpu.vector_load %arg9[%get3A_881] {strides = array<i32>} : memref<2560xf32, #tpu.memory_space<vmem>>, vector<16xf32>,
        %get3A_883 = vector.shape_cast %get3A_882 : vector<16xf32> to vector<16xf32>
        %add3A_884 = arith.constant 0 : i32
        %add3A_885 = arith.addi %add3A_884, %add3A_874 : i32
        %get3A_886 = arith.index_cast %add3A_885 : i32 to index
        %get3A_887 = arith.constant 0 : index
        %get3A_888 = tpu.vector_load %arg10[%get3A_886, %get3A_887] {strides = array<i32>} : memref<2560x16xf32, #tpu.memory_space<vmem>>, vector<1x16xf32>,
        %get3A_889 = vector.shape_cast %get3A_888 : vector<1x16xf32> to vector<16xf32>
        %slice3A = vector.extract_strided_slice %get3A_878 {offsets = [0], sizes = [1], strides = [1]} : vector<16xf32> to vector<1xf32>
        %squeeze3A = vector.extract %slice3A[0] : f32 from vector<1xf32>
        %mul3A_890 = vector.broadcast %squeeze3A : f32 to vector<16xf32>
        %mul3A_891 = arith.mulf %get3A_889, %mul3A_890 : vector<16xf32>
        %add3A_892 = arith.constant 128 : i32
        %add3A_893 = arith.addi %add3A_892, %add3A_874 : i32
        %get3A_894 = arith.index_cast %add3A_893 : i32 to index
        %get3A_895 = arith.constant 0 : index
        %get3A_896 = tpu.vector_load %arg10[%get3A_894, %get3A_895] {strides = array<i32>} : memref<2560x16xf32, #tpu.memory_space<vmem>>, vector<1x16xf32>,
        %get3A_897 = vector.shape_cast %get3A_896 : vector<1x16xf32> to vector<16xf32>
        %slice3A_898 = vector.extract_strided_slice %get3A_878 {offsets = [1], sizes = [1], strides = [1]} : vector<16xf32> to vector<1xf32>
        %squeeze3A_899 = vector.extract %slice3A_898[0] : f32 from vector<1xf32>
        %mul3A_900 = vector.broadcast %squeeze3A_899 : f32 to vector<16xf32>
        %mul3A_901 = arith.mulf %get3A_897, %mul3A_900 : vector<16xf32>
        %add3A_902 = arith.constant 256 : i32
        %add3A_903 = arith.addi %add3A_902, %add3A_874 : i32
        %get3A_904 = arith.index_cast %add3A_903 : i32 to index
        %get3A_905 = arith.constant 0 : index
        %get3A_906 = tpu.vector_load %arg10[%get3A_904, %get3A_905] {strides = array<i32>} : memref<2560x16xf32, #tpu.memory_space<vmem>>, vector<1x16xf32>,
        %get3A_907 = vector.shape_cast %get3A_906 : vector<1x16xf32> to vector<16xf32>
        %slice3A_908 = vector.extract_strided_slice %get3A_878 {offsets = [2], sizes = [1], strides = [1]} : vector<16xf32> to vector<1xf32>
        %squeeze3A_909 = vector.extract %slice3A_908[0] : f32 from vector<1xf32>
        %mul3A_910 = vector.broadcast %squeeze3A_909 : f32 to vector<16xf32>
        %mul3A_911 = arith.mulf %get3A_907, %mul3A_910 : vector<16xf32>
        %add3A_912 = arith.constant 384 : i32
        %add3A_913 = arith.addi %add3A_912, %add3A_874 : i32
        %get3A_914 = arith.index_cast %add3A_913 : i32 to index
        %get3A_915 = arith.constant 0 : index
        %get3A_916 = tpu.vector_load %arg10[%get3A_914, %get3A_915] {strides = array<i32>} : memref<2560x16xf32, #tpu.memory_space<vmem>>, vector<1x16xf32>,
        %get3A_917 = vector.shape_cast %get3A_916 : vector<1x16xf32> to vector<16xf32>
        %slice3A_918 = vector.extract_strided_slice %get3A_878 {offsets = [3], sizes = [1], strides = [1]} : vector<16xf32> to vector<1xf32>
        %squeeze3A_919 = vector.extract %slice3A_918[0] : f32 from vector<1xf32>
        %mul3A_920 = vector.broadcast %squeeze3A_919 : f32 to vector<16xf32>
        %mul3A_921 = arith.mulf %get3A_917, %mul3A_920 : vector<16xf32>
        %add3A_922 = arith.constant 512 : i32
        %add3A_923 = arith.addi %add3A_922, %add3A_874 : i32
        %get3A_924 = arith.index_cast %add3A_923 : i32 to index
        %get3A_925 = arith.constant 0 : index
        %get3A_926 = tpu.vector_load %arg10[%get3A_924, %get3A_925] {strides = array<i32>} : memref<2560x16xf32, #tpu.memory_space<vmem>>, vector<1x16xf32>,
        %get3A_927 = vector.shape_cast %get3A_926 : vector<1x16xf32> to vector<16xf32>
        %slice3A_928 = vector.extract_strided_slice %get3A_878 {offsets = [4], sizes = [1], strides = [1]} : vector<16xf32> to vector<1xf32>
        %squeeze3A_929 = vector.extract %slice3A_928[0] : f32 from vector<1xf32>
        %mul3A_930 = vector.broadcast %squeeze3A_929 : f32 to vector<16xf32>
        %mul3A_931 = arith.mulf %get3A_927, %mul3A_930 : vector<16xf32>
        %add3A_932 = arith.addf %mul3A_891, %mul3A_931 : vector<16xf32>
        %add3A_933 = arith.constant 640 : i32
        %add3A_934 = arith.addi %add3A_933, %add3A_874 : i32
        %get3A_935 = arith.index_cast %add3A_934 : i32 to index
        %get3A_936 = arith.constant 0 : index
        %get3A_937 = tpu.vector_load %arg10[%get3A_935, %get3A_936] {strides = array<i32>} : memref<2560x16xf32, #tpu.memory_space<vmem>>, vector<1x16xf32>,
        %get3A_938 = vector.shape_cast %get3A_937 : vector<1x16xf32> to vector<16xf32>
        %slice3A_939 = vector.extract_strided_slice %get3A_878 {offsets = [5], sizes = [1], strides = [1]} : vector<16xf32> to vector<1xf32>
        %squeeze3A_940 = vector.extract %slice3A_939[0] : f32 from vector<1xf32>
        %mul3A_941 = vector.broadcast %squeeze3A_940 : f32 to vector<16xf32>
        %mul3A_942 = arith.mulf %get3A_938, %mul3A_941 : vector<16xf32>
        %add3A_943 = arith.addf %mul3A_901, %mul3A_942 : vector<16xf32>
        %add3A_944 = arith.constant 768 : i32
        %add3A_945 = arith.addi %add3A_944, %add3A_874 : i32
        %get3A_946 = arith.index_cast %add3A_945 : i32 to index
        %get3A_947 = arith.constant 0 : index
        %get3A_948 = tpu.vector_load %arg10[%get3A_946, %get3A_947] {strides = array<i32>} : memref<2560x16xf32, #tpu.memory_space<vmem>>, vector<1x16xf32>,
        %get3A_949 = vector.shape_cast %get3A_948 : vector<1x16xf32> to vector<16xf32>
        %slice3A_950 = vector.extract_strided_slice %get3A_878 {offsets = [6], sizes = [1], strides = [1]} : vector<16xf32> to vector<1xf32>
        %squeeze3A_951 = vector.extract %slice3A_950[0] : f32 from vector<1xf32>
        %mul3A_952 = vector.broadcast %squeeze3A_951 : f32 to vector<16xf32>
        %mul3A_953 = arith.mulf %get3A_949, %mul3A_952 : vector<16xf32>
        %add3A_954 = arith.addf %mul3A_911, %mul3A_953 : vector<16xf32>
        %add3A_955 = arith.constant 896 : i32
        %add3A_956 = arith.addi %add3A_955, %add3A_874 : i32
        %get3A_957 = arith.index_cast %add3A_956 : i32 to index
        %get3A_958 = arith.constant 0 : index
        %get3A_959 = tpu.vector_load %arg10[%get3A_957, %get3A_958] {strides = array<i32>} : memref<2560x16xf32, #tpu.memory_space<vmem>>, vector<1x16xf32>,
        %get3A_960 = vector.shape_cast %get3A_959 : vector<1x16xf32> to vector<16xf32>
        %slice3A_961 = vector.extract_strided_slice %get3A_878 {offsets = [7], sizes = [1], strides = [1]} : vector<16xf32> to vector<1xf32>
        %squeeze3A_962 = vector.extract %slice3A_961[0] : f32 from vector<1xf32>
        %mul3A_963 = vector.broadcast %squeeze3A_962 : f32 to vector<16xf32>
        %mul3A_964 = arith.mulf %get3A_960, %mul3A_963 : vector<16xf32>
        %add3A_965 = arith.addf %mul3A_921, %mul3A_964 : vector<16xf32>
        %add3A_966 = arith.constant 1024 : i32
        %add3A_967 = arith.addi %add3A_966, %add3A_874 : i32
        %get3A_968 = arith.index_cast %add3A_967 : i32 to index
        %get3A_969 = arith.constant 0 : index
        %get3A_970 = tpu.vector_load %arg10[%get3A_968, %get3A_969] {strides = array<i32>} : memref<2560x16xf32, #tpu.memory_space<vmem>>, vector<1x16xf32>,
        %get3A_971 = vector.shape_cast %get3A_970 : vector<1x16xf32> to vector<16xf32>
        %slice3A_972 = vector.extract_strided_slice %get3A_878 {offsets = [8], sizes = [1], strides = [1]} : vector<16xf32> to vector<1xf32>
        %squeeze3A_973 = vector.extract %slice3A_972[0] : f32 from vector<1xf32>
        %mul3A_974 = vector.broadcast %squeeze3A_973 : f32 to vector<16xf32>
        %mul3A_975 = arith.mulf %get3A_971, %mul3A_974 : vector<16xf32>
        %add3A_976 = arith.addf %add3A_932, %mul3A_975 : vector<16xf32>
        %add3A_977 = arith.constant 1152 : i32
        %add3A_978 = arith.addi %add3A_977, %add3A_874 : i32
        %get3A_979 = arith.index_cast %add3A_978 : i32 to index
        %get3A_980 = arith.constant 0 : index
        %get3A_981 = tpu.vector_load %arg10[%get3A_979, %get3A_980] {strides = array<i32>} : memref<2560x16xf32, #tpu.memory_space<vmem>>, vector<1x16xf32>,
        %get3A_982 = vector.shape_cast %get3A_981 : vector<1x16xf32> to vector<16xf32>
        %slice3A_983 = vector.extract_strided_slice %get3A_878 {offsets = [9], sizes = [1], strides = [1]} : vector<16xf32> to vector<1xf32>
        %squeeze3A_984 = vector.extract %slice3A_983[0] : f32 from vector<1xf32>
        %mul3A_985 = vector.broadcast %squeeze3A_984 : f32 to vector<16xf32>
        %mul3A_986 = arith.mulf %get3A_982, %mul3A_985 : vector<16xf32>
        %add3A_987 = arith.addf %add3A_943, %mul3A_986 : vector<16xf32>
        %add3A_988 = arith.constant 1280 : i32
        %add3A_989 = arith.addi %add3A_988, %add3A_874 : i32
        %get3A_990 = arith.index_cast %add3A_989 : i32 to index
        %get3A_991 = arith.constant 0 : index
        %get3A_992 = tpu.vector_load %arg10[%get3A_990, %get3A_991] {strides = array<i32>} : memref<2560x16xf32, #tpu.memory_space<vmem>>, vector<1x16xf32>,
        %get3A_993 = vector.shape_cast %get3A_992 : vector<1x16xf32> to vector<16xf32>
        %slice3A_994 = vector.extract_strided_slice %get3A_878 {offsets = [10], sizes = [1], strides = [1]} : vector<16xf32> to vector<1xf32>
        %squeeze3A_995 = vector.extract %slice3A_994[0] : f32 from vector<1xf32>
        %mul3A_996 = vector.broadcast %squeeze3A_995 : f32 to vector<16xf32>
        %mul3A_997 = arith.mulf %get3A_993, %mul3A_996 : vector<16xf32>
        %add3A_998 = arith.addf %add3A_954, %mul3A_997 : vector<16xf32>
        %add3A_999 = arith.constant 1408 : i32
        %add3A_1000 = arith.addi %add3A_999, %add3A_874 : i32
        %get3A_1001 = arith.index_cast %add3A_1000 : i32 to index
        %get3A_1002 = arith.constant 0 : index
        %get3A_1003 = tpu.vector_load %arg10[%get3A_1001, %get3A_1002] {strides = array<i32>} : memref<2560x16xf32, #tpu.memory_space<vmem>>, vector<1x16xf32>,
        %get3A_1004 = vector.shape_cast %get3A_1003 : vector<1x16xf32> to vector<16xf32>
        %slice3A_1005 = vector.extract_strided_slice %get3A_878 {offsets = [11], sizes = [1], strides = [1]} : vector<16xf32> to vector<1xf32>
        %squeeze3A_1006 = vector.extract %slice3A_1005[0] : f32 from vector<1xf32>
        %mul3A_1007 = vector.broadcast %squeeze3A_1006 : f32 to vector<16xf32>
        %mul3A_1008 = arith.mulf %get3A_1004, %mul3A_1007 : vector<16xf32>
        %add3A_1009 = arith.addf %add3A_965, %mul3A_1008 : vector<16xf32>
        %add3A_1010 = arith.constant 1536 : i32
        %add3A_1011 = arith.addi %add3A_1010, %add3A_874 : i32
        %get3A_1012 = arith.index_cast %add3A_1011 : i32 to index
        %get3A_1013 = arith.constant 0 : index
        %get3A_1014 = tpu.vector_load %arg10[%get3A_1012, %get3A_1013] {strides = array<i32>} : memref<2560x16xf32, #tpu.memory_space<vmem>>, vector<1x16xf32>,
        %get3A_1015 = vector.shape_cast %get3A_1014 : vector<1x16xf32> to vector<16xf32>
        %slice3A_1016 = vector.extract_strided_slice %get3A_878 {offsets = [12], sizes = [1], strides = [1]} : vector<16xf32> to vector<1xf32>
        %squeeze3A_1017 = vector.extract %slice3A_1016[0] : f32 from vector<1xf32>
        %mul3A_1018 = vector.broadcast %squeeze3A_1017 : f32 to vector<16xf32>
        %mul3A_1019 = arith.mulf %get3A_1015, %mul3A_1018 : vector<16xf32>
        %add3A_1020 = arith.addf %add3A_976, %mul3A_1019 : vector<16xf32>
        %add3A_1021 = arith.constant 1664 : i32
        %add3A_1022 = arith.addi %add3A_1021, %add3A_874 : i32
        %get3A_1023 = arith.index_cast %add3A_1022 : i32 to index
        %get3A_1024 = arith.constant 0 : index
        %get3A_1025 = tpu.vector_load %arg10[%get3A_1023, %get3A_1024] {strides = array<i32>} : memref<2560x16xf32, #tpu.memory_space<vmem>>, vector<1x16xf32>,
        %get3A_1026 = vector.shape_cast %get3A_1025 : vector<1x16xf32> to vector<16xf32>
        %slice3A_1027 = vector.extract_strided_slice %get3A_878 {offsets = [13], sizes = [1], strides = [1]} : vector<16xf32> to vector<1xf32>
        %squeeze3A_1028 = vector.extract %slice3A_1027[0] : f32 from vector<1xf32>
        %mul3A_1029 = vector.broadcast %squeeze3A_1028 : f32 to vector<16xf32>
        %mul3A_1030 = arith.mulf %get3A_1026, %mul3A_1029 : vector<16xf32>
        %add3A_1031 = arith.addf %add3A_987, %mul3A_1030 : vector<16xf32>
        %add3A_1032 = arith.constant 1792 : i32
        %add3A_1033 = arith.addi %add3A_1032, %add3A_874 : i32
        %get3A_1034 = arith.index_cast %add3A_1033 : i32 to index
        %get3A_1035 = arith.constant 0 : index
        %get3A_1036 = tpu.vector_load %arg10[%get3A_1034, %get3A_1035] {strides = array<i32>} : memref<2560x16xf32, #tpu.memory_space<vmem>>, vector<1x16xf32>,
        %get3A_1037 = vector.shape_cast %get3A_1036 : vector<1x16xf32> to vector<16xf32>
        %slice3A_1038 = vector.extract_strided_slice %get3A_878 {offsets = [14], sizes = [1], strides = [1]} : vector<16xf32> to vector<1xf32>
        %squeeze3A_1039 = vector.extract %slice3A_1038[0] : f32 from vector<1xf32>
        %mul3A_1040 = vector.broadcast %squeeze3A_1039 : f32 to vector<16xf32>
        %mul3A_1041 = arith.mulf %get3A_1037, %mul3A_1040 : vector<16xf32>
        %add3A_1042 = arith.addf %add3A_998, %mul3A_1041 : vector<16xf32>
        %add3A_1043 = arith.constant 1920 : i32
        %add3A_1044 = arith.addi %add3A_1043, %add3A_874 : i32
        %get3A_1045 = arith.index_cast %add3A_1044 : i32 to index
        %get3A_1046 = arith.constant 0 : index
        %get3A_1047 = tpu.vector_load %arg10[%get3A_1045, %get3A_1046] {strides = array<i32>} : memref<2560x16xf32, #tpu.memory_space<vmem>>, vector<1x16xf32>,
        %get3A_1048 = vector.shape_cast %get3A_1047 : vector<1x16xf32> to vector<16xf32>
        %slice3A_1049 = vector.extract_strided_slice %get3A_878 {offsets = [15], sizes = [1], strides = [1]} : vector<16xf32> to vector<1xf32>
        %squeeze3A_1050 = vector.extract %slice3A_1049[0] : f32 from vector<1xf32>
        %mul3A_1051 = vector.broadcast %squeeze3A_1050 : f32 to vector<16xf32>
        %mul3A_1052 = arith.mulf %get3A_1048, %mul3A_1051 : vector<16xf32>
        %add3A_1053 = arith.addf %add3A_1009, %mul3A_1052 : vector<16xf32>
        %add3A_1054 = arith.constant 2048 : i32
        %add3A_1055 = arith.addi %add3A_1054, %add3A_874 : i32
        %get3A_1056 = arith.index_cast %add3A_1055 : i32 to index
        %get3A_1057 = arith.constant 0 : index
        %get3A_1058 = tpu.vector_load %arg10[%get3A_1056, %get3A_1057] {strides = array<i32>} : memref<2560x16xf32, #tpu.memory_space<vmem>>, vector<1x16xf32>,
        %get3A_1059 = vector.shape_cast %get3A_1058 : vector<1x16xf32> to vector<16xf32>
        %slice3A_1060 = vector.extract_strided_slice %get3A_883 {offsets = [12], sizes = [1], strides = [1]} : vector<16xf32> to vector<1xf32>
        %squeeze3A_1061 = vector.extract %slice3A_1060[0] : f32 from vector<1xf32>
        %mul3A_1062 = vector.broadcast %squeeze3A_1061 : f32 to vector<16xf32>
        %mul3A_1063 = arith.mulf %get3A_1059, %mul3A_1062 : vector<16xf32>
        %add3A_1064 = arith.addf %add3A_1020, %mul3A_1063 : vector<16xf32>
        %add3A_1065 = arith.constant 2176 : i32
        %add3A_1066 = arith.addi %add3A_1065, %add3A_874 : i32
        %get3A_1067 = arith.index_cast %add3A_1066 : i32 to index
        %get3A_1068 = arith.constant 0 : index
        %get3A_1069 = tpu.vector_load %arg10[%get3A_1067, %get3A_1068] {strides = array<i32>} : memref<2560x16xf32, #tpu.memory_space<vmem>>, vector<1x16xf32>,
        %get3A_1070 = vector.shape_cast %get3A_1069 : vector<1x16xf32> to vector<16xf32>
        %slice3A_1071 = vector.extract_strided_slice %get3A_883 {offsets = [13], sizes = [1], strides = [1]} : vector<16xf32> to vector<1xf32>
        %squeeze3A_1072 = vector.extract %slice3A_1071[0] : f32 from vector<1xf32>
        %mul3A_1073 = vector.broadcast %squeeze3A_1072 : f32 to vector<16xf32>
        %mul3A_1074 = arith.mulf %get3A_1070, %mul3A_1073 : vector<16xf32>
        %add3A_1075 = arith.addf %add3A_1031, %mul3A_1074 : vector<16xf32>
        %add3A_1076 = arith.constant 2304 : i32
        %add3A_1077 = arith.addi %add3A_1076, %add3A_874 : i32
        %get3A_1078 = arith.index_cast %add3A_1077 : i32 to index
        %get3A_1079 = arith.constant 0 : index
        %get3A_1080 = tpu.vector_load %arg10[%get3A_1078, %get3A_1079] {strides = array<i32>} : memref<2560x16xf32, #tpu.memory_space<vmem>>, vector<1x16xf32>,
        %get3A_1081 = vector.shape_cast %get3A_1080 : vector<1x16xf32> to vector<16xf32>
        %slice3A_1082 = vector.extract_strided_slice %get3A_883 {offsets = [14], sizes = [1], strides = [1]} : vector<16xf32> to vector<1xf32>
        %squeeze3A_1083 = vector.extract %slice3A_1082[0] : f32 from vector<1xf32>
        %mul3A_1084 = vector.broadcast %squeeze3A_1083 : f32 to vector<16xf32>
        %mul3A_1085 = arith.mulf %get3A_1081, %mul3A_1084 : vector<16xf32>
        %add3A_1086 = arith.addf %add3A_1042, %mul3A_1085 : vector<16xf32>
        %add3A_1087 = arith.constant 2432 : i32
        %add3A_1088 = arith.addi %add3A_1087, %add3A_874 : i32
        %get3A_1089 = arith.index_cast %add3A_1088 : i32 to index
        %get3A_1090 = arith.constant 0 : index
        %get3A_1091 = tpu.vector_load %arg10[%get3A_1089, %get3A_1090] {strides = array<i32>} : memref<2560x16xf32, #tpu.memory_space<vmem>>, vector<1x16xf32>,
        %get3A_1092 = vector.shape_cast %get3A_1091 : vector<1x16xf32> to vector<16xf32>
        %slice3A_1093 = vector.extract_strided_slice %get3A_883 {offsets = [15], sizes = [1], strides = [1]} : vector<16xf32> to vector<1xf32>
        %squeeze3A_1094 = vector.extract %slice3A_1093[0] : f32 from vector<1xf32>
        %mul3A_1095 = vector.broadcast %squeeze3A_1094 : f32 to vector<16xf32>
        %mul3A_1096 = arith.mulf %get3A_1092, %mul3A_1095 : vector<16xf32>
        %add3A_1097 = arith.addf %add3A_1053, %mul3A_1096 : vector<16xf32>
        %add3A_1098 = arith.addf %add3A_1064, %add3A_1075 : vector<16xf32>
        %add3A_1099 = arith.addf %add3A_1086, %add3A_1097 : vector<16xf32>
        %add3A_1100 = arith.addf %add3A_1098, %add3A_1099 : vector<16xf32>
        %swap3A = arith.index_cast %add3A_874 : i32 to index
        %swap3A_1101 = arith.constant 0 : index
        %swap3A_1102 = tpu.vector_load %arg12[%swap3A, %swap3A_1101] {strides = array<i32>} : memref<128x16xf32, #tpu.memory_space<vmem>>, vector<1x16xf32>,
        %swap3A_1103 = vector.shape_cast %swap3A_1102 : vector<1x16xf32> to vector<16xf32>
        %swap3A_1104 = vector.shape_cast %add3A_1100 : vector<16xf32> to vector<1x16xf32>
        tpu.vector_store %arg12[%swap3A, %swap3A_1101], %swap3A_1104 {strides = array<i32>} : memref<128x16xf32, #tpu.memory_space<vmem>>, vector<1x16xf32>,
        %mul3A_1105 = arith.constant 2 : i32
        %mul3A_1106 = arith.muli %scan3A_870, %mul3A_1105 : i32
        %add3A_1107 = arith.constant 1 : i32
        %add3A_1108 = arith.addi %mul3A_1106, %add3A_1107 : i32
        %mul3A_1109 = arith.constant 20 : i32
        %mul3A_1110 = arith.muli %add3A_1108, %mul3A_1109 : i32
        %get3A_1111 = arith.index_cast %mul3A_1110 : i32 to index
        %get3A_1112 = tpu.vector_load %arg9[%get3A_1111] {strides = array<i32>} : memref<2560xf32, #tpu.memory_space<vmem>>, vector<16xf32>,
        %get3A_1113 = vector.shape_cast %get3A_1112 : vector<16xf32> to vector<16xf32>
        %add3A_1114 = arith.constant 4 : i32
        %add3A_1115 = arith.addi %mul3A_1110, %add3A_1114 : i32
        %get3A_1116 = arith.index_cast %add3A_1115 : i32 to index
        %get3A_1117 = tpu.vector_load %arg9[%get3A_1116] {strides = array<i32>} : memref<2560xf32, #tpu.memory_space<vmem>>, vector<16xf32>,
        %get3A_1118 = vector.shape_cast %get3A_1117 : vector<16xf32> to vector<16xf32>
        %add3A_1119 = arith.constant 0 : i32
        %add3A_1120 = arith.addi %add3A_1119, %add3A_1108 : i32
        %get3A_1121 = arith.index_cast %add3A_1120 : i32 to index
        %get3A_1122 = arith.constant 0 : index
        %get3A_1123 = tpu.vector_load %arg10[%get3A_1121, %get3A_1122] {strides = array<i32>} : memref<2560x16xf32, #tpu.memory_space<vmem>>, vector<1x16xf32>,
        %get3A_1124 = vector.shape_cast %get3A_1123 : vector<1x16xf32> to vector<16xf32>
        %slice3A_1125 = vector.extract_strided_slice %get3A_1113 {offsets = [0], sizes = [1], strides = [1]} : vector<16xf32> to vector<1xf32>
        %squeeze3A_1126 = vector.extract %slice3A_1125[0] : f32 from vector<1xf32>
        %mul3A_1127 = vector.broadcast %squeeze3A_1126 : f32 to vector<16xf32>
        %mul3A_1128 = arith.mulf %get3A_1124, %mul3A_1127 : vector<16xf32>
        %add3A_1129 = arith.constant 128 : i32
        %add3A_1130 = arith.addi %add3A_1129, %add3A_1108 : i32
        %get3A_1131 = arith.index_cast %add3A_1130 : i32 to index
        %get3A_1132 = arith.constant 0 : index
        %get3A_1133 = tpu.vector_load %arg10[%get3A_1131, %get3A_1132] {strides = array<i32>} : memref<2560x16xf32, #tpu.memory_space<vmem>>, vector<1x16xf32>,
        %get3A_1134 = vector.shape_cast %get3A_1133 : vector<1x16xf32> to vector<16xf32>
        %slice3A_1135 = vector.extract_strided_slice %get3A_1113 {offsets = [1], sizes = [1], strides = [1]} : vector<16xf32> to vector<1xf32>
        %squeeze3A_1136 = vector.extract %slice3A_1135[0] : f32 from vector<1xf32>
        %mul3A_1137 = vector.broadcast %squeeze3A_1136 : f32 to vector<16xf32>
        %mul3A_1138 = arith.mulf %get3A_1134, %mul3A_1137 : vector<16xf32>
        %add3A_1139 = arith.constant 256 : i32
        %add3A_1140 = arith.addi %add3A_1139, %add3A_1108 : i32
        %get3A_1141 = arith.index_cast %add3A_1140 : i32 to index
        %get3A_1142 = arith.constant 0 : index
        %get3A_1143 = tpu.vector_load %arg10[%get3A_1141, %get3A_1142] {strides = array<i32>} : memref<2560x16xf32, #tpu.memory_space<vmem>>, vector<1x16xf32>,
        %get3A_1144 = vector.shape_cast %get3A_1143 : vector<1x16xf32> to vector<16xf32>
        %slice3A_1145 = vector.extract_strided_slice %get3A_1113 {offsets = [2], sizes = [1], strides = [1]} : vector<16xf32> to vector<1xf32>
        %squeeze3A_1146 = vector.extract %slice3A_1145[0] : f32 from vector<1xf32>
        %mul3A_1147 = vector.broadcast %squeeze3A_1146 : f32 to vector<16xf32>
        %mul3A_1148 = arith.mulf %get3A_1144, %mul3A_1147 : vector<16xf32>
        %add3A_1149 = arith.constant 384 : i32
        %add3A_1150 = arith.addi %add3A_1149, %add3A_1108 : i32
        %get3A_1151 = arith.index_cast %add3A_1150 : i32 to index
        %get3A_1152 = arith.constant 0 : index
        %get3A_1153 = tpu.vector_load %arg10[%get3A_1151, %get3A_1152] {strides = array<i32>} : memref<2560x16xf32, #tpu.memory_space<vmem>>, vector<1x16xf32>,
        %get3A_1154 = vector.shape_cast %get3A_1153 : vector<1x16xf32> to vector<16xf32>
        %slice3A_1155 = vector.extract_strided_slice %get3A_1113 {offsets = [3], sizes = [1], strides = [1]} : vector<16xf32> to vector<1xf32>
        %squeeze3A_1156 = vector.extract %slice3A_1155[0] : f32 from vector<1xf32>
        %mul3A_1157 = vector.broadcast %squeeze3A_1156 : f32 to vector<16xf32>
        %mul3A_1158 = arith.mulf %get3A_1154, %mul3A_1157 : vector<16xf32>
        %add3A_1159 = arith.constant 512 : i32
        %add3A_1160 = arith.addi %add3A_1159, %add3A_1108 : i32
        %get3A_1161 = arith.index_cast %add3A_1160 : i32 to index
        %get3A_1162 = arith.constant 0 : index
        %get3A_1163 = tpu.vector_load %arg10[%get3A_1161, %get3A_1162] {strides = array<i32>} : memref<2560x16xf32, #tpu.memory_space<vmem>>, vector<1x16xf32>,
        %get3A_1164 = vector.shape_cast %get3A_1163 : vector<1x16xf32> to vector<16xf32>
        %slice3A_1165 = vector.extract_strided_slice %get3A_1113 {offsets = [4], sizes = [1], strides = [1]} : vector<16xf32> to vector<1xf32>
        %squeeze3A_1166 = vector.extract %slice3A_1165[0] : f32 from vector<1xf32>
        %mul3A_1167 = vector.broadcast %squeeze3A_1166 : f32 to vector<16xf32>
        %mul3A_1168 = arith.mulf %get3A_1164, %mul3A_1167 : vector<16xf32>
        %add3A_1169 = arith.addf %mul3A_1128, %mul3A_1168 : vector<16xf32>
        %add3A_1170 = arith.constant 640 : i32
        %add3A_1171 = arith.addi %add3A_1170, %add3A_1108 : i32
        %get3A_1172 = arith.index_cast %add3A_1171 : i32 to index
        %get3A_1173 = arith.constant 0 : index
        %get3A_1174 = tpu.vector_load %arg10[%get3A_1172, %get3A_1173] {strides = array<i32>} : memref<2560x16xf32, #tpu.memory_space<vmem>>, vector<1x16xf32>,
        %get3A_1175 = vector.shape_cast %get3A_1174 : vector<1x16xf32> to vector<16xf32>
        %slice3A_1176 = vector.extract_strided_slice %get3A_1113 {offsets = [5], sizes = [1], strides = [1]} : vector<16xf32> to vector<1xf32>
        %squeeze3A_1177 = vector.extract %slice3A_1176[0] : f32 from vector<1xf32>
        %mul3A_1178 = vector.broadcast %squeeze3A_1177 : f32 to vector<16xf32>
        %mul3A_1179 = arith.mulf %get3A_1175, %mul3A_1178 : vector<16xf32>
        %add3A_1180 = arith.addf %mul3A_1138, %mul3A_1179 : vector<16xf32>
        %add3A_1181 = arith.constant 768 : i32
        %add3A_1182 = arith.addi %add3A_1181, %add3A_1108 : i32
        %get3A_1183 = arith.index_cast %add3A_1182 : i32 to index
        %get3A_1184 = arith.constant 0 : index
        %get3A_1185 = tpu.vector_load %arg10[%get3A_1183, %get3A_1184] {strides = array<i32>} : memref<2560x16xf32, #tpu.memory_space<vmem>>, vector<1x16xf32>,
        %get3A_1186 = vector.shape_cast %get3A_1185 : vector<1x16xf32> to vector<16xf32>
        %slice3A_1187 = vector.extract_strided_slice %get3A_1113 {offsets = [6], sizes = [1], strides = [1]} : vector<16xf32> to vector<1xf32>
        %squeeze3A_1188 = vector.extract %slice3A_1187[0] : f32 from vector<1xf32>
        %mul3A_1189 = vector.broadcast %squeeze3A_1188 : f32 to vector<16xf32>
        %mul3A_1190 = arith.mulf %get3A_1186, %mul3A_1189 : vector<16xf32>
        %add3A_1191 = arith.addf %mul3A_1148, %mul3A_1190 : vector<16xf32>
        %add3A_1192 = arith.constant 896 : i32
        %add3A_1193 = arith.addi %add3A_1192, %add3A_1108 : i32
        %get3A_1194 = arith.index_cast %add3A_1193 : i32 to index
        %get3A_1195 = arith.constant 0 : index
        %get3A_1196 = tpu.vector_load %arg10[%get3A_1194, %get3A_1195] {strides = array<i32>} : memref<2560x16xf32, #tpu.memory_space<vmem>>, vector<1x16xf32>,
        %get3A_1197 = vector.shape_cast %get3A_1196 : vector<1x16xf32> to vector<16xf32>
        %slice3A_1198 = vector.extract_strided_slice %get3A_1113 {offsets = [7], sizes = [1], strides = [1]} : vector<16xf32> to vector<1xf32>
        %squeeze3A_1199 = vector.extract %slice3A_1198[0] : f32 from vector<1xf32>
        %mul3A_1200 = vector.broadcast %squeeze3A_1199 : f32 to vector<16xf32>
        %mul3A_1201 = arith.mulf %get3A_1197, %mul3A_1200 : vector<16xf32>
        %add3A_1202 = arith.addf %mul3A_1158, %mul3A_1201 : vector<16xf32>
        %add3A_1203 = arith.constant 1024 : i32
        %add3A_1204 = arith.addi %add3A_1203, %add3A_1108 : i32
        %get3A_1205 = arith.index_cast %add3A_1204 : i32 to index
        %get3A_1206 = arith.constant 0 : index
        %get3A_1207 = tpu.vector_load %arg10[%get3A_1205, %get3A_1206] {strides = array<i32>} : memref<2560x16xf32, #tpu.memory_space<vmem>>, vector<1x16xf32>,
        %get3A_1208 = vector.shape_cast %get3A_1207 : vector<1x16xf32> to vector<16xf32>
        %slice3A_1209 = vector.extract_strided_slice %get3A_1113 {offsets = [8], sizes = [1], strides = [1]} : vector<16xf32> to vector<1xf32>
        %squeeze3A_1210 = vector.extract %slice3A_1209[0] : f32 from vector<1xf32>
        %mul3A_1211 = vector.broadcast %squeeze3A_1210 : f32 to vector<16xf32>
        %mul3A_1212 = arith.mulf %get3A_1208, %mul3A_1211 : vector<16xf32>
        %add3A_1213 = arith.addf %add3A_1169, %mul3A_1212 : vector<16xf32>
        %add3A_1214 = arith.constant 1152 : i32
        %add3A_1215 = arith.addi %add3A_1214, %add3A_1108 : i32
        %get3A_1216 = arith.index_cast %add3A_1215 : i32 to index
        %get3A_1217 = arith.constant 0 : index
        %get3A_1218 = tpu.vector_load %arg10[%get3A_1216, %get3A_1217] {strides = array<i32>} : memref<2560x16xf32, #tpu.memory_space<vmem>>, vector<1x16xf32>,
        %get3A_1219 = vector.shape_cast %get3A_1218 : vector<1x16xf32> to vector<16xf32>
        %slice3A_1220 = vector.extract_strided_slice %get3A_1113 {offsets = [9], sizes = [1], strides = [1]} : vector<16xf32> to vector<1xf32>
        %squeeze3A_1221 = vector.extract %slice3A_1220[0] : f32 from vector<1xf32>
        %mul3A_1222 = vector.broadcast %squeeze3A_1221 : f32 to vector<16xf32>
        %mul3A_1223 = arith.mulf %get3A_1219, %mul3A_1222 : vector<16xf32>
        %add3A_1224 = arith.addf %add3A_1180, %mul3A_1223 : vector<16xf32>
        %add3A_1225 = arith.constant 1280 : i32
        %add3A_1226 = arith.addi %add3A_1225, %add3A_1108 : i32
        %get3A_1227 = arith.index_cast %add3A_1226 : i32 to index
        %get3A_1228 = arith.constant 0 : index
        %get3A_1229 = tpu.vector_load %arg10[%get3A_1227, %get3A_1228] {strides = array<i32>} : memref<2560x16xf32, #tpu.memory_space<vmem>>, vector<1x16xf32>,
        %get3A_1230 = vector.shape_cast %get3A_1229 : vector<1x16xf32> to vector<16xf32>
        %slice3A_1231 = vector.extract_strided_slice %get3A_1113 {offsets = [10], sizes = [1], strides = [1]} : vector<16xf32> to vector<1xf32>
        %squeeze3A_1232 = vector.extract %slice3A_1231[0] : f32 from vector<1xf32>
        %mul3A_1233 = vector.broadcast %squeeze3A_1232 : f32 to vector<16xf32>
        %mul3A_1234 = arith.mulf %get3A_1230, %mul3A_1233 : vector<16xf32>
        %add3A_1235 = arith.addf %add3A_1191, %mul3A_1234 : vector<16xf32>
        %add3A_1236 = arith.constant 1408 : i32
        %add3A_1237 = arith.addi %add3A_1236, %add3A_1108 : i32
        %get3A_1238 = arith.index_cast %add3A_1237 : i32 to index
        %get3A_1239 = arith.constant 0 : index
        %get3A_1240 = tpu.vector_load %arg10[%get3A_1238, %get3A_1239] {strides = array<i32>} : memref<2560x16xf32, #tpu.memory_space<vmem>>, vector<1x16xf32>,
        %get3A_1241 = vector.shape_cast %get3A_1240 : vector<1x16xf32> to vector<16xf32>
        %slice3A_1242 = vector.extract_strided_slice %get3A_1113 {offsets = [11], sizes = [1], strides = [1]} : vector<16xf32> to vector<1xf32>
        %squeeze3A_1243 = vector.extract %slice3A_1242[0] : f32 from vector<1xf32>
        %mul3A_1244 = vector.broadcast %squeeze3A_1243 : f32 to vector<16xf32>
        %mul3A_1245 = arith.mulf %get3A_1241, %mul3A_1244 : vector<16xf32>
        %add3A_1246 = arith.addf %add3A_1202, %mul3A_1245 : vector<16xf32>
        %add3A_1247 = arith.constant 1536 : i32
        %add3A_1248 = arith.addi %add3A_1247, %add3A_1108 : i32
        %get3A_1249 = arith.index_cast %add3A_1248 : i32 to index
        %get3A_1250 = arith.constant 0 : index
        %get3A_1251 = tpu.vector_load %arg10[%get3A_1249, %get3A_1250] {strides = array<i32>} : memref<2560x16xf32, #tpu.memory_space<vmem>>, vector<1x16xf32>,
        %get3A_1252 = vector.shape_cast %get3A_1251 : vector<1x16xf32> to vector<16xf32>
        %slice3A_1253 = vector.extract_strided_slice %get3A_1113 {offsets = [12], sizes = [1], strides = [1]} : vector<16xf32> to vector<1xf32>
        %squeeze3A_1254 = vector.extract %slice3A_1253[0] : f32 from vector<1xf32>
        %mul3A_1255 = vector.broadcast %squeeze3A_1254 : f32 to vector<16xf32>
        %mul3A_1256 = arith.mulf %get3A_1252, %mul3A_1255 : vector<16xf32>
        %add3A_1257 = arith.addf %add3A_1213, %mul3A_1256 : vector<16xf32>
        %add3A_1258 = arith.constant 1664 : i32
        %add3A_1259 = arith.addi %add3A_1258, %add3A_1108 : i32
        %get3A_1260 = arith.index_cast %add3A_1259 : i32 to index
        %get3A_1261 = arith.constant 0 : index
        %get3A_1262 = tpu.vector_load %arg10[%get3A_1260, %get3A_1261] {strides = array<i32>} : memref<2560x16xf32, #tpu.memory_space<vmem>>, vector<1x16xf32>,
        %get3A_1263 = vector.shape_cast %get3A_1262 : vector<1x16xf32> to vector<16xf32>
        %slice3A_1264 = vector.extract_strided_slice %get3A_1113 {offsets = [13], sizes = [1], strides = [1]} : vector<16xf32> to vector<1xf32>
        %squeeze3A_1265 = vector.extract %slice3A_1264[0] : f32 from vector<1xf32>
        %mul3A_1266 = vector.broadcast %squeeze3A_1265 : f32 to vector<16xf32>
        %mul3A_1267 = arith.mulf %get3A_1263, %mul3A_1266 : vector<16xf32>
        %add3A_1268 = arith.addf %add3A_1224, %mul3A_1267 : vector<16xf32>
        %add3A_1269 = arith.constant 1792 : i32
        %add3A_1270 = arith.addi %add3A_1269, %add3A_1108 : i32
        %get3A_1271 = arith.index_cast %add3A_1270 : i32 to index
        %get3A_1272 = arith.constant 0 : index
        %get3A_1273 = tpu.vector_load %arg10[%get3A_1271, %get3A_1272] {strides = array<i32>} : memref<2560x16xf32, #tpu.memory_space<vmem>>, vector<1x16xf32>,
        %get3A_1274 = vector.shape_cast %get3A_1273 : vector<1x16xf32> to vector<16xf32>
        %slice3A_1275 = vector.extract_strided_slice %get3A_1113 {offsets = [14], sizes = [1], strides = [1]} : vector<16xf32> to vector<1xf32>
        %squeeze3A_1276 = vector.extract %slice3A_1275[0] : f32 from vector<1xf32>
        %mul3A_1277 = vector.broadcast %squeeze3A_1276 : f32 to vector<16xf32>
        %mul3A_1278 = arith.mulf %get3A_1274, %mul3A_1277 : vector<16xf32>
        %add3A_1279 = arith.addf %add3A_1235, %mul3A_1278 : vector<16xf32>
        %add3A_1280 = arith.constant 1920 : i32
        %add3A_1281 = arith.addi %add3A_1280, %add3A_1108 : i32
        %get3A_1282 = arith.index_cast %add3A_1281 : i32 to index
        %get3A_1283 = arith.constant 0 : index
        %get3A_1284 = tpu.vector_load %arg10[%get3A_1282, %get3A_1283] {strides = array<i32>} : memref<2560x16xf32, #tpu.memory_space<vmem>>, vector<1x16xf32>,
        %get3A_1285 = vector.shape_cast %get3A_1284 : vector<1x16xf32> to vector<16xf32>
        %slice3A_1286 = vector.extract_strided_slice %get3A_1113 {offsets = [15], sizes = [1], strides = [1]} : vector<16xf32> to vector<1xf32>
        %squeeze3A_1287 = vector.extract %slice3A_1286[0] : f32 from vector<1xf32>
        %mul3A_1288 = vector.broadcast %squeeze3A_1287 : f32 to vector<16xf32>
        %mul3A_1289 = arith.mulf %get3A_1285, %mul3A_1288 : vector<16xf32>
        %add3A_1290 = arith.addf %add3A_1246, %mul3A_1289 : vector<16xf32>
        %add3A_1291 = arith.constant 2048 : i32
        %add3A_1292 = arith.addi %add3A_1291, %add3A_1108 : i32
        %get3A_1293 = arith.index_cast %add3A_1292 : i32 to index
        %get3A_1294 = arith.constant 0 : index
        %get3A_1295 = tpu.vector_load %arg10[%get3A_1293, %get3A_1294] {strides = array<i32>} : memref<2560x16xf32, #tpu.memory_space<vmem>>, vector<1x16xf32>,
        %get3A_1296 = vector.shape_cast %get3A_1295 : vector<1x16xf32> to vector<16xf32>
        %slice3A_1297 = vector.extract_strided_slice %get3A_1118 {offsets = [12], sizes = [1], strides = [1]} : vector<16xf32> to vector<1xf32>
        %squeeze3A_1298 = vector.extract %slice3A_1297[0] : f32 from vector<1xf32>
        %mul3A_1299 = vector.broadcast %squeeze3A_1298 : f32 to vector<16xf32>
        %mul3A_1300 = arith.mulf %get3A_1296, %mul3A_1299 : vector<16xf32>
        %add3A_1301 = arith.addf %add3A_1257, %mul3A_1300 : vector<16xf32>
        %add3A_1302 = arith.constant 2176 : i32
        %add3A_1303 = arith.addi %add3A_1302, %add3A_1108 : i32
        %get3A_1304 = arith.index_cast %add3A_1303 : i32 to index
        %get3A_1305 = arith.constant 0 : index
        %get3A_1306 = tpu.vector_load %arg10[%get3A_1304, %get3A_1305] {strides = array<i32>} : memref<2560x16xf32, #tpu.memory_space<vmem>>, vector<1x16xf32>,
        %get3A_1307 = vector.shape_cast %get3A_1306 : vector<1x16xf32> to vector<16xf32>
        %slice3A_1308 = vector.extract_strided_slice %get3A_1118 {offsets = [13], sizes = [1], strides = [1]} : vector<16xf32> to vector<1xf32>
        %squeeze3A_1309 = vector.extract %slice3A_1308[0] : f32 from vector<1xf32>
        %mul3A_1310 = vector.broadcast %squeeze3A_1309 : f32 to vector<16xf32>
        %mul3A_1311 = arith.mulf %get3A_1307, %mul3A_1310 : vector<16xf32>
        %add3A_1312 = arith.addf %add3A_1268, %mul3A_1311 : vector<16xf32>
        %add3A_1313 = arith.constant 2304 : i32
        %add3A_1314 = arith.addi %add3A_1313, %add3A_1108 : i32
        %get3A_1315 = arith.index_cast %add3A_1314 : i32 to index
        %get3A_1316 = arith.constant 0 : index
        %get3A_1317 = tpu.vector_load %arg10[%get3A_1315, %get3A_1316] {strides = array<i32>} : memref<2560x16xf32, #tpu.memory_space<vmem>>, vector<1x16xf32>,
        %get3A_1318 = vector.shape_cast %get3A_1317 : vector<1x16xf32> to vector<16xf32>
        %slice3A_1319 = vector.extract_strided_slice %get3A_1118 {offsets = [14], sizes = [1], strides = [1]} : vector<16xf32> to vector<1xf32>
        %squeeze3A_1320 = vector.extract %slice3A_1319[0] : f32 from vector<1xf32>
        %mul3A_1321 = vector.broadcast %squeeze3A_1320 : f32 to vector<16xf32>
        %mul3A_1322 = arith.mulf %get3A_1318, %mul3A_1321 : vector<16xf32>
        %add3A_1323 = arith.addf %add3A_1279, %mul3A_1322 : vector<16xf32>
        %add3A_1324 = arith.constant 2432 : i32
        %add3A_1325 = arith.addi %add3A_1324, %add3A_1108 : i32
        %get3A_1326 = arith.index_cast %add3A_1325 : i32 to index
        %get3A_1327 = arith.constant 0 : index
        %get3A_1328 = tpu.vector_load %arg10[%get3A_1326, %get3A_1327] {strides = array<i32>} : memref<2560x16xf32, #tpu.memory_space<vmem>>, vector<1x16xf32>,
        %get3A_1329 = vector.shape_cast %get3A_1328 : vector<1x16xf32> to vector<16xf32>
        %slice3A_1330 = vector.extract_strided_slice %get3A_1118 {offsets = [15], sizes = [1], strides = [1]} : vector<16xf32> to vector<1xf32>
        %squeeze3A_1331 = vector.extract %slice3A_1330[0] : f32 from vector<1xf32>
        %mul3A_1332 = vector.broadcast %squeeze3A_1331 : f32 to vector<16xf32>
        %mul3A_1333 = arith.mulf %get3A_1329, %mul3A_1332 : vector<16xf32>
        %add3A_1334 = arith.addf %add3A_1290, %mul3A_1333 : vector<16xf32>
        %add3A_1335 = arith.addf %add3A_1301, %add3A_1312 : vector<16xf32>
        %add3A_1336 = arith.addf %add3A_1323, %add3A_1334 : vector<16xf32>
        %add3A_1337 = arith.addf %add3A_1335, %add3A_1336 : vector<16xf32>
        %swap3A_1338 = arith.index_cast %add3A_1108 : i32 to index
        %swap3A_1339 = arith.constant 0 : index
        %swap3A_1340 = tpu.vector_load %arg12[%swap3A_1338, %swap3A_1339] {strides = array<i32>} : memref<128x16xf32, #tpu.memory_space<vmem>>, vector<1x16xf32>,
        %swap3A_1341 = vector.shape_cast %swap3A_1340 : vector<1x16xf32> to vector<16xf32>
        %swap3A_1342 = vector.shape_cast %add3A_1337 : vector<16xf32> to vector<1x16xf32>
        tpu.vector_store %arg12[%swap3A_1338, %swap3A_1339], %swap3A_1342 {strides = array<i32>} : memref<128x16xf32, #tpu.memory_space<vmem>>, vector<1x16xf32>,
      }
      %scan3A_857 = arith.constant 64 : i32
      %scan3A_858 = arith.constant 0 : i32
      %scan3A_859 = arith.constant 0 : i32
      %scan3A_860 = arith.constant 8 : i32
      %scan3A_861 = arith.addi %scan3A_859, %scan3A_860 : i32
      %scan3A_862 = arith.constant 1 : i32
      scf.for %scan3A_870 = %scan3A_859 to %scan3A_861 step %scan3A_862  : i32 {
        %mul3A_871 = arith.constant 16 : i32
        %mul3A_872 = arith.muli %scan3A_870, %mul3A_871 : i32
        %get3A = arith.index_cast %mul3A_872 : i32 to index
        %get3A_873 = tpu.vector_load %arg11[%get3A] {strides = array<i32>} : memref<2560xf32, #tpu.memory_space<vmem>>, vector<16xf32>,
        %get3A_874 = vector.shape_cast %get3A_873 : vector<16xf32> to vector<16xf32>
        %add3A_875 = arith.constant 128 : i32
        %add3A_876 = arith.addi %add3A_875, %mul3A_872 : i32
        %get3A_877 = arith.index_cast %add3A_876 : i32 to index
        %get3A_878 = tpu.vector_load %arg11[%get3A_877] {strides = array<i32>} : memref<2560xf32, #tpu.memory_space<vmem>>, vector<16xf32>,
        %get3A_879 = vector.shape_cast %get3A_878 : vector<16xf32> to vector<16xf32>
        %add3A_880 = arith.addf %get3A_874, %get3A_879 : vector<16xf32>
        %add3A_881 = arith.constant 256 : i32
        %add3A_882 = arith.addi %add3A_881, %mul3A_872 : i32
        %get3A_883 = arith.index_cast %add3A_882 : i32 to index
        %get3A_884 = tpu.vector_load %arg11[%get3A_883] {strides = array<i32>} : memref<2560xf32, #tpu.memory_space<vmem>>, vector<16xf32>,
        %get3A_885 = vector.shape_cast %get3A_884 : vector<16xf32> to vector<16xf32>
        %add3A_886 = arith.addf %add3A_880, %get3A_885 : vector<16xf32>
        %add3A_887 = arith.constant 384 : i32
        %add3A_888 = arith.addi %add3A_887, %mul3A_872 : i32
        %get3A_889 = arith.index_cast %add3A_888 : i32 to index
        %get3A_890 = tpu.vector_load %arg11[%get3A_889] {strides = array<i32>} : memref<2560xf32, #tpu.memory_space<vmem>>, vector<16xf32>,
        %get3A_891 = vector.shape_cast %get3A_890 : vector<16xf32> to vector<16xf32>
        %add3A_892 = arith.addf %add3A_886, %get3A_891 : vector<16xf32>
        %add3A_893 = arith.constant 512 : i32
        %add3A_894 = arith.addi %add3A_893, %mul3A_872 : i32
        %get3A_895 = arith.index_cast %add3A_894 : i32 to index
        %get3A_896 = tpu.vector_load %arg11[%get3A_895] {strides = array<i32>} : memref<2560xf32, #tpu.memory_space<vmem>>, vector<16xf32>,
        %get3A_897 = vector.shape_cast %get3A_896 : vector<16xf32> to vector<16xf32>
        %add3A_898 = arith.addf %add3A_892, %get3A_897 : vector<16xf32>
        %add3A_899 = arith.constant 640 : i32
        %add3A_900 = arith.addi %add3A_899, %mul3A_872 : i32
        %get3A_901 = arith.index_cast %add3A_900 : i32 to index
        %get3A_902 = tpu.vector_load %arg11[%get3A_901] {strides = array<i32>} : memref<2560xf32, #tpu.memory_space<vmem>>, vector<16xf32>,
        %get3A_903 = vector.shape_cast %get3A_902 : vector<16xf32> to vector<16xf32>
        %add3A_904 = arith.addf %add3A_898, %get3A_903 : vector<16xf32>
        %add3A_905 = arith.constant 768 : i32
        %add3A_906 = arith.addi %add3A_905, %mul3A_872 : i32
        %get3A_907 = arith.index_cast %add3A_906 : i32 to index
        %get3A_908 = tpu.vector_load %arg11[%get3A_907] {strides = array<i32>} : memref<2560xf32, #tpu.memory_space<vmem>>, vector<16xf32>,
        %get3A_909 = vector.shape_cast %get3A_908 : vector<16xf32> to vector<16xf32>
        %add3A_910 = arith.addf %add3A_904, %get3A_909 : vector<16xf32>
        %add3A_911 = arith.constant 896 : i32
        %add3A_912 = arith.addi %add3A_911, %mul3A_872 : i32
        %get3A_913 = arith.index_cast %add3A_912 : i32 to index
        %get3A_914 = tpu.vector_load %arg11[%get3A_913] {strides = array<i32>} : memref<2560xf32, #tpu.memory_space<vmem>>, vector<16xf32>,
        %get3A_915 = vector.shape_cast %get3A_914 : vector<16xf32> to vector<16xf32>
        %add3A_916 = arith.addf %add3A_910, %get3A_915 : vector<16xf32>
        %add3A_917 = arith.constant 1024 : i32
        %add3A_918 = arith.addi %add3A_917, %mul3A_872 : i32
        %get3A_919 = arith.index_cast %add3A_918 : i32 to index
        %get3A_920 = tpu.vector_load %arg11[%get3A_919] {strides = array<i32>} : memref<2560xf32, #tpu.memory_space<vmem>>, vector<16xf32>,
        %get3A_921 = vector.shape_cast %get3A_920 : vector<16xf32> to vector<16xf32>
        %add3A_922 = arith.addf %add3A_916, %get3A_921 : vector<16xf32>
        %add3A_923 = arith.constant 1152 : i32
        %add3A_924 = arith.addi %add3A_923, %mul3A_872 : i32
        %get3A_925 = arith.index_cast %add3A_924 : i32 to index
        %get3A_926 = tpu.vector_load %arg11[%get3A_925] {strides = array<i32>} : memref<2560xf32, #tpu.memory_space<vmem>>, vector<16xf32>,
        %get3A_927 = vector.shape_cast %get3A_926 : vector<16xf32> to vector<16xf32>
        %add3A_928 = arith.addf %add3A_922, %get3A_927 : vector<16xf32>
        %add3A_929 = arith.constant 1280 : i32
        %add3A_930 = arith.addi %add3A_929, %mul3A_872 : i32
        %get3A_931 = arith.index_cast %add3A_930 : i32 to index
        %get3A_932 = tpu.vector_load %arg11[%get3A_931] {strides = array<i32>} : memref<2560xf32, #tpu.memory_space<vmem>>, vector<16xf32>,
        %get3A_933 = vector.shape_cast %get3A_932 : vector<16xf32> to vector<16xf32>
        %add3A_934 = arith.addf %add3A_928, %get3A_933 : vector<16xf32>
        %add3A_935 = arith.constant 1408 : i32
        %add3A_936 = arith.addi %add3A_935, %mul3A_872 : i32
        %get3A_937 = arith.index_cast %add3A_936 : i32 to index
        %get3A_938 = tpu.vector_load %arg11[%get3A_937] {strides = array<i32>} : memref<2560xf32, #tpu.memory_space<vmem>>, vector<16xf32>,
        %get3A_939 = vector.shape_cast %get3A_938 : vector<16xf32> to vector<16xf32>
        %add3A_940 = arith.addf %add3A_934, %get3A_939 : vector<16xf32>
        %add3A_941 = arith.constant 1536 : i32
        %add3A_942 = arith.addi %add3A_941, %mul3A_872 : i32
        %get3A_943 = arith.index_cast %add3A_942 : i32 to index
        %get3A_944 = tpu.vector_load %arg11[%get3A_943] {strides = array<i32>} : memref<2560xf32, #tpu.memory_space<vmem>>, vector<16xf32>,
        %get3A_945 = vector.shape_cast %get3A_944 : vector<16xf32> to vector<16xf32>
        %add3A_946 = arith.addf %add3A_940, %get3A_945 : vector<16xf32>
        %add3A_947 = arith.constant 1664 : i32
        %add3A_948 = arith.addi %add3A_947, %mul3A_872 : i32
        %get3A_949 = arith.index_cast %add3A_948 : i32 to index
        %get3A_950 = tpu.vector_load %arg11[%get3A_949] {strides = array<i32>} : memref<2560xf32, #tpu.memory_space<vmem>>, vector<16xf32>,
        %get3A_951 = vector.shape_cast %get3A_950 : vector<16xf32> to vector<16xf32>
        %add3A_952 = arith.addf %add3A_946, %get3A_951 : vector<16xf32>
        %add3A_953 = arith.constant 1792 : i32
        %add3A_954 = arith.addi %add3A_953, %mul3A_872 : i32
        %get3A_955 = arith.index_cast %add3A_954 : i32 to index
        %get3A_956 = tpu.vector_load %arg11[%get3A_955] {strides = array<i32>} : memref<2560xf32, #tpu.memory_space<vmem>>, vector<16xf32>,
        %get3A_957 = vector.shape_cast %get3A_956 : vector<16xf32> to vector<16xf32>
        %add3A_958 = arith.addf %add3A_952, %get3A_957 : vector<16xf32>
        %add3A_959 = arith.constant 1920 : i32
        %add3A_960 = arith.addi %add3A_959, %mul3A_872 : i32
        %get3A_961 = arith.index_cast %add3A_960 : i32 to index
        %get3A_962 = tpu.vector_load %arg11[%get3A_961] {strides = array<i32>} : memref<2560xf32, #tpu.memory_space<vmem>>, vector<16xf32>,
        %get3A_963 = vector.shape_cast %get3A_962 : vector<16xf32> to vector<16xf32>
        %add3A_964 = arith.addf %add3A_958, %get3A_963 : vector<16xf32>
        %add3A_965 = arith.constant 2048 : i32
        %add3A_966 = arith.addi %add3A_965, %mul3A_872 : i32
        %get3A_967 = arith.index_cast %add3A_966 : i32 to index
        %get3A_968 = tpu.vector_load %arg11[%get3A_967] {strides = array<i32>} : memref<2560xf32, #tpu.memory_space<vmem>>, vector<16xf32>,
        %get3A_969 = vector.shape_cast %get3A_968 : vector<16xf32> to vector<16xf32>
        %add3A_970 = arith.addf %add3A_964, %get3A_969 : vector<16xf32>
        %add3A_971 = arith.constant 2176 : i32
        %add3A_972 = arith.addi %add3A_971, %mul3A_872 : i32
        %get3A_973 = arith.index_cast %add3A_972 : i32 to index
        %get3A_974 = tpu.vector_load %arg11[%get3A_973] {strides = array<i32>} : memref<2560xf32, #tpu.memory_space<vmem>>, vector<16xf32>,
        %get3A_975 = vector.shape_cast %get3A_974 : vector<16xf32> to vector<16xf32>
        %add3A_976 = arith.addf %add3A_970, %get3A_975 : vector<16xf32>
        %add3A_977 = arith.constant 2304 : i32
        %add3A_978 = arith.addi %add3A_977, %mul3A_872 : i32
        %get3A_979 = arith.index_cast %add3A_978 : i32 to index
        %get3A_980 = tpu.vector_load %arg11[%get3A_979] {strides = array<i32>} : memref<2560xf32, #tpu.memory_space<vmem>>, vector<16xf32>,
        %get3A_981 = vector.shape_cast %get3A_980 : vector<16xf32> to vector<16xf32>
        %add3A_982 = arith.addf %add3A_976, %get3A_981 : vector<16xf32>
        %add3A_983 = arith.constant 2432 : i32
        %add3A_984 = arith.addi %add3A_983, %mul3A_872 : i32
        %get3A_985 = arith.index_cast %add3A_984 : i32 to index
        %get3A_986 = tpu.vector_load %arg11[%get3A_985] {strides = array<i32>} : memref<2560xf32, #tpu.memory_space<vmem>>, vector<16xf32>,
        %get3A_987 = vector.shape_cast %get3A_986 : vector<16xf32> to vector<16xf32>
        %add3A_988 = arith.addf %add3A_982, %get3A_987 : vector<16xf32>
        %swap3A = arith.index_cast %mul3A_872 : i32 to index
        %swap3A_989 = tpu.vector_load %arg13[%swap3A] {strides = array<i32>} : memref<128xf32, #tpu.memory_space<vmem>>, vector<16xf32>,
        %swap3A_990 = vector.shape_cast %swap3A_989 : vector<16xf32> to vector<16xf32>
        %swap3A_991 = vector.shape_cast %add3A_988 : vector<16xf32> to vector<16xf32>
        tpu.vector_store %arg13[%swap3A], %swap3A_991 {strides = array<i32>} : memref<128xf32, #tpu.memory_space<vmem>>, vector<16xf32>,
      }
      %scan3A_863 = arith.constant 8 : i32
      %mul3A_864 = arith.constant 4096 : i32
      %mul3A_865 = arith.muli %scan3A_8, %mul3A_864 : i32
      %add3A_866 = arith.addi %mul3A_865, %mul3A_2 : i32
      "tpu.region"() ({
        %run_scoped3A = tpu.sem_alloc : memref<!tpu.dma_semaphore, #tpu.memory_space<semaphore_mem>>
        %dma_start3A_870 = arith.constant 0 : i32
        %dma_start3A_871 = tpu.memref_slice %arg6[%add3A_866, %dma_start3A_870] : memref<106496x16xf32, #tpu.memory_space<hbm>> -> memref<128x16xf32, #tpu.memory_space<hbm>>
        %dma_start3A_872 = arith.constant 0 : i32
        %dma_start3A_873 = tpu.memref_slice %arg6[%add3A_866, %dma_start3A_872] : memref<106496x16xf32, #tpu.memory_space<hbm>> -> memref<128x16xf32, #tpu.memory_space<hbm>>
        tpu.enqueue_dma source(%arg12 : memref<128x16xf32, #tpu.memory_space<vmem>>) target(%dma_start3A_873 : memref<128x16xf32, #tpu.memory_space<hbm>>) target_semaphore(%run_scoped3A : memref<!tpu.dma_semaphore, #tpu.memory_space<semaphore_mem>>)
        %dma_wait3A_874 = arith.constant 0 : i32
        %dma_wait3A_875 = tpu.memref_slice %arg6[%add3A_866, %dma_wait3A_874] : memref<106496x16xf32, #tpu.memory_space<hbm>> -> memref<128x16xf32, #tpu.memory_space<hbm>>
        %dma_wait3A_876 = arith.constant 0 : i32
        %dma_wait3A_877 = tpu.memref_slice %arg6[%add3A_866, %dma_wait3A_876] : memref<106496x16xf32, #tpu.memory_space<hbm>> -> memref<128x16xf32, #tpu.memory_space<hbm>>
        tpu.wait_dma2 semaphore(%run_scoped3A : memref<!tpu.dma_semaphore, #tpu.memory_space<semaphore_mem>>) src(%arg12 : memref<128x16xf32, #tpu.memory_space<vmem>>) dst(%dma_wait3A_877 : memref<128x16xf32, #tpu.memory_space<hbm>>)
        tpu.yield
      }) : () -> ()
      %mul3A_867 = arith.constant 4096 : i32
      %mul3A_868 = arith.muli %scan3A_8, %mul3A_867 : i32
      %add3A_869 = arith.addi %mul3A_868, %mul3A_2 : i32
      "tpu.region"() ({
        %run_scoped3A = tpu.sem_alloc : memref<!tpu.dma_semaphore, #tpu.memory_space<semaphore_mem>>
        %dma_start3A_870 = tpu.memref_slice %arg7[%add3A_869] : memref<106496xf32, #tpu.memory_space<hbm>> -> memref<128xf32, #tpu.memory_space<hbm>>
        %dma_start3A_871 = tpu.memref_slice %arg7[%add3A_869] : memref<106496xf32, #tpu.memory_space<hbm>> -> memref<128xf32, #tpu.memory_space<hbm>>
        tpu.enqueue_dma source(%arg13 : memref<128xf32, #tpu.memory_space<vmem>>) target(%dma_start3A_871 : memref<128xf32, #tpu.memory_space<hbm>>) target_semaphore(%run_scoped3A : memref<!tpu.dma_semaphore, #tpu.memory_space<semaphore_mem>>)
        %dma_wait3A_872 = tpu.memref_slice %arg7[%add3A_869] : memref<106496xf32, #tpu.memory_space<hbm>> -> memref<128xf32, #tpu.memory_space<hbm>>
        %dma_wait3A_873 = tpu.memref_slice %arg7[%add3A_869] : memref<106496xf32, #tpu.memory_space<hbm>> -> memref<128xf32, #tpu.memory_space<hbm>>
        tpu.wait_dma2 semaphore(%run_scoped3A : memref<!tpu.dma_semaphore, #tpu.memory_space<semaphore_mem>>) src(%arg13 : memref<128xf32, #tpu.memory_space<vmem>>) dst(%dma_wait3A_873 : memref<128xf32, #tpu.memory_space<hbm>>)
        tpu.yield
      }) : () -> ()
    }
    %scan3A_7 = arith.constant 26 : i32
    return
  }
}

</mosaic_0001>

<sc_bundles>
// kernel: kernel.3.cloned.1.call-start
scs
__scs_entry_jumppad:
0x0: {  	(pc) =	sbr.rel $0x88, $3  }
0x1: {  	(tag) =	ssettag $0x0;
	lr =	simm.s32 $0x1  }
0x2: {  	[smem:$0x3F6B] =	sst lr;
	_ =	strace $0xD0000000  }
0x3: {  	_ = 	snop  }
0x4: {  	_ = 	snop  }
0x5: {  	_ = 	snop  }
0x6: {  	_ = 	snop  }
0x7: {  	_ = 	snop  }
__scs_overlays_trampoline_lowered:
0x8: {  	[smem:$0x3F7A] =	sst s0  }
0x9: {  	[smem:$0x3F7B] =	sst s1  }
0xa: {  	[smem:$0x3F7C] =	sst s2  }
0xb: {  	[smem:$0x3F7D] =	sst s3  }
0xc: {  	[smem:$0x3F7E] =	sst s4  }
0xd: {  	[smem:$0x3F7F] =	sst s5  }
0xe: {  	[smem:$0x3F80] =	sst s6  }
0xf: {  	[smem:$0x3F81] =	sst s7  }
0x10: {  	[smem:$0x3F82] =	sst s8  }
0x11: {  	[smem:$0x3F83] =	sst s9;
	s0 =	simm.s32 @!p0 $0x0  }
0x12: {  	s1 =	sld [smem:$0x3F69];
	s0 =	simm.s32 @p0 $0x1  }
0x13: {  	[smem:$0x3F84] =	sst s0;
	s0 =	simm.s32 @!p1 $0x0  }
0x14: {  	s2 =	sld [smem:$0x3F68];
	s0 =	simm.s32 @p1 $0x1  }
0x15: {  	[smem:$0x3F85] =	sst s0;
	s0 =	simm.s32 @!p2 $0x0  }
0x16: {  	s3 =	sld [smem:$0x3FDB];
	s0 =	simm.s32 @p2 $0x1  }
0x17: {  	s4 =	simm.s32 $0x1BF5;
	[smem:$0x3F87] =	sst s0  }
0x18: {  	s0 =	sld [smem:$0x3F6A];
	_ =	swait.ge [sflag:s4], $0x0  }
0x19: {  	s7 =	sld [smem:$0x3F6B]  }
0x1a: {  	s8 =	sadd.s32 $0xFFFFE003, lr  }
0x1b: {  	s9 =	sadd.s32 $0xFFFFFEF7, lr;
	s5 =	simm.s32 $0xFFFFFFFF;
	p2 =	slt.u32 s8, $0xFFFFF086  }
0x1c: {  	p1 =	slt.u32 s9, $0xF7A;
	s5 =	simm.s32 @!p2 $0x0  }
0x1d: {  	s5 =	simm.s32 @p1 $0x1;
	p0 =	seq.s32 s7, s2  }
0x1e: {  	s7 =	smul.u32 @!p0 $0xF7A, s2;
	p2 =	seq.s32 @!p0 s5, $0x0  }
0x1f: {  	s9 =	smul.u32 $0xF7A, s1;
	s8 =	simm.s32 @!p0 $0x1BF5;
	p2 =	por !p2, p0  }
0x20: {  	[sflag:s8] =	ssyncset.s32 @!p0 $0xFFFFF086;
	s6 =	sadd.s32 @!p0 s3, s7;
	s7 =	simm.s32 @!p0 $0x108  }
0x21: {  	s3 =	sadd.s32 s3, s9;
	s6 =	sadd.s32 @!p0 $0x88, s6;
	s7 =	simm.s32 @p2 $0x1082  }
0x22: {  	[simem:s7], [sflag:s8] =	dma.local @!p0 [hbm:s6], $0xF7A  }
0x23: {  	s9 =	sor.u32 $0xD0000000, s2;
	s6 =	simm.s32 $0x108;
	_ =	swait.ge @!p0 [sflag:s8], $0x0  }
0x24: {  	s3 =	sadd.s32 $0x88, s3;
	s6 =	simm.s32 @!p1 $0x1082;
	[sflag:s4] =	ssyncset.s32 $0xFFFFF086  }
0x25: {  	[simem:s6], [sflag:s4] =	dma.local [hbm:s3], $0xF7A  }
0x26: {  	[smem:$0x3F6B] =	sst s1;
	(tag) =	ssettag s2;
	_ =	strace s9  }
0x27: {  	s1 =	sld [smem:$0x3F7B]  }
0x28: {  	s2 =	sld [smem:$0x3F7C]  }
0x29: {  	s4 =	sld [smem:$0x3F7E]  }
0x2a: {  	p0 =	seq.s32 s5, $0x0;
	s5 =	sld [smem:$0x3F7F]  }
0x2b: {  	s6 =	sld [smem:$0x3F80]  }
0x2c: {  	s7 =	sld [smem:$0x3F81]  }
0x2d: {  	s3 =	simm.s32 $0x108;
	s8 =	sld [smem:$0x3F82]  }
0x2e: {  	s3 =	simm.s32 @!p0 $0x1082;
	s9 =	sld [smem:$0x3F83]  }
0x2f: {  	lr =	sadd.s32 s0, s3;
	s0 =	sld [smem:$0x3F7A]  }
0x30: {  	s3 =	sld [smem:$0x3F7D]  }
0x31: {  	[smem:$0x3F86] =	sst s10  }
0x32: {  	s10 =	sld [smem:$0x3F84];
	_ =	sdelay $0x3  }
0x33: {  	p0 =	seq.s32 s10, $0x1;
	s10 =	sld [smem:$0x3F86];
	_ =	sdelay $0x3  }
0x34: {  	[smem:$0x3F86] =	sst s10  }
0x35: {  	s10 =	sld [smem:$0x3F85];
	_ =	sdelay $0x3  }
0x36: {  	p1 =	seq.s32 s10, $0x1;
	s10 =	sld [smem:$0x3F86];
	_ =	sdelay $0x3  }
0x37: {  	[smem:$0x3F86] =	sst s10  }
0x38: {  	s10 =	sld [smem:$0x3F87]  }
0x39: {  	_ = 	snop;
	(pc) =	sbr.ind lr, $3  }
0x3a: {  	_ = 	snop  }
0x3b: {  	_ = 	snop  }
0x3c: {  	p2 =	seq.s32 s10, $0x1;
	s10 =	sld [smem:$0x3F86]  }
0x3d: {  	_ =	shalt  }
0x3e: {  	_ =	shalt  }
0x3f: {  	_ =	shalt  }
0x40: {  	_ =	shalt  }
0x41: {  	_ =	shalt  }
0x42: {  	_ =	shalt  }
0x43: {  	_ =	shalt  }
0x44: {  	_ =	shalt  }
0x45: {  	_ =	shalt  }
0x46: {  	_ =	shalt  }
0x47: {  	_ =	shalt  }
0x48: {  	_ =	shalt  }
0x49: {  	_ =	shalt  }
0x4a: {  	_ =	shalt  }
0x4b: {  	_ =	shalt  }
0x4c: {  	_ =	shalt  }
0x4d: {  	_ =	shalt  }
0x4e: {  	_ =	shalt  }
0x4f: {  	_ =	shalt  }
0x50: {  	_ =	shalt  }
0x51: {  	_ =	shalt  }
0x52: {  	_ =	shalt  }
0x53: {  	_ =	shalt  }
0x54: {  	_ =	shalt  }
0x55: {  	_ =	shalt  }
0x56: {  	_ =	shalt  }
0x57: {  	_ =	shalt  }
0x58: {  	_ =	shalt  }
0x59: {  	_ =	shalt  }
0x5a: {  	_ =	shalt  }
0x5b: {  	_ =	shalt  }
0x5c: {  	_ =	shalt  }
0x5d: {  	_ =	shalt  }
0x5e: {  	_ =	shalt  }
0x5f: {  	_ =	shalt  }
0x60: {  	_ =	shalt  }
0x61: {  	_ =	shalt  }
0x62: {  	_ =	shalt  }
0x63: {  	_ =	shalt  }
0x64: {  	_ =	shalt  }
0x65: {  	_ =	shalt  }
0x66: {  	_ =	shalt  }
0x67: {  	_ =	shalt  }
0x68: {  	_ =	shalt  }
0x69: {  	_ =	shalt  }
0x6a: {  	_ =	shalt  }
0x6b: {  	_ =	shalt  }
0x6c: {  	_ =	shalt  }
0x6d: {  	_ =	shalt  }
0x6e: {  	_ =	shalt  }
0x6f: {  	_ =	shalt  }
0x70: {  	_ =	shalt  }
0x71: {  	_ =	shalt  }
0x72: {  	_ =	shalt  }
0x73: {  	_ =	shalt  }
0x74: {  	_ =	shalt  }
0x75: {  	_ =	shalt  }
0x76: {  	_ =	shalt  }
0x77: {  	_ =	shalt  }
0x78: {  	_ =	shalt  }
0x79: {  	_ =	shalt  }
0x7a: {  	_ =	shalt  }
0x7b: {  	_ =	shalt  }
0x7c: {  	_ =	shalt  }
0x7d: {  	_ =	shalt  }
0x7e: {  	_ =	shalt  }
0x7f: {  	_ =	shalt  }
0x80: {  	_ =	shalt  }
0x81: {  	_ =	shalt  }
0x82: {  	_ =	shalt  }
0x83: {  	_ =	shalt  }
0x84: {  	_ =	shalt  }
0x85: {  	_ =	shalt  }
0x86: {  	_ =	shalt  }
0x87: {  	_ =	shalt  }
.Lfunc_end0:
.L_simem_size_0:
called_computation_lowered:
.L_overlay_start_0:
0x88: {  	s2 =	sld [smem:$0x3FD9]  }
0x89: {  	s3 =	sld [smem:$0x3FFE];
	_ =	sdelay $0x1  }
0x8a: {  	s1 =	srdreg.scid  }
0x8b: {  	s0 =	sand.u32 $0x1, s1  }
0x8c: {  	s14 =	sshll.u32 s0, $0xA;
	s2 =	sadd.s32 s3, s2  }
0x8d: {  	s2 =	sadd.s32 s2, s14  }
0x8e: {  	[smem:$0x3F92] =	sst s2  }
0x8f: {  	_ = 	snop  }
0x90: {  	s2 =	sld [smem:$0x3FD0];
	_ =	sdelay $0x2  }
0x91: {  	s15 =	simm.s32 $0xA;
	s4 =	simm.s32 $0x10  }
0x92: {  	[smem:s4], [sflag:s15] =	dma.local [hbm:s2], $0x1  }
0x93: {  	_ =	swait.eq [sflag:s15], $0x1  }
0x94: {  	[sflag:s15] =	ssyncset.done $0x0  }
0x95: {  	s16 =	sld [smem:$0x10];
	[sflag:s15] =	ssyncadd.s32 $0xFFFFFFFF  }
0x96: {  	s17 =	sld [smem:$0x11];
	(tm) =	ssettm $0x1  }
0x97: {  	s18 =	sld [smem:$0x3FFB];
	_ =	sdelay $0x3  }
0x98: {  	_ =	strace s18  }
0x99: {  	s4 =	sld [smem:$0x3FFC];
	_ =	sdelay $0x3  }
0x9a: {  	_ =	strace s4  }
0x9b: {  	s4 =	sld [smem:$0x3FFD];
	_ =	sdelay $0x3  }
0x9c: {  	_ =	strace s4  }
0x9d: {  	_ =	strace $0x8FFFFFFF  }
0x9e: {  	s19 =	sld [smem:$0x3FDB];
	_ =	sdelay $0x1  }
0x9f: {  	s5 =	simm.s32 $_scs_section_size  }
0xa0: {  	s6 =	simm.s32 $_size__tile_overlayer_lowered;
	s7 =	simm.s32 $_tile_overlayer_lowered  }
0xa1: {  	s22 =	simm.s32 $0x1BFF;
	s21 =	sshll.u32 s7, $0x1;
	s4 =	sadd.s32 s5, s19  }
0xa2: {  	s8 =	simm.s32 $0x0;
	s20 =	sshll.u32 s6, $0x1;
	s6 =	sadd.s32 s21, s4  }
0xa3: {  	[timem:s8], [sflag:s22] =	dma.local [hbm:s6], s20  }
0xa4: {  	_ =	swait.ge [sflag:s22], s20  }
0xa5: {  	s5 =	ssub.s32 $0x0, s20;
	[sflag:s22] =	ssyncset.done $0x0  }
0xa6: {  	[sflag:s22] =	ssyncadd.s32 s5;
	_ =	sdelay $0x1  }
0xa7: {  	s23 =	simm.s32 $0x1B8B  }
0xa8: {  	_ =	swait.ge [sflag:s23], $0x1  }
0xa9: {  	[sflag:s23] =	ssyncset.done $0x0  }
0xaa: {  	s25 =	simm.s32 $0x1B8E;
	s24 =	sld [smem:$0x3FFE];
	[sflag:s23] =	ssyncadd.s32 $0xFFFFFFFF  }
0xab: {  	s26 =	simm.s32 $execute0_lowered;
	[smem:$0x3FD2] =	sst s25  }
0xac: {  	s6 =	sshll.u32 s26, $0x1;
	_ =	strace $0x80000046;
	[dreg:$0x1] =	wrdreg $0xFFFFFFFF  }
0xad: {  	s28 =	simm.s32 $_size_execute0_lowered;
	s4 =	sadd.s32 s4, s6;
	[dreg:$0x0] =	wrdreg $0x0  }
0xae: {  	s6 =	sshll.u32 s28, $0x1;
	[dreg:$0x2] =	wrdreg s4  }
0xaf: {  	[dreg:$0x3] =	wrdreg s6  }
0xb0: {  	[dreg:$0x4] =	wrdreg $0xC0  }
0xb1: {  	_ =	task [dreg:s8], $0x5FFFF  }
0xb2: {  	[dreg:$0x1] =	wrdreg $0xFFFFFFFF  }
0xb3: {  	[dreg:$0x0] =	wrdreg $0x60  }
0xb4: {  	[dreg:$0x2] =	wrdreg s24  }
0xb5: {  	[dreg:$0x3] =	wrdreg s17  }
0xb6: {  	[dreg:$0x4] =	wrdreg s16  }
0xb7: {  	[dreg:$0x5] =	wrdreg $0x9  }
0xb8: {  	_ =	task.clear_ibuf [dreg:s8], $0x6FFFF;
	_ =	strace $0x90000046  }
0xb9: {  	s29 =	simm.s32 $0x9;
	_ =	strace $0x80000048  }
0xba: {  	_ =	swait.ge [sflag:s29], $0x1  }
0xbb: {  	[sflag:s29] =	ssyncadd.s32 $0xFFFFFFFF  }
0xbc: {  	_ =	strace $0x90000048  }
0xbd: {  	_ =	sfence  }
0xbe: {  	s30 =	sld [smem:$0x0];
	_ =	sdelay $0x2  }
0xbf: {  	s31 =	sshll.u32 s1, $0xD;
	s1 =	sshrl.u32 s1, $0x2  }
0xc0: {  	s3 =	sand.u32 $0x4000, s31;
	s1 =	sadd.s32 s1, s30  }
0xc1: {  	s0 =	sor.u32 s3, s0;
	s1 =	sshll.u32 s1, $0x11  }
0xc2: {  	s0 =	sor.u32 s1, s0  }
0xc3: {  	s0 =	sadd.s32 $0x8F2B, s0  }
0xc4: {  	[sflag:s0] =	ssyncadd.remote.s32 $0x1  }
0xc5: {  	_ =	sfence.sel $0xFFFF  }
0xc6: {  	[dreg:$0x0] =	wrdreg $0xFFFFFFFF;
	(pc) =	sbr.abs _section_cstart, $3  }
0xc7: {  	[dreg:$0x1] =	wrdreg $0xFFFFFFFF  }
0xc8: {  	_ =	task.clear_ibuf [dreg:s8], $0x2FFFF;
	_ =	strace $0x9FFFFFFF  }
0xc9: {  	(tm) =	ssettm $0x7FFFFFFF  }
tec
execute0_lowered:
.L_overlay_start_1:
0x0: {  	(tag) =	ssettag $0x1  }
0x1: {  	s0 =	rddreg [dreg:$0x0];
	s1 =	simm.s32 $0x0  }
0x2: {  	s22 =	srdreg.scid;
	s4 =	stileid.u32;
	s11 =	simm.s32 $0x3  }
0x3: {  	s13 =	simm.s32 $0x80;
	s18 =	simm.s32 $0x100;
	s21 =	simm.s32 $0x180  }
0x4: {  	s28 =	simm.s32 $0x280;
	s31 =	simm.s32 $0x300;
	s10 =	simm.s32 $0x380  }
0x5: {  	s12 =	simm.s32 $0x400;
	s16 =	simm.s32 $0x480;
	s20 =	simm.s32 $0x500  }
0x6: {  	s30 =	simm.s32 $0x600;
	s15 =	simm.s32 $0x700;
	s29 =	simm.s32 $0x800  }
0x7: {  	s19 =	simm.s32 $0x900;
	s17 =	simm.s32 $0x1;
	[smem:$0x7FF] =	sst s1  }
0x8: {  	s1 =	sand.u32 $0x1, s22;
	s2 =	sadd.s32 $0x8200, s0;
	s23 =	sadd.s32 $0x49200, s0  }
0x9: {  	s7 =	sadd.s32 $0x27B4600, s0;
	s25 =	sshll.u32 s4, $0x8;
	s8 =	sadd.s32 $0x8A200, s0  }
0xa: {  	s22 =	simm.s32 $0x780;
	s0 =	simm.s32 $0x980;
	s4 =	simm.s32 $0x0  }
0xb: {  	_ =	strace $0x80000047;
	[dreg:$0x4] =	wrdreg s2;
	s24 =	ssub.s32 $0x2, s1  }
0xc: {  	[dreg:$0x5] =	wrdreg s23;
	s1 =	sshll.u32 s1, $0x7;
	s3 =	sshrl.u32 s24, $0x1  }
0xd: {  	s23 =	simm.s32 $0x2;
	s9 =	sor.u32 s1, s25;
	s2 =	ssub.s32 s24, s3  }
0xe: {  	s25 =	simm.s32 $0x580;
	s1 =	simm.s32 $0x680;
	s26 =	smax.u32 s2, $0x1  }
0xf: {  	s24 =	simm.s32 $0x200;
	s2 =	simm.s32 $0x880;
	[dreg:$0x6] =	wrdreg s26  }
.LBB2_1:
0x10: {  	[dreg:$0x7] =	wrdreg s4;
	s14 =	simm.s32 $0x0  }
.LBB2_2:
0x11: {  	s3 =	sshll.u32 s14, $0xC  }
0x12: {  	s26 =	sor.u32 s9, s3  }
0x13: {  	s3 =	smul.u32 $0x14, s26;
	_ =	sdelay $0x1  }
0x14: {  	s4 =	rddreg [dreg:$0x4];
	s3 =	sshrl.u32 s3, $0x3  }
0x15: {  	s5 =	sadd.s32 s4, s3;
	s4 =	simm.s32 $0x0  }
0x16: {  	[tilespmem:s4], [sflag:$0x3] =	stream.linear.gather [hbm4b:s5+s4], $0xA00, $0x38;
	[tilespmem:$0xC680] =	vst v63  }
0x17: {  	_ =	swait.ge [sflag:s11], $0xA00  }
0x18: {  	s5 =	smul.u32 $0x30D40, s14;
	[sflag:s11] =	ssyncset.done $0x0;
	s6 =	rddreg [dreg:$0x5]  }
0x19: {  	[sflag:s11] =	ssyncadd.s32 $0xFFFFF600;
	s3 =	sadd.s32 s6, s3;
	s6 =	simm.s32 $0xA00  }
0x1a: {  	[tilespmem:s6], [sflag:$0x3] =	stream.linear.gather [hbm4b:s3+s4], $0xA00, $0x38;
	[tilespmem:$0xC680] =	vst v63  }
0x1b: {  	_ =	swait.ge [sflag:s11], $0xA00  }
0x1c: {  	s3 =	sadd.s32 s7, s5;
	[sflag:s11] =	ssyncset.done $0x0  }
0x1d: {  	s5 =	smul.u32 $0x30D4, s14;
	s6 =	simm.s32 $0x1400;
	[sflag:s11] =	ssyncadd.s32 $0xFFFFF600  }
0x1e: {  	[tilespmem:s6], [sflag:$0x1] =	stream.indirect.gather [hbm4b:s3+s13], $0x10, s4, s13, $0xb8;
	[tilespmem:$0xC680] =	vst v63  }
0x1f: {  	s5 =	sadd.s32 s8, s5;
	s6 =	simm.s32 $0xB400  }
0x20: {  	[tilespmem:s6], [sflag:$0x2] =	stream.indirect.gather [hbm4b:s5+s13], $0x1, s4, s13, $0xb8;
	[tilespmem:$0xC680] =	vst v63  }
0x21: {  	s6 =	simm.s32 $0x1C00  }
0x22: {  	[tilespmem:s6], [sflag:$0x1] =	stream.indirect.gather [hbm4b:s3+s13], $0x10, s13, s13, $0xb8;
	[tilespmem:$0xC680] =	vst v63  }
0x23: {  	s6 =	simm.s32 $0xB480  }
0x24: {  	[tilespmem:s6], [sflag:$0x2] =	stream.indirect.gather [hbm4b:s5+s13], $0x1, s13, s13, $0xb8;
	[tilespmem:$0xC680] =	vst v63  }
0x25: {  	s6 =	simm.s32 $0x2400  }
0x26: {  	[tilespmem:s6], [sflag:$0x1] =	stream.indirect.gather [hbm4b:s3+s13], $0x10, s18, s13, $0xb8;
	[tilespmem:$0xC680] =	vst v63  }
0x27: {  	s6 =	simm.s32 $0xB500  }
0x28: {  	[tilespmem:s6], [sflag:$0x2] =	stream.indirect.gather [hbm4b:s5+s13], $0x1, s18, s13, $0xb8;
	[tilespmem:$0xC680] =	vst v63  }
0x29: {  	s6 =	simm.s32 $0x2C00  }
0x2a: {  	[tilespmem:s6], [sflag:$0x1] =	stream.indirect.gather [hbm4b:s3+s13], $0x10, s21, s13, $0xb8;
	[tilespmem:$0xC680] =	vst v63  }
0x2b: {  	s6 =	simm.s32 $0xB580  }
0x2c: {  	[tilespmem:s6], [sflag:$0x2] =	stream.indirect.gather [hbm4b:s5+s13], $0x1, s21, s13, $0xb8;
	[tilespmem:$0xC680] =	vst v63  }
0x2d: {  	s6 =	simm.s32 $0x3400  }
0x2e: {  	[tilespmem:s6], [sflag:$0x1] =	stream.indirect.gather [hbm4b:s3+s13], $0x10, s24, s13, $0xb8;
	[tilespmem:$0xC680] =	vst v63  }
0x2f: {  	s6 =	simm.s32 $0xB600  }
0x30: {  	[tilespmem:s6], [sflag:$0x2] =	stream.indirect.gather [hbm4b:s5+s13], $0x1, s24, s13, $0xb8;
	[tilespmem:$0xC680] =	vst v63  }
0x31: {  	s6 =	simm.s32 $0x3C00  }
0x32: {  	[tilespmem:s6], [sflag:$0x1] =	stream.indirect.gather [hbm4b:s3+s13], $0x10, s28, s13, $0xb8;
	[tilespmem:$0xC680] =	vst v63  }
0x33: {  	s6 =	simm.s32 $0xB680  }
0x34: {  	[tilespmem:s6], [sflag:$0x2] =	stream.indirect.gather [hbm4b:s5+s13], $0x1, s28, s13, $0xb8;
	[tilespmem:$0xC680] =	vst v63  }
0x35: {  	s6 =	simm.s32 $0x4400  }
0x36: {  	[tilespmem:s6], [sflag:$0x1] =	stream.indirect.gather [hbm4b:s3+s13], $0x10, s31, s13, $0xb8;
	[tilespmem:$0xC680] =	vst v63  }
0x37: {  	s6 =	simm.s32 $0xB700  }
0x38: {  	[tilespmem:s6], [sflag:$0x2] =	stream.indirect.gather [hbm4b:s5+s13], $0x1, s31, s13, $0xb8;
	[tilespmem:$0xC680] =	vst v63  }
0x39: {  	s6 =	simm.s32 $0x4C00  }
0x3a: {  	[tilespmem:s6], [sflag:$0x1] =	stream.indirect.gather [hbm4b:s3+s13], $0x10, s10, s13, $0xb8;
	[tilespmem:$0xC680] =	vst v63  }
0x3b: {  	s6 =	simm.s32 $0xB780  }
0x3c: {  	[tilespmem:s6], [sflag:$0x2] =	stream.indirect.gather [hbm4b:s5+s13], $0x1, s10, s13, $0xb8;
	[tilespmem:$0xC680] =	vst v63  }
0x3d: {  	s6 =	simm.s32 $0x5400  }
0x3e: {  	[tilespmem:s6], [sflag:$0x1] =	stream.indirect.gather [hbm4b:s3+s13], $0x10, s12, s13, $0xb8;
	[tilespmem:$0xC680] =	vst v63  }
0x3f: {  	s6 =	simm.s32 $0xB800  }
0x40: {  	[tilespmem:s6], [sflag:$0x2] =	stream.indirect.gather [hbm4b:s5+s13], $0x1, s12, s13, $0xb8;
	[tilespmem:$0xC680] =	vst v63  }
0x41: {  	s6 =	simm.s32 $0x5C00  }
0x42: {  	[tilespmem:s6], [sflag:$0x1] =	stream.indirect.gather [hbm4b:s3+s13], $0x10, s16, s13, $0xb8;
	[tilespmem:$0xC680] =	vst v63  }
0x43: {  	s6 =	simm.s32 $0xB880  }
0x44: {  	[tilespmem:s6], [sflag:$0x2] =	stream.indirect.gather [hbm4b:s5+s13], $0x1, s16, s13, $0xb8;
	[tilespmem:$0xC680] =	vst v63  }
0x45: {  	s6 =	simm.s32 $0x6400  }
0x46: {  	[tilespmem:s6], [sflag:$0x1] =	stream.indirect.gather [hbm4b:s3+s13], $0x10, s20, s13, $0xb8;
	[tilespmem:$0xC680] =	vst v63  }
0x47: {  	s6 =	simm.s32 $0xB900  }
0x48: {  	[tilespmem:s6], [sflag:$0x2] =	stream.indirect.gather [hbm4b:s5+s13], $0x1, s20, s13, $0xb8;
	[tilespmem:$0xC680] =	vst v63  }
0x49: {  	s6 =	simm.s32 $0x6C00  }
0x4a: {  	[tilespmem:s6], [sflag:$0x1] =	stream.indirect.gather [hbm4b:s3+s13], $0x10, s25, s13, $0xb8;
	[tilespmem:$0xC680] =	vst v63  }
0x4b: {  	s6 =	simm.s32 $0xB980  }
0x4c: {  	[tilespmem:s6], [sflag:$0x2] =	stream.indirect.gather [hbm4b:s5+s13], $0x1, s25, s13, $0xb8;
	[tilespmem:$0xC680] =	vst v63  }
0x4d: {  	s6 =	simm.s32 $0x7400  }
0x4e: {  	[tilespmem:s6], [sflag:$0x1] =	stream.indirect.gather [hbm4b:s3+s13], $0x10, s30, s13, $0xb8;
	[tilespmem:$0xC680] =	vst v63  }
0x4f: {  	s6 =	simm.s32 $0xBA00  }
0x50: {  	[tilespmem:s6], [sflag:$0x2] =	stream.indirect.gather [hbm4b:s5+s13], $0x1, s30, s13, $0xb8;
	[tilespmem:$0xC680] =	vst v63  }
0x51: {  	s6 =	simm.s32 $0x7C00  }
0x52: {  	[tilespmem:s6], [sflag:$0x1] =	stream.indirect.gather [hbm4b:s3+s13], $0x10, s1, s13, $0xb8;
	[tilespmem:$0xC680] =	vst v63  }
0x53: {  	s6 =	simm.s32 $0xBA80  }
0x54: {  	[tilespmem:s6], [sflag:$0x2] =	stream.indirect.gather [hbm4b:s5+s13], $0x1, s1, s13, $0xb8;
	[tilespmem:$0xC680] =	vst v63  }
0x55: {  	s6 =	simm.s32 $0x8400  }
0x56: {  	[tilespmem:s6], [sflag:$0x1] =	stream.indirect.gather [hbm4b:s3+s13], $0x10, s15, s13, $0xb8;
	[tilespmem:$0xC680] =	vst v63  }
0x57: {  	s6 =	simm.s32 $0xBB00  }
0x58: {  	[tilespmem:s6], [sflag:$0x2] =	stream.indirect.gather [hbm4b:s5+s13], $0x1, s15, s13, $0xb8;
	[tilespmem:$0xC680] =	vst v63  }
0x59: {  	s6 =	simm.s32 $0x8C00  }
0x5a: {  	[tilespmem:s6], [sflag:$0x1] =	stream.indirect.gather [hbm4b:s3+s13], $0x10, s22, s13, $0xb8;
	[tilespmem:$0xC680] =	vst v63  }
0x5b: {  	s6 =	simm.s32 $0xBB80  }
0x5c: {  	[tilespmem:s6], [sflag:$0x2] =	stream.indirect.gather [hbm4b:s5+s13], $0x1, s22, s13, $0xb8;
	[tilespmem:$0xC680] =	vst v63  }
0x5d: {  	s6 =	simm.s32 $0x9400  }
0x5e: {  	[tilespmem:s6], [sflag:$0x1] =	stream.indirect.gather [hbm4b:s3+s13], $0x10, s29, s13, $0xb8;
	[tilespmem:$0xC680] =	vst v63  }
0x5f: {  	s6 =	simm.s32 $0xBC00  }
0x60: {  	[tilespmem:s6], [sflag:$0x2] =	stream.indirect.gather [hbm4b:s5+s13], $0x1, s29, s13, $0xb8;
	[tilespmem:$0xC680] =	vst v63  }
0x61: {  	s6 =	simm.s32 $0x9C00  }
0x62: {  	[tilespmem:s6], [sflag:$0x1] =	stream.indirect.gather [hbm4b:s3+s13], $0x10, s2, s13, $0xb8;
	[tilespmem:$0xC680] =	vst v63  }
0x63: {  	s6 =	simm.s32 $0xBC80  }
0x64: {  	[tilespmem:s6], [sflag:$0x2] =	stream.indirect.gather [hbm4b:s5+s13], $0x1, s2, s13, $0xb8;
	[tilespmem:$0xC680] =	vst v63  }
0x65: {  	s6 =	simm.s32 $0xA400  }
0x66: {  	[tilespmem:s6], [sflag:$0x1] =	stream.indirect.gather [hbm4b:s3+s13], $0x10, s19, s13, $0xb8;
	[tilespmem:$0xC680] =	vst v63  }
0x67: {  	s6 =	simm.s32 $0xBD00  }
0x68: {  	[tilespmem:s6], [sflag:$0x2] =	stream.indirect.gather [hbm4b:s5+s13], $0x1, s19, s13, $0xb8;
	[tilespmem:$0xC680] =	vst v63  }
0x69: {  	s6 =	simm.s32 $0xAC00  }
0x6a: {  	[tilespmem:s6], [sflag:$0x1] =	stream.indirect.gather [hbm4b:s3+s13], $0x10, s0, s13, $0xb8;
	[tilespmem:$0xC680] =	vst v63  }
0x6b: {  	s6 =	simm.s32 $0xBD80  }
0x6c: {  	[tilespmem:s6], [sflag:$0x2] =	stream.indirect.gather [hbm4b:s5+s13], $0x1, s0, s13, $0xb8;
	[tilespmem:$0xC680] =	vst v63  }
0x6d: {  	_ =	swait.ge [sflag:s17], $0x800  }
0x6e: {  	[sflag:s17] =	ssyncset.done $0x0  }
0x6f: {  	[sflag:s17] =	ssyncadd.s32 $0xFFFFF800  }
0x70: {  	_ =	swait.ge [sflag:s23], $0x80  }
0x71: {  	[sflag:s23] =	ssyncset.done $0x0  }
0x72: {  	[sflag:s23] =	ssyncadd.s32 $0xFFFFFF80  }
0x73: {  	_ =	swait.ge [sflag:s17], $0x800  }
0x74: {  	[sflag:s17] =	ssyncset.done $0x0  }
0x75: {  	[sflag:s17] =	ssyncadd.s32 $0xFFFFF800  }
0x76: {  	_ =	swait.ge [sflag:s23], $0x80  }
0x77: {  	[sflag:s23] =	ssyncset.done $0x0  }
0x78: {  	[sflag:s23] =	ssyncadd.s32 $0xFFFFFF80  }
0x79: {  	_ =	swait.ge [sflag:s17], $0x800  }
0x7a: {  	[sflag:s17] =	ssyncset.done $0x0  }
0x7b: {  	[sflag:s17] =	ssyncadd.s32 $0xFFFFF800  }
0x7c: {  	_ =	swait.ge [sflag:s23], $0x80  }
0x7d: {  	[sflag:s23] =	ssyncset.done $0x0  }
0x7e: {  	[sflag:s23] =	ssyncadd.s32 $0xFFFFFF80  }
0x7f: {  	_ =	swait.ge [sflag:s17], $0x800  }
0x80: {  	[sflag:s17] =	ssyncset.done $0x0  }
0x81: {  	[sflag:s17] =	ssyncadd.s32 $0xFFFFF800  }
0x82: {  	_ =	swait.ge [sflag:s23], $0x80  }
0x83: {  	[sflag:s23] =	ssyncset.done $0x0  }
0x84: {  	[sflag:s23] =	ssyncadd.s32 $0xFFFFFF80  }
0x85: {  	_ =	swait.ge [sflag:s17], $0x800  }
0x86: {  	[sflag:s17] =	ssyncset.done $0x0  }
0x87: {  	[sflag:s17] =	ssyncadd.s32 $0xFFFFF800  }
0x88: {  	_ =	swait.ge [sflag:s23], $0x80  }
0x89: {  	[sflag:s23] =	ssyncset.done $0x0  }
0x8a: {  	[sflag:s23] =	ssyncadd.s32 $0xFFFFFF80  }
0x8b: {  	_ =	swait.ge [sflag:s17], $0x800  }
0x8c: {  	[sflag:s17] =	ssyncset.done $0x0  }
0x8d: {  	[sflag:s17] =	ssyncadd.s32 $0xFFFFF800  }
0x8e: {  	_ =	swait.ge [sflag:s23], $0x80  }
0x8f: {  	[sflag:s23] =	ssyncset.done $0x0  }
0x90: {  	[sflag:s23] =	ssyncadd.s32 $0xFFFFFF80  }
0x91: {  	_ =	swait.ge [sflag:s17], $0x800  }
0x92: {  	[sflag:s17] =	ssyncset.done $0x0  }
0x93: {  	[sflag:s17] =	ssyncadd.s32 $0xFFFFF800  }
0x94: {  	_ =	swait.ge [sflag:s23], $0x80  }
0x95: {  	[sflag:s23] =	ssyncset.done $0x0  }
0x96: {  	[sflag:s23] =	ssyncadd.s32 $0xFFFFFF80  }
0x97: {  	_ =	swait.ge [sflag:s17], $0x800  }
0x98: {  	[sflag:s17] =	ssyncset.done $0x0  }
0x99: {  	[sflag:s17] =	ssyncadd.s32 $0xFFFFF800  }
0x9a: {  	_ =	swait.ge [sflag:s23], $0x80  }
0x9b: {  	[sflag:s23] =	ssyncset.done $0x0  }
0x9c: {  	[sflag:s23] =	ssyncadd.s32 $0xFFFFFF80  }
0x9d: {  	_ =	swait.ge [sflag:s17], $0x800  }
0x9e: {  	[sflag:s17] =	ssyncset.done $0x0  }
0x9f: {  	[sflag:s17] =	ssyncadd.s32 $0xFFFFF800  }
0xa0: {  	_ =	swait.ge [sflag:s23], $0x80  }
0xa1: {  	[sflag:s23] =	ssyncset.done $0x0  }
0xa2: {  	[sflag:s23] =	ssyncadd.s32 $0xFFFFFF80  }
0xa3: {  	_ =	swait.ge [sflag:s17], $0x800  }
0xa4: {  	[sflag:s17] =	ssyncset.done $0x0  }
0xa5: {  	[sflag:s17] =	ssyncadd.s32 $0xFFFFF800  }
0xa6: {  	_ =	swait.ge [sflag:s23], $0x80  }
0xa7: {  	[sflag:s23] =	ssyncset.done $0x0  }
0xa8: {  	[sflag:s23] =	ssyncadd.s32 $0xFFFFFF80  }
0xa9: {  	_ =	swait.ge [sflag:s17], $0x800  }
0xaa: {  	[sflag:s17] =	ssyncset.done $0x0  }
0xab: {  	[sflag:s17] =	ssyncadd.s32 $0xFFFFF800  }
0xac: {  	_ =	swait.ge [sflag:s23], $0x80  }
0xad: {  	[sflag:s23] =	ssyncset.done $0x0  }
0xae: {  	[sflag:s23] =	ssyncadd.s32 $0xFFFFFF80  }
0xaf: {  	_ =	swait.ge [sflag:s17], $0x800  }
0xb0: {  	[sflag:s17] =	ssyncset.done $0x0  }
0xb1: {  	[sflag:s17] =	ssyncadd.s32 $0xFFFFF800  }
0xb2: {  	_ =	swait.ge [sflag:s23], $0x80  }
0xb3: {  	[sflag:s23] =	ssyncset.done $0x0  }
0xb4: {  	[sflag:s23] =	ssyncadd.s32 $0xFFFFFF80  }
0xb5: {  	_ =	swait.ge [sflag:s17], $0x800  }
0xb6: {  	[sflag:s17] =	ssyncset.done $0x0  }
0xb7: {  	[sflag:s17] =	ssyncadd.s32 $0xFFFFF800  }
0xb8: {  	_ =	swait.ge [sflag:s23], $0x80  }
0xb9: {  	[sflag:s23] =	ssyncset.done $0x0  }
0xba: {  	[sflag:s23] =	ssyncadd.s32 $0xFFFFFF80  }
0xbb: {  	_ =	swait.ge [sflag:s17], $0x800  }
0xbc: {  	[sflag:s17] =	ssyncset.done $0x0  }
0xbd: {  	[sflag:s17] =	ssyncadd.s32 $0xFFFFF800  }
0xbe: {  	_ =	swait.ge [sflag:s23], $0x80  }
0xbf: {  	[sflag:s23] =	ssyncset.done $0x0  }
0xc0: {  	[sflag:s23] =	ssyncadd.s32 $0xFFFFFF80  }
0xc1: {  	_ =	swait.ge [sflag:s17], $0x800  }
0xc2: {  	[sflag:s17] =	ssyncset.done $0x0  }
0xc3: {  	[sflag:s17] =	ssyncadd.s32 $0xFFFFF800  }
0xc4: {  	_ =	swait.ge [sflag:s23], $0x80  }
0xc5: {  	[sflag:s23] =	ssyncset.done $0x0  }
0xc6: {  	[sflag:s23] =	ssyncadd.s32 $0xFFFFFF80  }
0xc7: {  	_ =	swait.ge [sflag:s17], $0x800  }
0xc8: {  	[sflag:s17] =	ssyncset.done $0x0  }
0xc9: {  	[sflag:s17] =	ssyncadd.s32 $0xFFFFF800  }
0xca: {  	_ =	swait.ge [sflag:s23], $0x80  }
0xcb: {  	[sflag:s23] =	ssyncset.done $0x0  }
0xcc: {  	[sflag:s23] =	ssyncadd.s32 $0xFFFFFF80  }
0xcd: {  	_ =	swait.ge [sflag:s17], $0x800  }
0xce: {  	[sflag:s17] =	ssyncset.done $0x0  }
0xcf: {  	[sflag:s17] =	ssyncadd.s32 $0xFFFFF800  }
0xd0: {  	_ =	swait.ge [sflag:s23], $0x80  }
0xd1: {  	[sflag:s23] =	ssyncset.done $0x0  }
0xd2: {  	[sflag:s23] =	ssyncadd.s32 $0xFFFFFF80  }
0xd3: {  	_ =	swait.ge [sflag:s17], $0x800  }
0xd4: {  	[sflag:s17] =	ssyncset.done $0x0  }
0xd5: {  	[sflag:s17] =	ssyncadd.s32 $0xFFFFF800  }
0xd6: {  	_ =	swait.ge [sflag:s23], $0x80  }
0xd7: {  	[sflag:s23] =	ssyncset.done $0x0  }
0xd8: {  	[sflag:s23] =	ssyncadd.s32 $0xFFFFFF80  }
0xd9: {  	_ =	swait.ge [sflag:s17], $0x800  }
0xda: {  	[sflag:s17] =	ssyncset.done $0x0  }
0xdb: {  	[sflag:s17] =	ssyncadd.s32 $0xFFFFF800  }
0xdc: {  	_ =	swait.ge [sflag:s23], $0x80  }
0xdd: {  	[sflag:s23] =	ssyncset.done $0x0  }
0xde: {  	[sflag:s23] =	ssyncadd.s32 $0xFFFFFF80  }
0xdf: {  	_ =	swait.ge [sflag:s17], $0x800  }
0xe0: {  	[sflag:s17] =	ssyncset.done $0x0  }
0xe1: {  	[sflag:s17] =	ssyncadd.s32 $0xFFFFF800  }
0xe2: {  	_ =	swait.ge [sflag:s23], $0x80  }
0xe3: {  	[sflag:s23] =	ssyncset.done $0x0  }
0xe4: {  	s3 =	simm.s32 $0xA14;
	[sflag:s23] =	ssyncadd.s32 $0xFFFFFF80  }
.LBB2_3:
0xe5: {  	v0 =	vld [tilespmem:s3+$0xFFFFFFEC];
	_ =	sdelay $0x1  }
0xe6: {  	v1 =	vld [tilespmem:s3+$0xFFFFFFF0];
	s5 =	sshra.s32 s4, $0x2  }
0xe7: {  	v2 =	vld [tilespmem:s5+$0x1400]  }
0xe8: {  	v3 =	vld [tilespmem:s5+$0x1C00]  }
0xe9: {  	v4 =	vld [tilespmem:s5+$0x2400];
	v7 =	vbroadcast v0, $0x0;
	v8 =	vbroadcast v0, $0x1  }
0xea: {  	v5 =	vld [tilespmem:s5+$0x2C00];
	v10 =	vbroadcast v0, $0x2;
	v11 =	vbroadcast v0, $0x3  }
0xeb: {  	v6 =	vld [tilespmem:s5+$0x3400];
	v36 =	vbroadcast v0, $0x4;
	v37 =	vbroadcast v0, $0x5  }
0xec: {  	v9 =	vld [tilespmem:s5+$0x3C00];
	v14 =	vbroadcast v0, $0x6;
	v15 =	vbroadcast v0, $0x7  }
0xed: {  	v12 =	vld [tilespmem:s5+$0x4400];
	v41 =	vbroadcast v0, $0x8;
	v42 =	vbroadcast v0, $0x9  }
0xee: {  	v34 =	vld [tilespmem:s5+$0x4C00];
	v44 =	vbroadcast v0, $0xA;
	v17 =	vbroadcast v0, $0xB  }
0xef: {  	v13 =	vld [tilespmem:s5+$0x5C00];
	v50 =	vbroadcast v0, $0xC;
	v51 =	vbroadcast v0, $0xD  }
0xf0: {  	v16 =	vld [tilespmem:s5+$0x6400];
	v53 =	vbroadcast v0, $0xE;
	v0 =	vbroadcast v0, $0xF  }
0xf1: {  	v38 =	vld [tilespmem:s5+$0x6C00];
	v57 =	vbroadcast v1, $0xC;
	v58 =	vbroadcast v1, $0xD  }
0xf2: {  	v43 =	vld [tilespmem:s5+$0x7C00];
	v59 =	vbroadcast v1, $0xE;
	v1 =	vbroadcast v1, $0xF  }
0xf3: {  	v18 =	vld [tilespmem:s5+$0x8400];
	v2 =	vmul.f32 v2, v7;
	v3 =	vmul.f32 v3, v8  }
0xf4: {  	v46 =	vld [tilespmem:s5+$0x8C00];
	v4 =	vmul.f32 v4, v10;
	v5 =	vmul.f32 v5, v11  }
0xf5: {  	v35 =	vld [tilespmem:s5+$0x5400];
	v6 =	vmul.f32 v6, v36;
	v9 =	vmul.f32 v9, v37  }
0xf6: {  	v52 =	vld [tilespmem:s5+$0x9C00];
	v39 =	vmul.f32 v12, v14;
	v7 =	vmul.f32 v34, v15  }
0xf7: {  	v40 =	vld [tilespmem:s5+$0x7400];
	v45 =	vmul.f32 v13, v42;
	v47 =	vmul.f32 v16, v44  }
0xf8: {  	v54 =	vld [tilespmem:s5+$0xA400];
	v48 =	vmul.f32 v38, v17;
	v55 =	vmul.f32 v43, v51  }
0xf9: {  	v49 =	vld [tilespmem:s5+$0x9400];
	v8 =	vmul.f32 v18, v53;
	v0 =	vmul.f32 v46, v0  }
0xfa: {  	v56 =	vld [tilespmem:s5+$0xAC00];
	v2 =	vadd.f32 v6, v2;
	v3 =	vadd.f32 v9, v3;
	v6 =	vmul.f32 v35, v41  }
0xfb: {  	v60 =	vmul.f32 v52, v58;
	v4 =	vadd.f32 v39, v4;
	v5 =	vadd.f32 v7, v5  }
0xfc: {  	v2 =	vadd.f32 v6, v2;
	v3 =	vadd.f32 v45, v3;
	v6 =	vmul.f32 v40, v50  }
0xfd: {  	v61 =	vmul.f32 v54, v59;
	v4 =	vadd.f32 v47, v4;
	v5 =	vadd.f32 v48, v5  }
0xfe: {  	v2 =	vadd.f32 v6, v2;
	v3 =	vadd.f32 v55, v3;
	v6 =	vmul.f32 v49, v57  }
0xff: {  	v1 =	vmul.f32 v56, v1;
	v4 =	vadd.f32 v8, v4;
	v0 =	vadd.f32 v0, v5  }
0x100: {  	v2 =	vadd.f32 v6, v2;
	v3 =	vadd.f32 v60, v3  }
0x101: {  	v4 =	vadd.f32 v61, v4;
	v0 =	vadd.f32 v1, v0;
	_ =	sdelay $0x1  }
0x102: {  	v62 =	vadd.f32 v3, v2;
	v0 =	vadd.f32 v0, v4;
	_ =	sdelay $0x1  }
0x103: {  	v0 =	vadd.f32 v0, v62;
	_ =	sdelay $0x1  }
0x104: {  	[tilespmem:s5+$0xBE00] =	vst v0  }
0x105: {  	v0 =	vld [tilespmem:s3+$0x0];
	_ =	sdelay $0x1  }
0x106: {  	v19 =	vld [tilespmem:s5+$0x1C10]  }
0x107: {  	v20 =	vld [tilespmem:s5+$0x2410]  }
0x108: {  	v21 =	vld [tilespmem:s5+$0x2C10]  }
0x109: {  	v22 =	vld [tilespmem:s5+$0x3410];
	v23 =	vbroadcast v0, $0x0;
	v24 =	vbroadcast v0, $0x1  }
0x10a: {  	v25 =	vld [tilespmem:s5+$0x3C10];
	v26 =	vbroadcast v0, $0x2;
	v27 =	vbroadcast v0, $0x3  }
0x10b: {  	v28 =	vld [tilespmem:s5+$0x4410];
	v31 =	vbroadcast v0, $0x4;
	v32 =	vbroadcast v0, $0x5  }
0x10c: {  	v63 =	vld [tilespmem:s3+$0x4];
	v34 =	vbroadcast v0, $0x6;
	v35 =	vbroadcast v0, $0x7  }
0x10d: {  	v29 =	vld [tilespmem:s5+$0x4C10];
	v40 =	vbroadcast v0, $0x8;
	v41 =	vbroadcast v0, $0x9  }
0x10e: {  	v18 =	vld [tilespmem:s5+$0x1410];
	v43 =	vbroadcast v0, $0xA;
	v44 =	vbroadcast v0, $0xB  }
0x10f: {  	v33 =	vld [tilespmem:s5+$0x5C10];
	v51 =	vbroadcast v0, $0xC;
	v52 =	vbroadcast v0, $0xD  }
0x110: {  	v36 =	vld [tilespmem:s5+$0x6410];
	v54 =	vbroadcast v0, $0xE;
	v0 =	vbroadcast v0, $0xF  }
0x111: {  	v37 =	vld [tilespmem:s5+$0x6C10];
	v58 =	vbroadcast v63, $0xC;
	v59 =	vbroadcast v63, $0xD  }
0x112: {  	v42 =	vld [tilespmem:s5+$0x7C10];
	v60 =	vbroadcast v63, $0xE;
	v1 =	vbroadcast v63, $0xF  }
0x113: {  	v45 =	vld [tilespmem:s5+$0x8410];
	v2 =	vmul.f32 v18, v23;
	v3 =	vmul.f32 v19, v24  }
0x114: {  	v47 =	vld [tilespmem:s5+$0x8C10];
	v4 =	vmul.f32 v20, v26;
	v5 =	vmul.f32 v21, v27  }
0x115: {  	v30 =	vld [tilespmem:s5+$0x5410];
	v6 =	vmul.f32 v22, v31;
	v9 =	vmul.f32 v25, v32  }
0x116: {  	v53 =	vld [tilespmem:s5+$0x9C10];
	v38 =	vmul.f32 v28, v34;
	v7 =	vmul.f32 v29, v35  }
0x117: {  	v39 =	vld [tilespmem:s5+$0x7410];
	v46 =	vmul.f32 v33, v41;
	v48 =	vmul.f32 v36, v43  }
0x118: {  	v55 =	vld [tilespmem:s5+$0xA410];
	v49 =	vmul.f32 v37, v44;
	v56 =	vmul.f32 v42, v52  }
0x119: {  	v50 =	vld [tilespmem:s5+$0x9410];
	v8 =	vmul.f32 v45, v54;
	v0 =	vmul.f32 v47, v0  }
0x11a: {  	v57 =	vld [tilespmem:s5+$0xAC10];
	v2 =	vadd.f32 v6, v2;
	v3 =	vadd.f32 v9, v3;
	v6 =	vmul.f32 v30, v40  }
0x11b: {  	v61 =	vmul.f32 v53, v59;
	v4 =	vadd.f32 v38, v4;
	v5 =	vadd.f32 v7, v5  }
0x11c: {  	v2 =	vadd.f32 v6, v2;
	v3 =	vadd.f32 v46, v3;
	v6 =	vmul.f32 v39, v51  }
0x11d: {  	v62 =	vmul.f32 v55, v60;
	v4 =	vadd.f32 v48, v4;
	v5 =	vadd.f32 v49, v5  }
0x11e: {  	v2 =	vadd.f32 v6, v2;
	v3 =	vadd.f32 v56, v3;
	v6 =	vmul.f32 v50, v58  }
0x11f: {  	v1 =	vmul.f32 v57, v1;
	v4 =	vadd.f32 v8, v4;
	v0 =	vadd.f32 v0, v5  }
0x120: {  	v2 =	vadd.f32 v6, v2;
	v3 =	vadd.f32 v61, v3  }
0x121: {  	v4 =	vadd.f32 v62, v4;
	v0 =	vadd.f32 v1, v0  }
0x122: {  	p0 =	sne.s32 s4, $0x1F80  }
.Ltmp0:
0x123: {  	v63 =	vadd.f32 v3, v2;
	v0 =	vadd.f32 v0, v4;
	(pc) =	sbr.rel @p0 .LBB2_3-.Ltmp0, $3  }
0x124: {  	_ = 	snop  }
0x125: {  	v0 =	vadd.f32 v0, v63;
	_ =	sdelay $0x1  }
0x126: {  	s4 =	sadd.s32 $0x80, s4;
	s3 =	sadd.s32 $0x28, s3;
	[tilespmem:s5+$0xBE10] =	vst v0  }
0x127: {  	s4 =	simm.s32 $0x0  }
0x128: {  	v0 =	vld [tilespmem:s4+$0xB400]  }
0x129: {  	v1 =	vld [tilespmem:s4+$0xB480];
	_ =	sdelay $0x1  }
0x12a: {  	v2 =	vld [tilespmem:s4+$0xB500];
	_ =	sdelay $0x1  }
0x12b: {  	v3 =	vld [tilespmem:s4+$0xB580]  }
0x12c: {  	v0 =	vadd.f32 v1, v0  }
0x12d: {  	v1 =	vld [tilespmem:s4+$0xB600]  }
0x12e: {  	v0 =	vadd.f32 v2, v0  }
0x12f: {  	v2 =	vld [tilespmem:s4+$0xB680]  }
0x130: {  	v0 =	vadd.f32 v3, v0  }
0x131: {  	v3 =	vld [tilespmem:s4+$0xB700]  }
0x132: {  	v0 =	vadd.f32 v1, v0  }
0x133: {  	v1 =	vld [tilespmem:s4+$0xB780]  }
0x134: {  	v0 =	vadd.f32 v2, v0  }
0x135: {  	v2 =	vld [tilespmem:s4+$0xB800]  }
0x136: {  	v0 =	vadd.f32 v3, v0  }
0x137: {  	v3 =	vld [tilespmem:s4+$0xB880]  }
0x138: {  	s3 =	simm.s32 $0x10;
	v4 =	vld [tilespmem:s4+$0xB900];
	v0 =	vadd.f32 v1, v0  }
0x139: {  	v5 =	vld [tilespmem:s3+$0xB400]  }
0x13a: {  	v1 =	vld [tilespmem:s4+$0xB980];
	v0 =	vadd.f32 v2, v0  }
0x13b: {  	v2 =	vld [tilespmem:s3+$0xB480]  }
0x13c: {  	v6 =	vld [tilespmem:s3+$0xB500];
	v0 =	vadd.f32 v3, v0  }
0x13d: {  	v3 =	vld [tilespmem:s4+$0xBA00]  }
0x13e: {  	v7 =	vld [tilespmem:s3+$0xB580];
	v0 =	vadd.f32 v4, v0  }
0x13f: {  	v4 =	vld [tilespmem:s4+$0xBA80]  }
0x140: {  	v2 =	vadd.f32 v2, v5;
	v5 =	vld [tilespmem:s3+$0xB600];
	v0 =	vadd.f32 v1, v0  }
0x141: {  	v1 =	vld [tilespmem:s4+$0xBB00]  }
0x142: {  	v2 =	vadd.f32 v6, v2;
	v6 =	vld [tilespmem:s3+$0xB680];
	v0 =	vadd.f32 v3, v0  }
0x143: {  	v3 =	vld [tilespmem:s4+$0xBB80]  }
0x144: {  	v2 =	vadd.f32 v7, v2;
	v7 =	vld [tilespmem:s3+$0xB700];
	v0 =	vadd.f32 v4, v0  }
0x145: {  	v4 =	vld [tilespmem:s4+$0xBC00]  }
0x146: {  	v2 =	vadd.f32 v5, v2;
	v5 =	vld [tilespmem:s3+$0xB780];
	v0 =	vadd.f32 v1, v0  }
0x147: {  	v1 =	vld [tilespmem:s4+$0xBC80]  }
0x148: {  	v8 =	vld [tilespmem:s3+$0xB800];
	v2 =	vadd.f32 v6, v2;
	v0 =	vadd.f32 v3, v0  }
0x149: {  	v6 =	vld [tilespmem:s4+$0xBD00]  }
0x14a: {  	v3 =	vld [tilespmem:s3+$0xB880];
	v7 =	vadd.f32 v7, v2;
	v4 =	vadd.f32 v4, v0  }
0x14b: {  	v2 =	vld [tilespmem:s4+$0xBD80]  }
0x14c: {  	v0 =	vld [tilespmem:s3+$0xB980];
	v5 =	vadd.f32 v5, v7;
	v7 =	vadd.f32 v1, v4  }
0x14d: {  	s5 =	simm.s32 $0x20;
	v4 =	vld [tilespmem:s3+$0xB900]  }
0x14e: {  	s6 =	simm.s32 $0xC0;
	v1 =	vld [tilespmem:s5+$0xB400];
	v5 =	vadd.f32 v8, v5;
	v6 =	vadd.f32 v6, v7  }
.LBB2_5:
0x14f: {  	p0 =	sne.s32 s6, $0x1C0;
	v7 =	vld [tilespmem:s5+$0xB480]  }
0x150: {  	v3 =	vadd.f32 v3, v5;
	v5 =	vld [tilespmem:s3+$0xBA00];
	v2 =	vadd.f32 v2, v6  }
0x151: {  	v6 =	vld [tilespmem:s5+$0xB500]  }
0x152: {  	v3 =	vadd.f32 v4, v3;
	v4 =	vld [tilespmem:s3+$0xBA80];
	[tilespmem:s4+$0xC600] =	vst v2;
	s4 =	smov.u32 s3;
	s3 =	smov.u32 s5  }
0x153: {  	v2 =	vld [tilespmem:s3+$0xB580]  }
0x154: {  	v1 =	vadd.f32 v7, v1;
	v0 =	vadd.f32 v0, v3;
	v3 =	vld [tilespmem:s4+$0xBB00]  }
0x155: {  	v7 =	vld [tilespmem:s3+$0xB600]  }
0x156: {  	v1 =	vadd.f32 v6, v1;
	v0 =	vadd.f32 v5, v0;
	v5 =	vld [tilespmem:s4+$0xBB80]  }
0x157: {  	v6 =	vld [tilespmem:s3+$0xB680]  }
0x158: {  	v1 =	vadd.f32 v2, v1;
	v0 =	vadd.f32 v4, v0;
	v2 =	vld [tilespmem:s4+$0xBC00]  }
0x159: {  	v4 =	vld [tilespmem:s3+$0xB700]  }
0x15a: {  	v1 =	vadd.f32 v7, v1;
	v0 =	vadd.f32 v3, v0;
	v7 =	vld [tilespmem:s4+$0xBC80]  }
0x15b: {  	v8 =	vld [tilespmem:s3+$0xB780]  }
0x15c: {  	v1 =	vadd.f32 v6, v1;
	v0 =	vadd.f32 v5, v0;
	v6 =	vld [tilespmem:s4+$0xBD00]  }
0x15d: {  	v5 =	vld [tilespmem:s3+$0xB800]  }
.Ltmp1:
0x15e: {  	v1 =	vadd.f32 v4, v1;
	v4 =	vadd.f32 v2, v0;
	v2 =	vld [tilespmem:s4+$0xBD80];
	(pc) =	sbr.rel @p0 .LBB2_5-.Ltmp1, $4  }
0x15f: {  	v3 =	vld [tilespmem:s3+$0xB880]  }
0x160: {  	v8 =	vadd.f32 v8, v1;
	v0 =	vld [tilespmem:s3+$0xB980];
	v7 =	vadd.f32 v7, v4  }
0x161: {  	s5 =	sshra.s32 s6, $0x2;
	v4 =	vld [tilespmem:s3+$0xB900]  }
0x162: {  	s6 =	sadd.s32 $0x40, s6;
	v1 =	vld [tilespmem:s5+$0xB400];
	v5 =	vadd.f32 v5, v8;
	v6 =	vadd.f32 v6, v7  }
0x163: {  	v7 =	vld [tilespmem:s5+$0xB480]  }
0x164: {  	v8 =	vld [tilespmem:s3+$0xBA00];
	v2 =	vadd.f32 v2, v6  }
0x165: {  	v40 =	vld [tilespmem:s5+$0xB500]  }
0x166: {  	v9 =	vld [tilespmem:s3+$0xBA80];
	v3 =	vadd.f32 v3, v5;
	[tilespmem:s4+$0xC600] =	vst v2  }
0x167: {  	v2 =	vld [tilespmem:s5+$0xB580]  }
0x168: {  	v3 =	vadd.f32 v4, v3;
	v1 =	vadd.f32 v7, v1  }
0x169: {  	v41 =	vld [tilespmem:s5+$0xB600]  }
0x16a: {  	v42 =	vld [tilespmem:s3+$0xBB00];
	v0 =	vadd.f32 v0, v3;
	v1 =	vadd.f32 v40, v1  }
0x16b: {  	v43 =	vld [tilespmem:s5+$0xB680]  }
0x16c: {  	v44 =	vld [tilespmem:s3+$0xBB80];
	v0 =	vadd.f32 v8, v0;
	v1 =	vadd.f32 v2, v1  }
0x16d: {  	v45 =	vld [tilespmem:s5+$0xB700]  }
0x16e: {  	v46 =	vld [tilespmem:s3+$0xBC00];
	v0 =	vadd.f32 v9, v0;
	v1 =	vadd.f32 v41, v1  }
0x16f: {  	v47 =	vld [tilespmem:s5+$0xB780]  }
0x170: {  	v48 =	vld [tilespmem:s3+$0xBC80];
	v0 =	vadd.f32 v42, v0;
	v1 =	vadd.f32 v43, v1  }
0x171: {  	v49 =	vld [tilespmem:s5+$0xB800]  }
0x172: {  	v50 =	vld [tilespmem:s3+$0xBD00];
	v0 =	vadd.f32 v44, v0;
	v1 =	vadd.f32 v45, v1  }
0x173: {  	v51 =	vld [tilespmem:s5+$0xB880]  }
0x174: {  	v52 =	vld [tilespmem:s3+$0xBD80];
	v0 =	vadd.f32 v46, v0;
	v1 =	vadd.f32 v47, v1  }
0x175: {  	v53 =	vld [tilespmem:s5+$0xB900]  }
0x176: {  	v0 =	vadd.f32 v48, v0;
	v1 =	vadd.f32 v49, v1  }
0x177: {  	v54 =	vld [tilespmem:s5+$0xB980]  }
0x178: {  	v0 =	vadd.f32 v50, v0;
	v1 =	vadd.f32 v51, v1  }
0x179: {  	v55 =	vld [tilespmem:s5+$0xBA00]  }
0x17a: {  	v0 =	vadd.f32 v52, v0;
	v1 =	vadd.f32 v53, v1  }
0x17b: {  	v56 =	vld [tilespmem:s5+$0xBA80]  }
0x17c: {  	[tilespmem:s3+$0xC600] =	vst v0;
	v57 =	vadd.f32 v54, v1  }
0x17d: {  	v58 =	vld [tilespmem:s5+$0xBB00]  }
0x17e: {  	v0 =	vadd.f32 v55, v57  }
0x17f: {  	v59 =	vld [tilespmem:s5+$0xBB80]  }
0x180: {  	v0 =	vadd.f32 v56, v0  }
0x181: {  	v60 =	vld [tilespmem:s5+$0xBC00]  }
0x182: {  	v0 =	vadd.f32 v58, v0  }
0x183: {  	v61 =	vld [tilespmem:s5+$0xBC80]  }
0x184: {  	v0 =	vadd.f32 v59, v0  }
0x185: {  	v62 =	vld [tilespmem:s5+$0xBD00]  }
0x186: {  	v0 =	vadd.f32 v60, v0  }
0x187: {  	v63 =	vld [tilespmem:s5+$0xBD80]  }
0x188: {  	v0 =	vadd.f32 v61, v0;
	_ =	sdelay $0x1  }
0x189: {  	v0 =	vadd.f32 v62, v0;
	_ =	sdelay $0x1  }
0x18a: {  	v0 =	vadd.f32 v63, v0;
	_ =	sdelay $0x1  }
0x18b: {  	s4 =	sshll.u32 s26, $0x1;
	[tilespmem:s5+$0xC600] =	vst v0;
	s5 =	rddreg [dreg:$0x1]  }
0x18c: {  	s6 =	simm.s32 $0xBE00;
	s3 =	sadd.s32 s5, s4;
	s5 =	simm.s32 $0x0  }
0x18d: {  	[hbm4b:s3+s5] =	stream.linear.scatter [tilespmem:s6], [sflag:$0x3], $0x800, $0x38;
	[tilespmem:$0xC680] =	vst v63  }
0x18e: {  	_ =	swait.ge [sflag:s11], $0x800  }
0x18f: {  	[sflag:s11] =	ssyncset.done $0x0  }
0x190: {  	s14 =	sadd.s32 $0x1, s14;
	[sflag:s11] =	ssyncadd.s32 $0xFFFFF800  }
0x191: {  	p0 =	sne.s32 s14, $0x1A;
	s4 =	sshrl.u32 s26, $0x3;
	s6 =	rddreg [dreg:$0x2]  }
.Ltmp2:
0x192: {  	s26 =	simm.s32 $0xC600;
	s3 =	sadd.s32 s6, s4;
	(pc) =	sbr.rel @p0 .LBB2_2-.Ltmp2, $4  }
0x193: {  	[hbm4b:s3+s5] =	stream.linear.scatter [tilespmem:s26], [sflag:$0x3], $0x80, $0x38;
	[tilespmem:$0xC680] =	vst v63  }
0x194: {  	_ =	swait.ge [sflag:s11], $0x80  }
0x195: {  	[sflag:s11] =	ssyncset.done $0x0  }
0x196: {  	[sflag:s11] =	ssyncadd.s32 $0xFFFFFF80  }
0x197: {  	s4 =	rddreg [dreg:$0x7]  }
0x198: {  	s3 =	rddreg [dreg:$0x6];
	s4 =	sadd.s32 $0x1, s4  }
0x199: {  	p0 =	sne.s32 s4, s3  }
.Ltmp3:
0x19a: {  	_ = 	snop;
	(pc) =	sbr.rel @p0 .LBB2_1-.Ltmp3, $1  }
0x19b: {  	_ =	sdelay $0x3  }
0x19c: {  	_ =	sfence.sel $0x180000  }
0x19d: {  	[bflag:$0x0] =	sbarrier.arrive $0xFFFF  }
0x19e: {  	_ =	strace $0x90000047  }
0x19f: {  	s0 =	stileid.u32;
	[bflag:$0x2] =	sbarrier.arrive $0xFFFF  }
0x1a0: {  	p0 =	sne.s32 s0, $0x0;
	s0 =	rddreg [dreg:$0x3]  }
0x1a1: {  	s0 =	sadd.s32 @!p0 $0x100000, s0  }
0x1a2: {  	[sflag:s0] =	ssyncadd.tile.s32 @!p0 $0x1;
	_ =	shalt  }
.Lfunc_end2:
_tile_overlayer_lowered:
.L_overlay_start_2:
0x1a3: {  	(tag) =	ssettag $0x2  }
0x1a4: {  	s0 =	rddreg [dreg:$0x0];
	s2 =	stileid.u32  }
0x1a5: {  	s1 =	rddreg [dreg:$0x1];
	p0 =	sne.s32 s2, $0x0  }
0x1a6: {  	s3 =	rddreg [dreg:$0x2];
	[bflag:$0x3] =	sbarrier.arrive $0xFFFF;
	s2 =	simm.s32 @!p0 $0x1C03  }
0x1a7: {  	[timem:s3], [sflag:s2] =	dma.local @!p0 [hbm:s0], s1  }
0x1a8: {  	s0 =	simm.s32 @!p0 $0x3  }
0x1a9: {  	_ =	swait.ge @!p0 [sflag:s0], s1  }
0x1aa: {  	s1 =	ssub.s32 @!p0 $0x0, s1;
	[sflag:s0] =	ssyncset.done @!p0 $0x0  }
0x1ab: {  	[sflag:s0] =	ssyncadd.s32 @!p0 s1  }
0x1ac: {  	[bflag:$0x3] =	sbarrier.arrive $0xFFFF  }
0x1ad: {  	_ =	shalt  }

</sc_bundles>
